<compile_context>
chip_gen: v7x
topology: tpu7x:2x2x1
jax: 0.10.2.dev20260603
libtpu: 0.0.44.dev20260713+nightly
codegen_flags: <defaults>
</compile_context>

<pallas_src>
import functools
import math

import jax
import jax.numpy as jnp
from jax import lax
from jax.experimental import pallas as pl
from jax.experimental.pallas import tpu as pltpu
from jax.experimental.pallas import tpu_sc as plsc

B, L, D, V = 16384, 200, 32, 100000
N = B * L
NUM_WORKERS = 32
UNIT = 128
NU = N // UNIT
UPT = NU // NUM_WORKERS
NB = B // UNIT
TD = D // 8
SCALE = math.sqrt(float(D))


_SCALE_GRID = 20
_SCALE_ROWS = V // _SCALE_GRID


def _prescale_body(t_ref, o_ref):
    o_ref[...] = t_ref[...] * SCALE

    @pl.when(pl.program_id(0) == 0)
    def _zero_pad_row():
        o_ref[0:1, :] = jnp.zeros((1, D), jnp.float32)


_prescale = pl.pallas_call(
    _prescale_body,
    grid=(_SCALE_GRID,),
    in_specs=[pl.BlockSpec((_SCALE_ROWS, D), lambda i: (i, 0))],
    out_specs=pl.BlockSpec((_SCALE_ROWS, D), lambda i: (i, 0)),
    out_shape=jax.ShapeDtypeStruct((V, D), jnp.float32),
)


_mesh = plsc.VectorSubcoreMesh(core_axis_name="c", subcore_axis_name="s")


@functools.partial(
    pl.kernel,
    mesh=_mesh,
    compiler_params=pltpu.CompilerParams(use_tc_tiling_on_sc=False,
                                         needs_layout_passes=False),
    out_type=jax.ShapeDtypeStruct((L, TD, NB, 8, UNIT), jnp.float32),
    scratch_types=[
        pltpu.VMEM((4, UNIT), jnp.int32),
        pltpu.VMEM((4, UNIT, D), jnp.float32),
        pltpu.VMEM((4, D, UNIT + 1), jnp.float32),
        pltpu.SemaphoreType.DMA,
        pltpu.SemaphoreType.DMA,
        pltpu.SemaphoreType.DMA,
        pltpu.SemaphoreType.DMA,
        pltpu.SemaphoreType.DMA,
        pltpu.SemaphoreType.DMA,
        pltpu.SemaphoreType.DMA,
        pltpu.SemaphoreType.DMA,
        pltpu.SemaphoreType.DMA,
        pltpu.SemaphoreType.DMA,
        pltpu.SemaphoreType.DMA,
        pltpu.SemaphoreType.DMA,
    ],
)
def _gather(tbl_hbm, idx_hbm, out_hbm, idx_v, rows_v, tbuf,
            si0, si1, si2, si3, sg0, sg1, sg2, sg3, so0, so1, so2, so3):
    sem_i = (si0, si1, si2, si3)
    sem_g = (sg0, sg1, sg2, sg3)
    sem_o = (so0, so1, so2, so3)
    wid = lax.axis_index("s") * 2 + lax.axis_index("c")
    u0 = wid * UPT

    row16 = lax.iota(jnp.int32, 16)

    def start_idx(u, b):
        pltpu.async_copy(idx_hbm.at[pl.ds((u0 + u) * UNIT, UNIT)],
                         idx_v.at[b], sem_i[b])

    def wait_idx(u, b):
        pltpu.make_async_copy(idx_hbm.at[pl.ds(u0 * UNIT, UNIT)],
                              idx_v.at[b], sem_i[b]).wait()

    def start_gather(b):
        pltpu.async_copy(tbl_hbm.at[idx_v.at[b]], rows_v.at[b], sem_g[b])

    def wait_gather(b):
        pltpu.make_async_copy(tbl_hbm.at[idx_v.at[b]], rows_v.at[b],
                              sem_g[b]).wait()

    def start_out(u, b):
        ug = u0 + u
        l = ug // NB
        blk = lax.rem(ug, NB)
        for td in range(TD):
            pltpu.async_copy(tbuf.at[b, pl.ds(8 * td, 8), pl.ds(0, UNIT)],
                             out_hbm.at[l, td, blk], sem_o[b])

    def wait_out(b):
        for td in range(TD):
            pltpu.make_async_copy(tbuf.at[b, pl.ds(8 * td, 8), pl.ds(0, UNIT)],
                                  out_hbm.at[0, 0, 0], sem_o[b]).wait()

    for b in range(4):
        start_idx(b, b)
    for b in range(2):
        wait_idx(b, b)
        start_gather(b)

    def body(i, carry):
        for b in range(4):
            u = 4 * i + b
            wait_gather(b)

            @pl.when(u + 4 < UPT)
            def _prefetch_idx():
                start_idx(u + 4, b)

            b2 = (b + 2) % 4

            @pl.when(jnp.logical_and(u >= 2, u + 2 < UPT))
            def _reclaim_rows():
                wait_out(b2)

            @pl.when(u + 2 < UPT)
            def _next_gather():
                wait_idx(u + 2, b2)
                start_gather(b2)

            def jloop(jj, c):
                for r in range(4):
                    j = 4 * jj + r
                    colj = jnp.full((16,), j, jnp.int32)
                    for f in range(2):
                        vec = rows_v[b, j, pl.ds(16 * f, 16)]
                        plsc.store_scatter(tbuf.at[b],
                                           [row16 + (16 * f), colj], vec)
                return c

            lax.fori_loop(0, UNIT // 4, jloop, 0)

            start_out(u, b)
        return carry

    lax.fori_loop(0, UPT // 4, body, 0)

    for b in range(4):
        wait_out(b)


def kernel(inputs, table):
    idx = jnp.transpose(inputs).reshape(-1).astype(jnp.int32)
    tbl2 = _prescale(table)
    a5 = _gather(tbl2, idx)
    return a5.transpose(2, 4, 0, 1, 3).reshape(B, L, D)

# --- scband reference (transcript-rebuilt; emitter-appended) ---
"""Pipeline reference for scband-roulette-embedding-72249939853483 (READ-ONLY COPY).

The authoritative reference and input builder live on the scoring server;
editing this copy changes nothing except your own understanding.
"""

import jax, jax.numpy as jnp
import numpy as np

PAD_VALUE = 0
EMBED_DIM = 32
VOCAB = 100000

def setup_inputs(seed: int = 0) -> dict:
    key = jax.random.key(seed)
    k1, k2 = jax.random.split(key)
    inputs = jax.random.randint(k1, (16384, 200), 0, VOCAB, dtype=jnp.int64 if jax.config.jax_enable_x64 else jnp.int32)
    table = jax.random.normal(k2, (VOCAB, EMBED_DIM), dtype=jnp.float32) * 0.05
    return {"inputs": inputs, "table": table}

def reference(inputs, table):
    # Embedding lookup
    embedded = jnp.take(table, inputs, axis=0)  # [B, L, D]
    # Scale by sqrt(embedding_dims)
    embedded = embedded * jnp.sqrt(jnp.asarray(EMBED_DIM, dtype=jnp.float32))
    # Mask padding positions (PAD_VALUE = 0)
    mask = jnp.not_equal(inputs, PAD_VALUE)
    mask = jnp.expand_dims(mask.astype(jnp.float32), axis=-1)
    embedded = embedded * mask
    return embedded

if __name__ == "__main__":
    import jax
    _d = setup_inputs()
    print(jax.jit(kernel)(*tuple(_d.values())))

</pallas_src>

<mosaic_0001>
#map = affine_map<(d0, d1) -> (0, 0)>
#map1 = affine_map<(d0, d1) -> (0)>
#map2 = affine_map<(d0, d1) -> (0, 0, 0, 0, 0)>
module attributes {stable_mosaic.version = 14 : i64} {
  func.func @_gather(%arg0: i32, %arg1: i32, %arg2: memref<100000x32xf32, #tpu.memory_space<hbm>>, %arg3: memref<3276800xi32, #tpu.memory_space<hbm>>, %arg4: memref<200x4x128x8x128xf32, #tpu.memory_space<hbm>>, %arg5: memref<4x128xi32, #tpu.memory_space<vmem>>, %arg6: memref<4x128x32xf32, #tpu.memory_space<vmem>>, %arg7: memref<4x32x129xf32, #tpu.memory_space<vmem>>, %arg8: memref<!tpu.dma_semaphore, #tpu.memory_space<semaphore_mem>>, %arg9: memref<!tpu.dma_semaphore, #tpu.memory_space<semaphore_mem>>, %arg10: memref<!tpu.dma_semaphore, #tpu.memory_space<semaphore_mem>>, %arg11: memref<!tpu.dma_semaphore, #tpu.memory_space<semaphore_mem>>, %arg12: memref<!tpu.dma_semaphore, #tpu.memory_space<semaphore_mem>>, %arg13: memref<!tpu.dma_semaphore, #tpu.memory_space<semaphore_mem>>, %arg14: memref<!tpu.dma_semaphore, #tpu.memory_space<semaphore_mem>>, %arg15: memref<!tpu.dma_semaphore, #tpu.memory_space<semaphore_mem>>, %arg16: memref<!tpu.dma_semaphore, #tpu.memory_space<semaphore_mem>>, %arg17: memref<!tpu.dma_semaphore, #tpu.memory_space<semaphore_mem>>, %arg18: memref<!tpu.dma_semaphore, #tpu.memory_space<semaphore_mem>>, %arg19: memref<!tpu.dma_semaphore, #tpu.memory_space<semaphore_mem>>) attributes {dimension_semantics = [#tpu.dimension_semantics<core_parallel>, #tpu.dimension_semantics<subcore_parallel>], iteration_bounds = array<i64: 2, 16>, scalar_prefetch = 0 : i64, scratch_operands = 15 : i64, tpu.core_type = #tpu.core_type<sc_vector_subcore>, window_params = [{transform_indices = #map}, {transform_indices = #map1}, {transform_indices = #map2}]} {
    %mul3A = arith.constant 2 : i32
    %mul3A_0 = arith.muli %arg1, %mul3A : i32
    %add3A = arith.addi %mul3A_0, %arg0 : i32
    %mul3A_1 = arith.constant 800 : i32
    %mul3A_2 = arith.muli %add3A, %mul3A_1 : i32
    %iota3A = tpu.iota {dimensions = array<i32: 0>} : vector<16xi32>
    %add3A_3 = arith.constant 0 : i32
    %add3A_4 = arith.addi %mul3A_2, %add3A_3 : i32
    %mul3A_5 = arith.constant 128 : i32
    %mul3A_6 = arith.muli %add3A_4, %mul3A_5 : i32
    %dma_start3A = arith.constant 0 : i32
    %dma_start3A_7 = arith.constant 0 : i32
    %dma_start3A_8 = tpu.memref_slice %arg5[%dma_start3A, %dma_start3A_7] : memref<4x128xi32, #tpu.memory_space<vmem>> -> memref<1x128xi32, #tpu.memory_space<vmem>>
    %dma_start3A_9 = tpu.memref_squeeze %dma_start3A_8 : memref<1x128xi32, #tpu.memory_space<vmem>> -> memref<128xi32, #tpu.memory_space<vmem>>
    %dma_start3A_10 = tpu.memref_slice %arg3[%mul3A_6] : memref<3276800xi32, #tpu.memory_space<hbm>> -> memref<128xi32, #tpu.memory_space<hbm>>
    %dma_start3A_11 = arith.constant 0 : i32
    %dma_start3A_12 = tpu.memref_slice %arg5[%dma_start3A, %dma_start3A_11] : memref<4x128xi32, #tpu.memory_space<vmem>> -> memref<1x128xi32, #tpu.memory_space<vmem>>
    %dma_start3A_13 = tpu.memref_squeeze %dma_start3A_12 : memref<1x128xi32, #tpu.memory_space<vmem>> -> memref<128xi32, #tpu.memory_space<vmem>>
    %dma_start3A_14 = tpu.memref_slice %arg3[%mul3A_6] : memref<3276800xi32, #tpu.memory_space<hbm>> -> memref<128xi32, #tpu.memory_space<hbm>>
    tpu.enqueue_dma source(%dma_start3A_14 : memref<128xi32, #tpu.memory_space<hbm>>) target(%dma_start3A_13 : memref<128xi32, #tpu.memory_space<vmem>>) target_semaphore(%arg8 : memref<!tpu.dma_semaphore, #tpu.memory_space<semaphore_mem>>)
    %add3A_15 = arith.constant 1 : i32
    %add3A_16 = arith.addi %mul3A_2, %add3A_15 : i32
    %mul3A_17 = arith.constant 128 : i32
    %mul3A_18 = arith.muli %add3A_16, %mul3A_17 : i32
    %dma_start3A_19 = arith.constant 1 : i32
    %dma_start3A_20 = arith.constant 0 : i32
    %dma_start3A_21 = tpu.memref_slice %arg5[%dma_start3A_19, %dma_start3A_20] : memref<4x128xi32, #tpu.memory_space<vmem>> -> memref<1x128xi32, #tpu.memory_space<vmem>>
    %dma_start3A_22 = tpu.memref_squeeze %dma_start3A_21 : memref<1x128xi32, #tpu.memory_space<vmem>> -> memref<128xi32, #tpu.memory_space<vmem>>
    %dma_start3A_23 = tpu.memref_slice %arg3[%mul3A_18] : memref<3276800xi32, #tpu.memory_space<hbm>> -> memref<128xi32, #tpu.memory_space<hbm>>
    %dma_start3A_24 = arith.constant 0 : i32
    %dma_start3A_25 = tpu.memref_slice %arg5[%dma_start3A_19, %dma_start3A_24] : memref<4x128xi32, #tpu.memory_space<vmem>> -> memref<1x128xi32, #tpu.memory_space<vmem>>
    %dma_start3A_26 = tpu.memref_squeeze %dma_start3A_25 : memref<1x128xi32, #tpu.memory_space<vmem>> -> memref<128xi32, #tpu.memory_space<vmem>>
    %dma_start3A_27 = tpu.memref_slice %arg3[%mul3A_18] : memref<3276800xi32, #tpu.memory_space<hbm>> -> memref<128xi32, #tpu.memory_space<hbm>>
    tpu.enqueue_dma source(%dma_start3A_27 : memref<128xi32, #tpu.memory_space<hbm>>) target(%dma_start3A_26 : memref<128xi32, #tpu.memory_space<vmem>>) target_semaphore(%arg9 : memref<!tpu.dma_semaphore, #tpu.memory_space<semaphore_mem>>)
    %add3A_28 = arith.constant 2 : i32
    %add3A_29 = arith.addi %mul3A_2, %add3A_28 : i32
    %mul3A_30 = arith.constant 128 : i32
    %mul3A_31 = arith.muli %add3A_29, %mul3A_30 : i32
    %dma_start3A_32 = arith.constant 2 : i32
    %dma_start3A_33 = arith.constant 0 : i32
    %dma_start3A_34 = tpu.memref_slice %arg5[%dma_start3A_32, %dma_start3A_33] : memref<4x128xi32, #tpu.memory_space<vmem>> -> memref<1x128xi32, #tpu.memory_space<vmem>>
    %dma_start3A_35 = tpu.memref_squeeze %dma_start3A_34 : memref<1x128xi32, #tpu.memory_space<vmem>> -> memref<128xi32, #tpu.memory_space<vmem>>
    %dma_start3A_36 = tpu.memref_slice %arg3[%mul3A_31] : memref<3276800xi32, #tpu.memory_space<hbm>> -> memref<128xi32, #tpu.memory_space<hbm>>
    %dma_start3A_37 = arith.constant 0 : i32
    %dma_start3A_38 = tpu.memref_slice %arg5[%dma_start3A_32, %dma_start3A_37] : memref<4x128xi32, #tpu.memory_space<vmem>> -> memref<1x128xi32, #tpu.memory_space<vmem>>
    %dma_start3A_39 = tpu.memref_squeeze %dma_start3A_38 : memref<1x128xi32, #tpu.memory_space<vmem>> -> memref<128xi32, #tpu.memory_space<vmem>>
    %dma_start3A_40 = tpu.memref_slice %arg3[%mul3A_31] : memref<3276800xi32, #tpu.memory_space<hbm>> -> memref<128xi32, #tpu.memory_space<hbm>>
    tpu.enqueue_dma source(%dma_start3A_40 : memref<128xi32, #tpu.memory_space<hbm>>) target(%dma_start3A_39 : memref<128xi32, #tpu.memory_space<vmem>>) target_semaphore(%arg10 : memref<!tpu.dma_semaphore, #tpu.memory_space<semaphore_mem>>)
    %add3A_41 = arith.constant 3 : i32
    %add3A_42 = arith.addi %mul3A_2, %add3A_41 : i32
    %mul3A_43 = arith.constant 128 : i32
    %mul3A_44 = arith.muli %add3A_42, %mul3A_43 : i32
    %dma_start3A_45 = arith.constant 3 : i32
    %dma_start3A_46 = arith.constant 0 : i32
    %dma_start3A_47 = tpu.memref_slice %arg5[%dma_start3A_45, %dma_start3A_46] : memref<4x128xi32, #tpu.memory_space<vmem>> -> memref<1x128xi32, #tpu.memory_space<vmem>>
    %dma_start3A_48 = tpu.memref_squeeze %dma_start3A_47 : memref<1x128xi32, #tpu.memory_space<vmem>> -> memref<128xi32, #tpu.memory_space<vmem>>
    %dma_start3A_49 = tpu.memref_slice %arg3[%mul3A_44] : memref<3276800xi32, #tpu.memory_space<hbm>> -> memref<128xi32, #tpu.memory_space<hbm>>
    %dma_start3A_50 = arith.constant 0 : i32
    %dma_start3A_51 = tpu.memref_slice %arg5[%dma_start3A_45, %dma_start3A_50] : memref<4x128xi32, #tpu.memory_space<vmem>> -> memref<1x128xi32, #tpu.memory_space<vmem>>
    %dma_start3A_52 = tpu.memref_squeeze %dma_start3A_51 : memref<1x128xi32, #tpu.memory_space<vmem>> -> memref<128xi32, #tpu.memory_space<vmem>>
    %dma_start3A_53 = tpu.memref_slice %arg3[%mul3A_44] : memref<3276800xi32, #tpu.memory_space<hbm>> -> memref<128xi32, #tpu.memory_space<hbm>>
    tpu.enqueue_dma source(%dma_start3A_53 : memref<128xi32, #tpu.memory_space<hbm>>) target(%dma_start3A_52 : memref<128xi32, #tpu.memory_space<vmem>>) target_semaphore(%arg11 : memref<!tpu.dma_semaphore, #tpu.memory_space<semaphore_mem>>)
    %mul3A_54 = arith.constant 128 : i32
    %mul3A_55 = arith.muli %mul3A_2, %mul3A_54 : i32
    %dma_wait3A = arith.constant 0 : i32
    %dma_wait3A_56 = arith.constant 0 : i32
    %dma_wait3A_57 = tpu.memref_slice %arg5[%dma_wait3A, %dma_wait3A_56] : memref<4x128xi32, #tpu.memory_space<vmem>> -> memref<1x128xi32, #tpu.memory_space<vmem>>
    %dma_wait3A_58 = tpu.memref_squeeze %dma_wait3A_57 : memref<1x128xi32, #tpu.memory_space<vmem>> -> memref<128xi32, #tpu.memory_space<vmem>>
    %dma_wait3A_59 = tpu.memref_slice %arg3[%mul3A_55] : memref<3276800xi32, #tpu.memory_space<hbm>> -> memref<128xi32, #tpu.memory_space<hbm>>
    %dma_wait3A_60 = arith.constant 0 : i32
    %dma_wait3A_61 = tpu.memref_slice %arg5[%dma_wait3A, %dma_wait3A_60] : memref<4x128xi32, #tpu.memory_space<vmem>> -> memref<1x128xi32, #tpu.memory_space<vmem>>
    %dma_wait3A_62 = tpu.memref_squeeze %dma_wait3A_61 : memref<1x128xi32, #tpu.memory_space<vmem>> -> memref<128xi32, #tpu.memory_space<vmem>>
    %dma_wait3A_63 = tpu.memref_slice %arg3[%mul3A_55] : memref<3276800xi32, #tpu.memory_space<hbm>> -> memref<128xi32, #tpu.memory_space<hbm>>
    tpu.wait_dma2 semaphore(%arg8 : memref<!tpu.dma_semaphore, #tpu.memory_space<semaphore_mem>>) src(%dma_wait3A_63 : memref<128xi32, #tpu.memory_space<hbm>>) dst(%dma_wait3A_62 : memref<128xi32, #tpu.memory_space<vmem>>)
    %dma_start3A_64 = arith.constant 0 : i32
    %dma_start3A_65 = arith.constant 0 : i32
    %dma_start3A_66 = arith.constant 0 : i32
    %dma_start3A_67 = arith.constant 0 : i32
    %dma_start3A_68 = tpu.memref_slice %arg6[%dma_start3A_65, %dma_start3A_66, %dma_start3A_67] : memref<4x128x32xf32, #tpu.memory_space<vmem>> -> memref<1x128x32xf32, #tpu.memory_space<vmem>>
    %dma_start3A_69 = tpu.memref_squeeze %dma_start3A_68 : memref<1x128x32xf32, #tpu.memory_space<vmem>> -> memref<128x32xf32, #tpu.memory_space<vmem>>
    %dma_start3A_70 = arith.constant 0 : i32
    %dma_start3A_71 = tpu.memref_slice %arg5[%dma_start3A_64, %dma_start3A_70] : memref<4x128xi32, #tpu.memory_space<vmem>> -> memref<1x128xi32, #tpu.memory_space<vmem>>
    %dma_start3A_72 = tpu.memref_squeeze %dma_start3A_71 : memref<1x128xi32, #tpu.memory_space<vmem>> -> memref<128xi32, #tpu.memory_space<vmem>>
    %dma_start3A_73 = arith.constant 0 : i32
    %dma_start3A_74 = arith.constant 0 : i32
    %dma_start3A_75 = tpu.memref_slice %arg2[%dma_start3A_73, %dma_start3A_74] : memref<100000x32xf32, #tpu.memory_space<hbm>> -> memref<100000x32xf32, #tpu.memory_space<hbm>>
    tpu.enqueue_indirect_dma source(%dma_start3A_75 : memref<100000x32xf32, #tpu.memory_space<hbm>>) target(%dma_start3A_69 : memref<128x32xf32, #tpu.memory_space<vmem>>) offsets(%dma_start3A_72 : memref<128xi32, #tpu.memory_space<vmem>>) semaphore(%arg12 : memref<!tpu.dma_semaphore, #tpu.memory_space<semaphore_mem>>)
    %mul3A_76 = arith.constant 128 : i32
    %mul3A_77 = arith.muli %mul3A_2, %mul3A_76 : i32
    %dma_wait3A_78 = arith.constant 1 : i32
    %dma_wait3A_79 = arith.constant 0 : i32
    %dma_wait3A_80 = tpu.memref_slice %arg5[%dma_wait3A_78, %dma_wait3A_79] : memref<4x128xi32, #tpu.memory_space<vmem>> -> memref<1x128xi32, #tpu.memory_space<vmem>>
    %dma_wait3A_81 = tpu.memref_squeeze %dma_wait3A_80 : memref<1x128xi32, #tpu.memory_space<vmem>> -> memref<128xi32, #tpu.memory_space<vmem>>
    %dma_wait3A_82 = tpu.memref_slice %arg3[%mul3A_77] : memref<3276800xi32, #tpu.memory_space<hbm>> -> memref<128xi32, #tpu.memory_space<hbm>>
    %dma_wait3A_83 = arith.constant 0 : i32
    %dma_wait3A_84 = tpu.memref_slice %arg5[%dma_wait3A_78, %dma_wait3A_83] : memref<4x128xi32, #tpu.memory_space<vmem>> -> memref<1x128xi32, #tpu.memory_space<vmem>>
    %dma_wait3A_85 = tpu.memref_squeeze %dma_wait3A_84 : memref<1x128xi32, #tpu.memory_space<vmem>> -> memref<128xi32, #tpu.memory_space<vmem>>
    %dma_wait3A_86 = tpu.memref_slice %arg3[%mul3A_77] : memref<3276800xi32, #tpu.memory_space<hbm>> -> memref<128xi32, #tpu.memory_space<hbm>>
    tpu.wait_dma2 semaphore(%arg9 : memref<!tpu.dma_semaphore, #tpu.memory_space<semaphore_mem>>) src(%dma_wait3A_86 : memref<128xi32, #tpu.memory_space<hbm>>) dst(%dma_wait3A_85 : memref<128xi32, #tpu.memory_space<vmem>>)
    %dma_start3A_87 = arith.constant 1 : i32
    %dma_start3A_88 = arith.constant 1 : i32
    %dma_start3A_89 = arith.constant 0 : i32
    %dma_start3A_90 = arith.constant 0 : i32
    %dma_start3A_91 = tpu.memref_slice %arg6[%dma_start3A_88, %dma_start3A_89, %dma_start3A_90] : memref<4x128x32xf32, #tpu.memory_space<vmem>> -> memref<1x128x32xf32, #tpu.memory_space<vmem>>
    %dma_start3A_92 = tpu.memref_squeeze %dma_start3A_91 : memref<1x128x32xf32, #tpu.memory_space<vmem>> -> memref<128x32xf32, #tpu.memory_space<vmem>>
    %dma_start3A_93 = arith.constant 0 : i32
    %dma_start3A_94 = tpu.memref_slice %arg5[%dma_start3A_87, %dma_start3A_93] : memref<4x128xi32, #tpu.memory_space<vmem>> -> memref<1x128xi32, #tpu.memory_space<vmem>>
    %dma_start3A_95 = tpu.memref_squeeze %dma_start3A_94 : memref<1x128xi32, #tpu.memory_space<vmem>> -> memref<128xi32, #tpu.memory_space<vmem>>
    %dma_start3A_96 = arith.constant 0 : i32
    %dma_start3A_97 = arith.constant 0 : i32
    %dma_start3A_98 = tpu.memref_slice %arg2[%dma_start3A_96, %dma_start3A_97] : memref<100000x32xf32, #tpu.memory_space<hbm>> -> memref<100000x32xf32, #tpu.memory_space<hbm>>
    tpu.enqueue_indirect_dma source(%dma_start3A_98 : memref<100000x32xf32, #tpu.memory_space<hbm>>) target(%dma_start3A_92 : memref<128x32xf32, #tpu.memory_space<vmem>>) offsets(%dma_start3A_95 : memref<128xi32, #tpu.memory_space<vmem>>) semaphore(%arg13 : memref<!tpu.dma_semaphore, #tpu.memory_space<semaphore_mem>>)
    %scan3A = arith.constant 0 : i32
    %scan3A_99 = arith.constant 0 : i32
    %scan3A_100 = arith.constant 200 : i32
    %scan3A_101 = arith.addi %scan3A_99, %scan3A_100 : i32
    %scan3A_102 = arith.constant 1 : i32
    scf.for %scan3A_424 = %scan3A_99 to %scan3A_101 step %scan3A_102  : i32 {
      %mul3A_425 = arith.constant 4 : i32
      %mul3A_426 = arith.muli %mul3A_425, %scan3A_424 : i32
      %add3A_427 = arith.constant 0 : i32
      %add3A_428 = arith.addi %mul3A_426, %add3A_427 : i32
      %dma_wait3A_429 = arith.constant 0 : i32
      %dma_wait3A_430 = arith.constant 0 : i32
      %dma_wait3A_431 = arith.constant 0 : i32
      %dma_wait3A_432 = arith.constant 0 : i32
      %dma_wait3A_433 = tpu.memref_slice %arg6[%dma_wait3A_430, %dma_wait3A_431, %dma_wait3A_432] : memref<4x128x32xf32, #tpu.memory_space<vmem>> -> memref<1x128x32xf32, #tpu.memory_space<vmem>>
      %dma_wait3A_434 = tpu.memref_squeeze %dma_wait3A_433 : memref<1x128x32xf32, #tpu.memory_space<vmem>> -> memref<128x32xf32, #tpu.memory_space<vmem>>
      %dma_wait3A_435 = arith.constant 0 : i32
      %dma_wait3A_436 = tpu.memref_slice %arg5[%dma_wait3A_429, %dma_wait3A_435] : memref<4x128xi32, #tpu.memory_space<vmem>> -> memref<1x128xi32, #tpu.memory_space<vmem>>
      %dma_wait3A_437 = tpu.memref_squeeze %dma_wait3A_436 : memref<1x128xi32, #tpu.memory_space<vmem>> -> memref<128xi32, #tpu.memory_space<vmem>>
      %dma_wait3A_438 = arith.constant 0 : i32
      %dma_wait3A_439 = arith.constant 0 : i32
      %dma_wait3A_440 = tpu.memref_slice %arg2[%dma_wait3A_438, %dma_wait3A_439] : memref<100000x32xf32, #tpu.memory_space<hbm>> -> memref<100000x32xf32, #tpu.memory_space<hbm>>
      tpu.wait_indirect_dma semaphore(%arg12 : memref<!tpu.dma_semaphore, #tpu.memory_space<semaphore_mem>>) src(%dma_wait3A_440 : memref<100000x32xf32, #tpu.memory_space<hbm>>) dst(%dma_wait3A_434 : memref<128x32xf32, #tpu.memory_space<vmem>>)
      %add3A_441 = arith.constant 4 : i32
      %add3A_442 = arith.addi %add3A_428, %add3A_441 : i32
      %lt3A = arith.constant 800 : i32
      %lt3A_443 = arith.cmpi slt, %add3A_442, %lt3A : i32
      %convert_element_type3A = arith.extui %lt3A_443 : i1 to i32
      %cond3A = arith.constant 0 : i32
      %cond3A_444 = arith.cmpi ne, %convert_element_type3A, %cond3A : i32
      scf.if %cond3A_444 {
        %add3A_993 = arith.constant 4 : i32
        %add3A_994 = arith.addi %add3A_428, %add3A_993 : i32
        %add3A_995 = arith.addi %mul3A_2, %add3A_994 : i32
        %mul3A_996 = arith.constant 128 : i32
        %mul3A_997 = arith.muli %add3A_995, %mul3A_996 : i32
        %dma_start3A_998 = arith.constant 0 : i32
        %dma_start3A_999 = arith.constant 0 : i32
        %dma_start3A_1000 = tpu.memref_slice %arg5[%dma_start3A_998, %dma_start3A_999] : memref<4x128xi32, #tpu.memory_space<vmem>> -> memref<1x128xi32, #tpu.memory_space<vmem>>
        %dma_start3A_1001 = tpu.memref_squeeze %dma_start3A_1000 : memref<1x128xi32, #tpu.memory_space<vmem>> -> memref<128xi32, #tpu.memory_space<vmem>>
        %dma_start3A_1002 = tpu.memref_slice %arg3[%mul3A_997] : memref<3276800xi32, #tpu.memory_space<hbm>> -> memref<128xi32, #tpu.memory_space<hbm>>
        %dma_start3A_1003 = arith.constant 0 : i32
        %dma_start3A_1004 = tpu.memref_slice %arg5[%dma_start3A_998, %dma_start3A_1003] : memref<4x128xi32, #tpu.memory_space<vmem>> -> memref<1x128xi32, #tpu.memory_space<vmem>>
        %dma_start3A_1005 = tpu.memref_squeeze %dma_start3A_1004 : memref<1x128xi32, #tpu.memory_space<vmem>> -> memref<128xi32, #tpu.memory_space<vmem>>
        %dma_start3A_1006 = tpu.memref_slice %arg3[%mul3A_997] : memref<3276800xi32, #tpu.memory_space<hbm>> -> memref<128xi32, #tpu.memory_space<hbm>>
        tpu.enqueue_dma source(%dma_start3A_1006 : memref<128xi32, #tpu.memory_space<hbm>>) target(%dma_start3A_1005 : memref<128xi32, #tpu.memory_space<vmem>>) target_semaphore(%arg8 : memref<!tpu.dma_semaphore, #tpu.memory_space<semaphore_mem>>)
      } else {
      }
      %ge3A = arith.constant 2 : i32
      %ge3A_445 = arith.cmpi sge, %add3A_428, %ge3A : i32
      %add3A_446 = arith.constant 2 : i32
      %add3A_447 = arith.addi %add3A_428, %add3A_446 : i32
      %lt3A_448 = arith.constant 800 : i32
      %lt3A_449 = arith.cmpi slt, %add3A_447, %lt3A_448 : i32
      %and3A = arith.andi %ge3A_445, %lt3A_449 : i1
      %convert_element_type3A_450 = arith.extui %and3A : i1 to i32
      %cond3A_451 = arith.constant 0 : i32
      %cond3A_452 = arith.cmpi ne, %convert_element_type3A_450, %cond3A_451 : i32
      scf.if %cond3A_452 {
        %dma_wait3A_993 = arith.constant 2 : i32
        %dma_wait3A_994 = arith.constant 0 : i32
        %dma_wait3A_995 = arith.constant 0 : i32
        %dma_wait3A_996 = arith.constant 0 : i32
        %dma_wait3A_997 = arith.constant 0 : i32
        %dma_wait3A_998 = arith.constant 0 : i32
        %dma_wait3A_999 = tpu.memref_slice %arg7[%dma_wait3A_993, %dma_wait3A_997, %dma_wait3A_998] : memref<4x32x129xf32, #tpu.memory_space<vmem>> -> memref<1x8x128xf32, #tpu.memory_space<vmem>>
        %dma_wait3A_1000 = tpu.memref_squeeze %dma_wait3A_999 : memref<1x8x128xf32, #tpu.memory_space<vmem>> -> memref<8x128xf32, #tpu.memory_space<vmem>>
        %dma_wait3A_1001 = arith.constant 0 : i32
        %dma_wait3A_1002 = arith.constant 0 : i32
        %dma_wait3A_1003 = tpu.memref_slice %arg4[%dma_wait3A_994, %dma_wait3A_995, %dma_wait3A_996, %dma_wait3A_1001, %dma_wait3A_1002] : memref<200x4x128x8x128xf32, #tpu.memory_space<hbm>> -> memref<1x1x1x8x128xf32, #tpu.memory_space<hbm>>
        %dma_wait3A_1004 = tpu.memref_squeeze %dma_wait3A_1003 : memref<1x1x1x8x128xf32, #tpu.memory_space<hbm>> -> memref<8x128xf32, #tpu.memory_space<hbm>>
        %dma_wait3A_1005 = arith.constant 0 : i32
        %dma_wait3A_1006 = arith.constant 0 : i32
        %dma_wait3A_1007 = tpu.memref_slice %arg4[%dma_wait3A_994, %dma_wait3A_995, %dma_wait3A_996, %dma_wait3A_1005, %dma_wait3A_1006] : memref<200x4x128x8x128xf32, #tpu.memory_space<hbm>> -> memref<1x1x1x8x128xf32, #tpu.memory_space<hbm>>
        %dma_wait3A_1008 = tpu.memref_squeeze %dma_wait3A_1007 : memref<1x1x1x8x128xf32, #tpu.memory_space<hbm>> -> memref<8x128xf32, #tpu.memory_space<hbm>>
        %dma_wait3A_1009 = arith.constant 0 : i32
        %dma_wait3A_1010 = arith.constant 0 : i32
        %dma_wait3A_1011 = tpu.memref_slice %arg7[%dma_wait3A_993, %dma_wait3A_1009, %dma_wait3A_1010] : memref<4x32x129xf32, #tpu.memory_space<vmem>> -> memref<1x8x128xf32, #tpu.memory_space<vmem>>
        %dma_wait3A_1012 = tpu.memref_squeeze %dma_wait3A_1011 : memref<1x8x128xf32, #tpu.memory_space<vmem>> -> memref<8x128xf32, #tpu.memory_space<vmem>>
        tpu.wait_dma2 semaphore(%arg18 : memref<!tpu.dma_semaphore, #tpu.memory_space<semaphore_mem>>) src(%dma_wait3A_1012 : memref<8x128xf32, #tpu.memory_space<vmem>>) dst(%dma_wait3A_1008 : memref<8x128xf32, #tpu.memory_space<hbm>>)
        %dma_wait3A_1013 = arith.constant 2 : i32
        %dma_wait3A_1014 = arith.constant 0 : i32
        %dma_wait3A_1015 = arith.constant 0 : i32
        %dma_wait3A_1016 = arith.constant 0 : i32
        %dma_wait3A_1017 = arith.constant 8 : i32
        %dma_wait3A_1018 = arith.constant 0 : i32
        %dma_wait3A_1019 = tpu.memref_slice %arg7[%dma_wait3A_1013, %dma_wait3A_1017, %dma_wait3A_1018] : memref<4x32x129xf32, #tpu.memory_space<vmem>> -> memref<1x8x128xf32, #tpu.memory_space<vmem>>
        %dma_wait3A_1020 = tpu.memref_squeeze %dma_wait3A_1019 : memref<1x8x128xf32, #tpu.memory_space<vmem>> -> memref<8x128xf32, #tpu.memory_space<vmem>>
        %dma_wait3A_1021 = arith.constant 0 : i32
        %dma_wait3A_1022 = arith.constant 0 : i32
        %dma_wait3A_1023 = tpu.memref_slice %arg4[%dma_wait3A_1014, %dma_wait3A_1015, %dma_wait3A_1016, %dma_wait3A_1021, %dma_wait3A_1022] : memref<200x4x128x8x128xf32, #tpu.memory_space<hbm>> -> memref<1x1x1x8x128xf32, #tpu.memory_space<hbm>>
        %dma_wait3A_1024 = tpu.memref_squeeze %dma_wait3A_1023 : memref<1x1x1x8x128xf32, #tpu.memory_space<hbm>> -> memref<8x128xf32, #tpu.memory_space<hbm>>
        %dma_wait3A_1025 = arith.constant 0 : i32
        %dma_wait3A_1026 = arith.constant 0 : i32
        %dma_wait3A_1027 = tpu.memref_slice %arg4[%dma_wait3A_1014, %dma_wait3A_1015, %dma_wait3A_1016, %dma_wait3A_1025, %dma_wait3A_1026] : memref<200x4x128x8x128xf32, #tpu.memory_space<hbm>> -> memref<1x1x1x8x128xf32, #tpu.memory_space<hbm>>
        %dma_wait3A_1028 = tpu.memref_squeeze %dma_wait3A_1027 : memref<1x1x1x8x128xf32, #tpu.memory_space<hbm>> -> memref<8x128xf32, #tpu.memory_space<hbm>>
        %dma_wait3A_1029 = arith.constant 8 : i32
        %dma_wait3A_1030 = arith.constant 0 : i32
        %dma_wait3A_1031 = tpu.memref_slice %arg7[%dma_wait3A_1013, %dma_wait3A_1029, %dma_wait3A_1030] : memref<4x32x129xf32, #tpu.memory_space<vmem>> -> memref<1x8x128xf32, #tpu.memory_space<vmem>>
        %dma_wait3A_1032 = tpu.memref_squeeze %dma_wait3A_1031 : memref<1x8x128xf32, #tpu.memory_space<vmem>> -> memref<8x128xf32, #tpu.memory_space<vmem>>
        tpu.wait_dma2 semaphore(%arg18 : memref<!tpu.dma_semaphore, #tpu.memory_space<semaphore_mem>>) src(%dma_wait3A_1032 : memref<8x128xf32, #tpu.memory_space<vmem>>) dst(%dma_wait3A_1028 : memref<8x128xf32, #tpu.memory_space<hbm>>)
        %dma_wait3A_1033 = arith.constant 2 : i32
        %dma_wait3A_1034 = arith.constant 0 : i32
        %dma_wait3A_1035 = arith.constant 0 : i32
        %dma_wait3A_1036 = arith.constant 0 : i32
        %dma_wait3A_1037 = arith.constant 16 : i32
        %dma_wait3A_1038 = arith.constant 0 : i32
        %dma_wait3A_1039 = tpu.memref_slice %arg7[%dma_wait3A_1033, %dma_wait3A_1037, %dma_wait3A_1038] : memref<4x32x129xf32, #tpu.memory_space<vmem>> -> memref<1x8x128xf32, #tpu.memory_space<vmem>>
        %dma_wait3A_1040 = tpu.memref_squeeze %dma_wait3A_1039 : memref<1x8x128xf32, #tpu.memory_space<vmem>> -> memref<8x128xf32, #tpu.memory_space<vmem>>
        %dma_wait3A_1041 = arith.constant 0 : i32
        %dma_wait3A_1042 = arith.constant 0 : i32
        %dma_wait3A_1043 = tpu.memref_slice %arg4[%dma_wait3A_1034, %dma_wait3A_1035, %dma_wait3A_1036, %dma_wait3A_1041, %dma_wait3A_1042] : memref<200x4x128x8x128xf32, #tpu.memory_space<hbm>> -> memref<1x1x1x8x128xf32, #tpu.memory_space<hbm>>
        %dma_wait3A_1044 = tpu.memref_squeeze %dma_wait3A_1043 : memref<1x1x1x8x128xf32, #tpu.memory_space<hbm>> -> memref<8x128xf32, #tpu.memory_space<hbm>>
        %dma_wait3A_1045 = arith.constant 0 : i32
        %dma_wait3A_1046 = arith.constant 0 : i32
        %dma_wait3A_1047 = tpu.memref_slice %arg4[%dma_wait3A_1034, %dma_wait3A_1035, %dma_wait3A_1036, %dma_wait3A_1045, %dma_wait3A_1046] : memref<200x4x128x8x128xf32, #tpu.memory_space<hbm>> -> memref<1x1x1x8x128xf32, #tpu.memory_space<hbm>>
        %dma_wait3A_1048 = tpu.memref_squeeze %dma_wait3A_1047 : memref<1x1x1x8x128xf32, #tpu.memory_space<hbm>> -> memref<8x128xf32, #tpu.memory_space<hbm>>
        %dma_wait3A_1049 = arith.constant 16 : i32
        %dma_wait3A_1050 = arith.constant 0 : i32
        %dma_wait3A_1051 = tpu.memref_slice %arg7[%dma_wait3A_1033, %dma_wait3A_1049, %dma_wait3A_1050] : memref<4x32x129xf32, #tpu.memory_space<vmem>> -> memref<1x8x128xf32, #tpu.memory_space<vmem>>
        %dma_wait3A_1052 = tpu.memref_squeeze %dma_wait3A_1051 : memref<1x8x128xf32, #tpu.memory_space<vmem>> -> memref<8x128xf32, #tpu.memory_space<vmem>>
        tpu.wait_dma2 semaphore(%arg18 : memref<!tpu.dma_semaphore, #tpu.memory_space<semaphore_mem>>) src(%dma_wait3A_1052 : memref<8x128xf32, #tpu.memory_space<vmem>>) dst(%dma_wait3A_1048 : memref<8x128xf32, #tpu.memory_space<hbm>>)
        %dma_wait3A_1053 = arith.constant 2 : i32
        %dma_wait3A_1054 = arith.constant 0 : i32
        %dma_wait3A_1055 = arith.constant 0 : i32
        %dma_wait3A_1056 = arith.constant 0 : i32
        %dma_wait3A_1057 = arith.constant 24 : i32
        %dma_wait3A_1058 = arith.constant 0 : i32
        %dma_wait3A_1059 = tpu.memref_slice %arg7[%dma_wait3A_1053, %dma_wait3A_1057, %dma_wait3A_1058] : memref<4x32x129xf32, #tpu.memory_space<vmem>> -> memref<1x8x128xf32, #tpu.memory_space<vmem>>
        %dma_wait3A_1060 = tpu.memref_squeeze %dma_wait3A_1059 : memref<1x8x128xf32, #tpu.memory_space<vmem>> -> memref<8x128xf32, #tpu.memory_space<vmem>>
        %dma_wait3A_1061 = arith.constant 0 : i32
        %dma_wait3A_1062 = arith.constant 0 : i32
        %dma_wait3A_1063 = tpu.memref_slice %arg4[%dma_wait3A_1054, %dma_wait3A_1055, %dma_wait3A_1056, %dma_wait3A_1061, %dma_wait3A_1062] : memref<200x4x128x8x128xf32, #tpu.memory_space<hbm>> -> memref<1x1x1x8x128xf32, #tpu.memory_space<hbm>>
        %dma_wait3A_1064 = tpu.memref_squeeze %dma_wait3A_1063 : memref<1x1x1x8x128xf32, #tpu.memory_space<hbm>> -> memref<8x128xf32, #tpu.memory_space<hbm>>
        %dma_wait3A_1065 = arith.constant 0 : i32
        %dma_wait3A_1066 = arith.constant 0 : i32
        %dma_wait3A_1067 = tpu.memref_slice %arg4[%dma_wait3A_1054, %dma_wait3A_1055, %dma_wait3A_1056, %dma_wait3A_1065, %dma_wait3A_1066] : memref<200x4x128x8x128xf32, #tpu.memory_space<hbm>> -> memref<1x1x1x8x128xf32, #tpu.memory_space<hbm>>
        %dma_wait3A_1068 = tpu.memref_squeeze %dma_wait3A_1067 : memref<1x1x1x8x128xf32, #tpu.memory_space<hbm>> -> memref<8x128xf32, #tpu.memory_space<hbm>>
        %dma_wait3A_1069 = arith.constant 24 : i32
        %dma_wait3A_1070 = arith.constant 0 : i32
        %dma_wait3A_1071 = tpu.memref_slice %arg7[%dma_wait3A_1053, %dma_wait3A_1069, %dma_wait3A_1070] : memref<4x32x129xf32, #tpu.memory_space<vmem>> -> memref<1x8x128xf32, #tpu.memory_space<vmem>>
        %dma_wait3A_1072 = tpu.memref_squeeze %dma_wait3A_1071 : memref<1x8x128xf32, #tpu.memory_space<vmem>> -> memref<8x128xf32, #tpu.memory_space<vmem>>
        tpu.wait_dma2 semaphore(%arg18 : memref<!tpu.dma_semaphore, #tpu.memory_space<semaphore_mem>>) src(%dma_wait3A_1072 : memref<8x128xf32, #tpu.memory_space<vmem>>) dst(%dma_wait3A_1068 : memref<8x128xf32, #tpu.memory_space<hbm>>)
      } else {
      }
      %add3A_453 = arith.constant 2 : i32
      %add3A_454 = arith.addi %add3A_428, %add3A_453 : i32
      %lt3A_455 = arith.constant 800 : i32
      %lt3A_456 = arith.cmpi slt, %add3A_454, %lt3A_455 : i32
      %convert_element_type3A_457 = arith.extui %lt3A_456 : i1 to i32
      %cond3A_458 = arith.constant 0 : i32
      %cond3A_459 = arith.cmpi ne, %convert_element_type3A_457, %cond3A_458 : i32
      scf.if %cond3A_459 {
        %add3A_993 = arith.constant 2 : i32
        %add3A_994 = arith.addi %add3A_428, %add3A_993 : i32
        %mul3A_995 = arith.constant 128 : i32
        %mul3A_996 = arith.muli %mul3A_2, %mul3A_995 : i32
        %dma_wait3A_997 = arith.constant 2 : i32
        %dma_wait3A_998 = arith.constant 0 : i32
        %dma_wait3A_999 = tpu.memref_slice %arg5[%dma_wait3A_997, %dma_wait3A_998] : memref<4x128xi32, #tpu.memory_space<vmem>> -> memref<1x128xi32, #tpu.memory_space<vmem>>
        %dma_wait3A_1000 = tpu.memref_squeeze %dma_wait3A_999 : memref<1x128xi32, #tpu.memory_space<vmem>> -> memref<128xi32, #tpu.memory_space<vmem>>
        %dma_wait3A_1001 = tpu.memref_slice %arg3[%mul3A_996] : memref<3276800xi32, #tpu.memory_space<hbm>> -> memref<128xi32, #tpu.memory_space<hbm>>
        %dma_wait3A_1002 = arith.constant 0 : i32
        %dma_wait3A_1003 = tpu.memref_slice %arg5[%dma_wait3A_997, %dma_wait3A_1002] : memref<4x128xi32, #tpu.memory_space<vmem>> -> memref<1x128xi32, #tpu.memory_space<vmem>>
        %dma_wait3A_1004 = tpu.memref_squeeze %dma_wait3A_1003 : memref<1x128xi32, #tpu.memory_space<vmem>> -> memref<128xi32, #tpu.memory_space<vmem>>
        %dma_wait3A_1005 = tpu.memref_slice %arg3[%mul3A_996] : memref<3276800xi32, #tpu.memory_space<hbm>> -> memref<128xi32, #tpu.memory_space<hbm>>
        tpu.wait_dma2 semaphore(%arg10 : memref<!tpu.dma_semaphore, #tpu.memory_space<semaphore_mem>>) src(%dma_wait3A_1005 : memref<128xi32, #tpu.memory_space<hbm>>) dst(%dma_wait3A_1004 : memref<128xi32, #tpu.memory_space<vmem>>)
        %dma_start3A_1006 = arith.constant 2 : i32
        %dma_start3A_1007 = arith.constant 2 : i32
        %dma_start3A_1008 = arith.constant 0 : i32
        %dma_start3A_1009 = arith.constant 0 : i32
        %dma_start3A_1010 = tpu.memref_slice %arg6[%dma_start3A_1007, %dma_start3A_1008, %dma_start3A_1009] : memref<4x128x32xf32, #tpu.memory_space<vmem>> -> memref<1x128x32xf32, #tpu.memory_space<vmem>>
        %dma_start3A_1011 = tpu.memref_squeeze %dma_start3A_1010 : memref<1x128x32xf32, #tpu.memory_space<vmem>> -> memref<128x32xf32, #tpu.memory_space<vmem>>
        %dma_start3A_1012 = arith.constant 0 : i32
        %dma_start3A_1013 = tpu.memref_slice %arg5[%dma_start3A_1006, %dma_start3A_1012] : memref<4x128xi32, #tpu.memory_space<vmem>> -> memref<1x128xi32, #tpu.memory_space<vmem>>
        %dma_start3A_1014 = tpu.memref_squeeze %dma_start3A_1013 : memref<1x128xi32, #tpu.memory_space<vmem>> -> memref<128xi32, #tpu.memory_space<vmem>>
        %dma_start3A_1015 = arith.constant 0 : i32
        %dma_start3A_1016 = arith.constant 0 : i32
        %dma_start3A_1017 = tpu.memref_slice %arg2[%dma_start3A_1015, %dma_start3A_1016] : memref<100000x32xf32, #tpu.memory_space<hbm>> -> memref<100000x32xf32, #tpu.memory_space<hbm>>
        tpu.enqueue_indirect_dma source(%dma_start3A_1017 : memref<100000x32xf32, #tpu.memory_space<hbm>>) target(%dma_start3A_1011 : memref<128x32xf32, #tpu.memory_space<vmem>>) offsets(%dma_start3A_1014 : memref<128xi32, #tpu.memory_space<vmem>>) semaphore(%arg14 : memref<!tpu.dma_semaphore, #tpu.memory_space<semaphore_mem>>)
      } else {
      }
      %scan3A_460 = arith.constant 0 : i32
      %scan3A_461 = arith.constant 0 : i32
      %scan3A_462 = arith.constant 32 : i32
      %scan3A_463 = arith.addi %scan3A_461, %scan3A_462 : i32
      %scan3A_464 = arith.constant 1 : i32
      scf.for %scan3A_993 = %scan3A_461 to %scan3A_463 step %scan3A_464  : i32 {
        %mul3A_994 = arith.constant 4 : i32
        %mul3A_995 = arith.muli %mul3A_994, %scan3A_993 : i32
        %add3A_996 = arith.constant 0 : i32
        %add3A_997 = arith.addi %mul3A_995, %add3A_996 : i32
        %broadcast_in_dim3A = vector.broadcast %add3A_997 : i32 to vector<16xi32>
        %get3A = arith.constant 0 : i32
        %get3A_998 = arith.index_cast %get3A : i32 to index
        %get3A_999 = arith.index_cast %add3A_997 : i32 to index
        %get3A_1000 = arith.constant 0 : index
        %get3A_1001 = tpu.vector_load %arg6[%get3A_998, %get3A_999, %get3A_1000] {strides = array<i32>} : memref<4x128x32xf32, #tpu.memory_space<vmem>>, vector<16xf32>,
        %add3A_1002 = arith.constant 0 : i32
        %add3A_1003 = vector.broadcast %add3A_1002 : i32 to vector<16xi32>
        %add3A_1004 = arith.addi %iota3A, %add3A_1003 : vector<16xi32>
        %scatter3A = arith.constant 0 : i32
        %scatter3A_1005 = arith.constant 0 : i32
        %scatter3A_1006 = arith.constant 0 : i32
        %scatter3A_1007 = tpu.memref_slice %arg7[%scatter3A, %scatter3A_1005, %scatter3A_1006] : memref<4x32x129xf32, #tpu.memory_space<vmem>> -> memref<1x32x129xf32, #tpu.memory_space<vmem>>
        %scatter3A_1008 = tpu.memref_squeeze %scatter3A_1007 : memref<1x32x129xf32, #tpu.memory_space<vmem>> -> memref<32x129xf32, #tpu.memory_space<vmem>>
        tpu.vector_store_idx %scatter3A_1008[%add3A_1004, %broadcast_in_dim3A], %get3A_1001 : memref<32x129xf32, #tpu.memory_space<vmem>>[vector<16xi32>, vector<16xi32>], vector<16xf32>,
        %get3A_1009 = arith.constant 0 : i32
        %get3A_1010 = arith.index_cast %get3A_1009 : i32 to index
        %get3A_1011 = arith.index_cast %add3A_997 : i32 to index
        %get3A_1012 = arith.constant 16 : index
        %get3A_1013 = tpu.vector_load %arg6[%get3A_1010, %get3A_1011, %get3A_1012] {strides = array<i32>} : memref<4x128x32xf32, #tpu.memory_space<vmem>>, vector<16xf32>,
        %add3A_1014 = arith.constant 16 : i32
        %add3A_1015 = vector.broadcast %add3A_1014 : i32 to vector<16xi32>
        %add3A_1016 = arith.addi %iota3A, %add3A_1015 : vector<16xi32>
        %scatter3A_1017 = arith.constant 0 : i32
        %scatter3A_1018 = arith.constant 0 : i32
        %scatter3A_1019 = arith.constant 0 : i32
        %scatter3A_1020 = tpu.memref_slice %arg7[%scatter3A_1017, %scatter3A_1018, %scatter3A_1019] : memref<4x32x129xf32, #tpu.memory_space<vmem>> -> memref<1x32x129xf32, #tpu.memory_space<vmem>>
        %scatter3A_1021 = tpu.memref_squeeze %scatter3A_1020 : memref<1x32x129xf32, #tpu.memory_space<vmem>> -> memref<32x129xf32, #tpu.memory_space<vmem>>
        tpu.vector_store_idx %scatter3A_1021[%add3A_1016, %broadcast_in_dim3A], %get3A_1013 : memref<32x129xf32, #tpu.memory_space<vmem>>[vector<16xi32>, vector<16xi32>], vector<16xf32>,
        %mul3A_1022 = arith.constant 4 : i32
        %mul3A_1023 = arith.muli %mul3A_1022, %scan3A_993 : i32
        %add3A_1024 = arith.constant 1 : i32
        %add3A_1025 = arith.addi %mul3A_1023, %add3A_1024 : i32
        %broadcast_in_dim3A_1026 = vector.broadcast %add3A_1025 : i32 to vector<16xi32>
        %get3A_1027 = arith.constant 0 : i32
        %get3A_1028 = arith.index_cast %get3A_1027 : i32 to index
        %get3A_1029 = arith.index_cast %add3A_1025 : i32 to index
        %get3A_1030 = arith.constant 0 : index
        %get3A_1031 = tpu.vector_load %arg6[%get3A_1028, %get3A_1029, %get3A_1030] {strides = array<i32>} : memref<4x128x32xf32, #tpu.memory_space<vmem>>, vector<16xf32>,
        %add3A_1032 = arith.constant 0 : i32
        %add3A_1033 = vector.broadcast %add3A_1032 : i32 to vector<16xi32>
        %add3A_1034 = arith.addi %iota3A, %add3A_1033 : vector<16xi32>
        %scatter3A_1035 = arith.constant 0 : i32
        %scatter3A_1036 = arith.constant 0 : i32
        %scatter3A_1037 = arith.constant 0 : i32
        %scatter3A_1038 = tpu.memref_slice %arg7[%scatter3A_1035, %scatter3A_1036, %scatter3A_1037] : memref<4x32x129xf32, #tpu.memory_space<vmem>> -> memref<1x32x129xf32, #tpu.memory_space<vmem>>
        %scatter3A_1039 = tpu.memref_squeeze %scatter3A_1038 : memref<1x32x129xf32, #tpu.memory_space<vmem>> -> memref<32x129xf32, #tpu.memory_space<vmem>>
        tpu.vector_store_idx %scatter3A_1039[%add3A_1034, %broadcast_in_dim3A_1026], %get3A_1031 : memref<32x129xf32, #tpu.memory_space<vmem>>[vector<16xi32>, vector<16xi32>], vector<16xf32>,
        %get3A_1040 = arith.constant 0 : i32
        %get3A_1041 = arith.index_cast %get3A_1040 : i32 to index
        %get3A_1042 = arith.index_cast %add3A_1025 : i32 to index
        %get3A_1043 = arith.constant 16 : index
        %get3A_1044 = tpu.vector_load %arg6[%get3A_1041, %get3A_1042, %get3A_1043] {strides = array<i32>} : memref<4x128x32xf32, #tpu.memory_space<vmem>>, vector<16xf32>,
        %add3A_1045 = arith.constant 16 : i32
        %add3A_1046 = vector.broadcast %add3A_1045 : i32 to vector<16xi32>
        %add3A_1047 = arith.addi %iota3A, %add3A_1046 : vector<16xi32>
        %scatter3A_1048 = arith.constant 0 : i32
        %scatter3A_1049 = arith.constant 0 : i32
        %scatter3A_1050 = arith.constant 0 : i32
        %scatter3A_1051 = tpu.memref_slice %arg7[%scatter3A_1048, %scatter3A_1049, %scatter3A_1050] : memref<4x32x129xf32, #tpu.memory_space<vmem>> -> memref<1x32x129xf32, #tpu.memory_space<vmem>>
        %scatter3A_1052 = tpu.memref_squeeze %scatter3A_1051 : memref<1x32x129xf32, #tpu.memory_space<vmem>> -> memref<32x129xf32, #tpu.memory_space<vmem>>
        tpu.vector_store_idx %scatter3A_1052[%add3A_1047, %broadcast_in_dim3A_1026], %get3A_1044 : memref<32x129xf32, #tpu.memory_space<vmem>>[vector<16xi32>, vector<16xi32>], vector<16xf32>,
        %mul3A_1053 = arith.constant 4 : i32
        %mul3A_1054 = arith.muli %mul3A_1053, %scan3A_993 : i32
        %add3A_1055 = arith.constant 2 : i32
        %add3A_1056 = arith.addi %mul3A_1054, %add3A_1055 : i32
        %broadcast_in_dim3A_1057 = vector.broadcast %add3A_1056 : i32 to vector<16xi32>
        %get3A_1058 = arith.constant 0 : i32
        %get3A_1059 = arith.index_cast %get3A_1058 : i32 to index
        %get3A_1060 = arith.index_cast %add3A_1056 : i32 to index
        %get3A_1061 = arith.constant 0 : index
        %get3A_1062 = tpu.vector_load %arg6[%get3A_1059, %get3A_1060, %get3A_1061] {strides = array<i32>} : memref<4x128x32xf32, #tpu.memory_space<vmem>>, vector<16xf32>,
        %add3A_1063 = arith.constant 0 : i32
        %add3A_1064 = vector.broadcast %add3A_1063 : i32 to vector<16xi32>
        %add3A_1065 = arith.addi %iota3A, %add3A_1064 : vector<16xi32>
        %scatter3A_1066 = arith.constant 0 : i32
        %scatter3A_1067 = arith.constant 0 : i32
        %scatter3A_1068 = arith.constant 0 : i32
        %scatter3A_1069 = tpu.memref_slice %arg7[%scatter3A_1066, %scatter3A_1067, %scatter3A_1068] : memref<4x32x129xf32, #tpu.memory_space<vmem>> -> memref<1x32x129xf32, #tpu.memory_space<vmem>>
        %scatter3A_1070 = tpu.memref_squeeze %scatter3A_1069 : memref<1x32x129xf32, #tpu.memory_space<vmem>> -> memref<32x129xf32, #tpu.memory_space<vmem>>
        tpu.vector_store_idx %scatter3A_1070[%add3A_1065, %broadcast_in_dim3A_1057], %get3A_1062 : memref<32x129xf32, #tpu.memory_space<vmem>>[vector<16xi32>, vector<16xi32>], vector<16xf32>,
        %get3A_1071 = arith.constant 0 : i32
        %get3A_1072 = arith.index_cast %get3A_1071 : i32 to index
        %get3A_1073 = arith.index_cast %add3A_1056 : i32 to index
        %get3A_1074 = arith.constant 16 : index
        %get3A_1075 = tpu.vector_load %arg6[%get3A_1072, %get3A_1073, %get3A_1074] {strides = array<i32>} : memref<4x128x32xf32, #tpu.memory_space<vmem>>, vector<16xf32>,
        %add3A_1076 = arith.constant 16 : i32
        %add3A_1077 = vector.broadcast %add3A_1076 : i32 to vector<16xi32>
        %add3A_1078 = arith.addi %iota3A, %add3A_1077 : vector<16xi32>
        %scatter3A_1079 = arith.constant 0 : i32
        %scatter3A_1080 = arith.constant 0 : i32
        %scatter3A_1081 = arith.constant 0 : i32
        %scatter3A_1082 = tpu.memref_slice %arg7[%scatter3A_1079, %scatter3A_1080, %scatter3A_1081] : memref<4x32x129xf32, #tpu.memory_space<vmem>> -> memref<1x32x129xf32, #tpu.memory_space<vmem>>
        %scatter3A_1083 = tpu.memref_squeeze %scatter3A_1082 : memref<1x32x129xf32, #tpu.memory_space<vmem>> -> memref<32x129xf32, #tpu.memory_space<vmem>>
        tpu.vector_store_idx %scatter3A_1083[%add3A_1078, %broadcast_in_dim3A_1057], %get3A_1075 : memref<32x129xf32, #tpu.memory_space<vmem>>[vector<16xi32>, vector<16xi32>], vector<16xf32>,
        %mul3A_1084 = arith.constant 4 : i32
        %mul3A_1085 = arith.muli %mul3A_1084, %scan3A_993 : i32
        %add3A_1086 = arith.constant 3 : i32
        %add3A_1087 = arith.addi %mul3A_1085, %add3A_1086 : i32
        %broadcast_in_dim3A_1088 = vector.broadcast %add3A_1087 : i32 to vector<16xi32>
        %get3A_1089 = arith.constant 0 : i32
        %get3A_1090 = arith.index_cast %get3A_1089 : i32 to index
        %get3A_1091 = arith.index_cast %add3A_1087 : i32 to index
        %get3A_1092 = arith.constant 0 : index
        %get3A_1093 = tpu.vector_load %arg6[%get3A_1090, %get3A_1091, %get3A_1092] {strides = array<i32>} : memref<4x128x32xf32, #tpu.memory_space<vmem>>, vector<16xf32>,
        %add3A_1094 = arith.constant 0 : i32
        %add3A_1095 = vector.broadcast %add3A_1094 : i32 to vector<16xi32>
        %add3A_1096 = arith.addi %iota3A, %add3A_1095 : vector<16xi32>
        %scatter3A_1097 = arith.constant 0 : i32
        %scatter3A_1098 = arith.constant 0 : i32
        %scatter3A_1099 = arith.constant 0 : i32
        %scatter3A_1100 = tpu.memref_slice %arg7[%scatter3A_1097, %scatter3A_1098, %scatter3A_1099] : memref<4x32x129xf32, #tpu.memory_space<vmem>> -> memref<1x32x129xf32, #tpu.memory_space<vmem>>
        %scatter3A_1101 = tpu.memref_squeeze %scatter3A_1100 : memref<1x32x129xf32, #tpu.memory_space<vmem>> -> memref<32x129xf32, #tpu.memory_space<vmem>>
        tpu.vector_store_idx %scatter3A_1101[%add3A_1096, %broadcast_in_dim3A_1088], %get3A_1093 : memref<32x129xf32, #tpu.memory_space<vmem>>[vector<16xi32>, vector<16xi32>], vector<16xf32>,
        %get3A_1102 = arith.constant 0 : i32
        %get3A_1103 = arith.index_cast %get3A_1102 : i32 to index
        %get3A_1104 = arith.index_cast %add3A_1087 : i32 to index
        %get3A_1105 = arith.constant 16 : index
        %get3A_1106 = tpu.vector_load %arg6[%get3A_1103, %get3A_1104, %get3A_1105] {strides = array<i32>} : memref<4x128x32xf32, #tpu.memory_space<vmem>>, vector<16xf32>,
        %add3A_1107 = arith.constant 16 : i32
        %add3A_1108 = vector.broadcast %add3A_1107 : i32 to vector<16xi32>
        %add3A_1109 = arith.addi %iota3A, %add3A_1108 : vector<16xi32>
        %scatter3A_1110 = arith.constant 0 : i32
        %scatter3A_1111 = arith.constant 0 : i32
        %scatter3A_1112 = arith.constant 0 : i32
        %scatter3A_1113 = tpu.memref_slice %arg7[%scatter3A_1110, %scatter3A_1111, %scatter3A_1112] : memref<4x32x129xf32, #tpu.memory_space<vmem>> -> memref<1x32x129xf32, #tpu.memory_space<vmem>>
        %scatter3A_1114 = tpu.memref_squeeze %scatter3A_1113 : memref<1x32x129xf32, #tpu.memory_space<vmem>> -> memref<32x129xf32, #tpu.memory_space<vmem>>
        tpu.vector_store_idx %scatter3A_1114[%add3A_1109, %broadcast_in_dim3A_1088], %get3A_1106 : memref<32x129xf32, #tpu.memory_space<vmem>>[vector<16xi32>, vector<16xi32>], vector<16xf32>,
      }
      %scan3A_465 = arith.constant 32 : i32
      %add3A_466 = arith.addi %mul3A_2, %add3A_428 : i32
      %jit3A = arith.constant 128 : i32
      %div3A = arith.divsi %add3A_466, %jit3A : i32
      %sign3A = arith.constant 0 : i32
      %sign3A_467 = arith.cmpi sgt, %add3A_466, %sign3A : i32
      %sign3A_468 = arith.extui %sign3A_467 : i1 to i32
      %sign3A_469 = arith.constant 0 : i32
      %sign3A_470 = arith.cmpi slt, %add3A_466, %sign3A_469 : i32
      %sign3A_471 = arith.extui %sign3A_470 : i1 to i32
      %sign3A_472 = arith.subi %sign3A_468, %sign3A_471 : i32
      %sign3A_473 = arith.constant 0 : i32
      %sign3A_474 = arith.cmpi sgt, %jit3A, %sign3A_473 : i32
      %sign3A_475 = arith.extui %sign3A_474 : i1 to i32
      %sign3A_476 = arith.constant 0 : i32
      %sign3A_477 = arith.cmpi slt, %jit3A, %sign3A_476 : i32
      %sign3A_478 = arith.extui %sign3A_477 : i1 to i32
      %sign3A_479 = arith.subi %sign3A_475, %sign3A_478 : i32
      %ne3A = arith.cmpi ne, %sign3A_472, %sign3A_479 : i32
      %rem3A = arith.remsi %add3A_466, %jit3A : i32
      %ne3A_480 = arith.constant 0 : i32
      %ne3A_481 = arith.cmpi ne, %rem3A, %ne3A_480 : i32
      %and3A_482 = arith.andi %ne3A, %ne3A_481 : i1
      %sub3A = arith.constant 1 : i32
      %sub3A_483 = arith.subi %div3A, %sub3A : i32
      %select_n3A = arith.select %and3A_482, %sub3A_483, %div3A : i32
      %rem3A_484 = arith.constant 128 : i32
      %rem3A_485 = arith.remsi %add3A_466, %rem3A_484 : i32
      %dma_start3A_486 = arith.constant 0 : i32
      %dma_start3A_487 = arith.constant 0 : i32
      %dma_start3A_488 = arith.constant 0 : i32
      %dma_start3A_489 = arith.constant 0 : i32
      %dma_start3A_490 = tpu.memref_slice %arg7[%dma_start3A_486, %dma_start3A_488, %dma_start3A_489] : memref<4x32x129xf32, #tpu.memory_space<vmem>> -> memref<1x8x128xf32, #tpu.memory_space<vmem>>
      %dma_start3A_491 = tpu.memref_squeeze %dma_start3A_490 : memref<1x8x128xf32, #tpu.memory_space<vmem>> -> memref<8x128xf32, #tpu.memory_space<vmem>>
      %dma_start3A_492 = arith.constant 0 : i32
      %dma_start3A_493 = arith.constant 0 : i32
      %dma_start3A_494 = tpu.memref_slice %arg4[%select_n3A, %dma_start3A_487, %rem3A_485, %dma_start3A_492, %dma_start3A_493] : memref<200x4x128x8x128xf32, #tpu.memory_space<hbm>> -> memref<1x1x1x8x128xf32, #tpu.memory_space<hbm>>
      %dma_start3A_495 = tpu.memref_squeeze %dma_start3A_494 : memref<1x1x1x8x128xf32, #tpu.memory_space<hbm>> -> memref<8x128xf32, #tpu.memory_space<hbm>>
      %dma_start3A_496 = arith.constant 0 : i32
      %dma_start3A_497 = arith.constant 0 : i32
      %dma_start3A_498 = tpu.memref_slice %arg4[%select_n3A, %dma_start3A_487, %rem3A_485, %dma_start3A_496, %dma_start3A_497] : memref<200x4x128x8x128xf32, #tpu.memory_space<hbm>> -> memref<1x1x1x8x128xf32, #tpu.memory_space<hbm>>
      %dma_start3A_499 = tpu.memref_squeeze %dma_start3A_498 : memref<1x1x1x8x128xf32, #tpu.memory_space<hbm>> -> memref<8x128xf32, #tpu.memory_space<hbm>>
      %dma_start3A_500 = arith.constant 0 : i32
      %dma_start3A_501 = arith.constant 0 : i32
      %dma_start3A_502 = tpu.memref_slice %arg7[%dma_start3A_486, %dma_start3A_500, %dma_start3A_501] : memref<4x32x129xf32, #tpu.memory_space<vmem>> -> memref<1x8x128xf32, #tpu.memory_space<vmem>>
      %dma_start3A_503 = tpu.memref_squeeze %dma_start3A_502 : memref<1x8x128xf32, #tpu.memory_space<vmem>> -> memref<8x128xf32, #tpu.memory_space<vmem>>
      tpu.enqueue_dma source(%dma_start3A_503 : memref<8x128xf32, #tpu.memory_space<vmem>>) target(%dma_start3A_499 : memref<8x128xf32, #tpu.memory_space<hbm>>) target_semaphore(%arg16 : memref<!tpu.dma_semaphore, #tpu.memory_space<semaphore_mem>>)
      %dma_start3A_504 = arith.constant 0 : i32
      %dma_start3A_505 = arith.constant 1 : i32
      %dma_start3A_506 = arith.constant 8 : i32
      %dma_start3A_507 = arith.constant 0 : i32
      %dma_start3A_508 = tpu.memref_slice %arg7[%dma_start3A_504, %dma_start3A_506, %dma_start3A_507] : memref<4x32x129xf32, #tpu.memory_space<vmem>> -> memref<1x8x128xf32, #tpu.memory_space<vmem>>
      %dma_start3A_509 = tpu.memref_squeeze %dma_start3A_508 : memref<1x8x128xf32, #tpu.memory_space<vmem>> -> memref<8x128xf32, #tpu.memory_space<vmem>>
      %dma_start3A_510 = arith.constant 0 : i32
      %dma_start3A_511 = arith.constant 0 : i32
      %dma_start3A_512 = tpu.memref_slice %arg4[%select_n3A, %dma_start3A_505, %rem3A_485, %dma_start3A_510, %dma_start3A_511] : memref<200x4x128x8x128xf32, #tpu.memory_space<hbm>> -> memref<1x1x1x8x128xf32, #tpu.memory_space<hbm>>
      %dma_start3A_513 = tpu.memref_squeeze %dma_start3A_512 : memref<1x1x1x8x128xf32, #tpu.memory_space<hbm>> -> memref<8x128xf32, #tpu.memory_space<hbm>>
      %dma_start3A_514 = arith.constant 0 : i32
      %dma_start3A_515 = arith.constant 0 : i32
      %dma_start3A_516 = tpu.memref_slice %arg4[%select_n3A, %dma_start3A_505, %rem3A_485, %dma_start3A_514, %dma_start3A_515] : memref<200x4x128x8x128xf32, #tpu.memory_space<hbm>> -> memref<1x1x1x8x128xf32, #tpu.memory_space<hbm>>
      %dma_start3A_517 = tpu.memref_squeeze %dma_start3A_516 : memref<1x1x1x8x128xf32, #tpu.memory_space<hbm>> -> memref<8x128xf32, #tpu.memory_space<hbm>>
      %dma_start3A_518 = arith.constant 8 : i32
      %dma_start3A_519 = arith.constant 0 : i32
      %dma_start3A_520 = tpu.memref_slice %arg7[%dma_start3A_504, %dma_start3A_518, %dma_start3A_519] : memref<4x32x129xf32, #tpu.memory_space<vmem>> -> memref<1x8x128xf32, #tpu.memory_space<vmem>>
      %dma_start3A_521 = tpu.memref_squeeze %dma_start3A_520 : memref<1x8x128xf32, #tpu.memory_space<vmem>> -> memref<8x128xf32, #tpu.memory_space<vmem>>
      tpu.enqueue_dma source(%dma_start3A_521 : memref<8x128xf32, #tpu.memory_space<vmem>>) target(%dma_start3A_517 : memref<8x128xf32, #tpu.memory_space<hbm>>) target_semaphore(%arg16 : memref<!tpu.dma_semaphore, #tpu.memory_space<semaphore_mem>>)
      %dma_start3A_522 = arith.constant 0 : i32
      %dma_start3A_523 = arith.constant 2 : i32
      %dma_start3A_524 = arith.constant 16 : i32
      %dma_start3A_525 = arith.constant 0 : i32
      %dma_start3A_526 = tpu.memref_slice %arg7[%dma_start3A_522, %dma_start3A_524, %dma_start3A_525] : memref<4x32x129xf32, #tpu.memory_space<vmem>> -> memref<1x8x128xf32, #tpu.memory_space<vmem>>
      %dma_start3A_527 = tpu.memref_squeeze %dma_start3A_526 : memref<1x8x128xf32, #tpu.memory_space<vmem>> -> memref<8x128xf32, #tpu.memory_space<vmem>>
      %dma_start3A_528 = arith.constant 0 : i32
      %dma_start3A_529 = arith.constant 0 : i32
      %dma_start3A_530 = tpu.memref_slice %arg4[%select_n3A, %dma_start3A_523, %rem3A_485, %dma_start3A_528, %dma_start3A_529] : memref<200x4x128x8x128xf32, #tpu.memory_space<hbm>> -> memref<1x1x1x8x128xf32, #tpu.memory_space<hbm>>
      %dma_start3A_531 = tpu.memref_squeeze %dma_start3A_530 : memref<1x1x1x8x128xf32, #tpu.memory_space<hbm>> -> memref<8x128xf32, #tpu.memory_space<hbm>>
      %dma_start3A_532 = arith.constant 0 : i32
      %dma_start3A_533 = arith.constant 0 : i32
      %dma_start3A_534 = tpu.memref_slice %arg4[%select_n3A, %dma_start3A_523, %rem3A_485, %dma_start3A_532, %dma_start3A_533] : memref<200x4x128x8x128xf32, #tpu.memory_space<hbm>> -> memref<1x1x1x8x128xf32, #tpu.memory_space<hbm>>
      %dma_start3A_535 = tpu.memref_squeeze %dma_start3A_534 : memref<1x1x1x8x128xf32, #tpu.memory_space<hbm>> -> memref<8x128xf32, #tpu.memory_space<hbm>>
      %dma_start3A_536 = arith.constant 16 : i32
      %dma_start3A_537 = arith.constant 0 : i32
      %dma_start3A_538 = tpu.memref_slice %arg7[%dma_start3A_522, %dma_start3A_536, %dma_start3A_537] : memref<4x32x129xf32, #tpu.memory_space<vmem>> -> memref<1x8x128xf32, #tpu.memory_space<vmem>>
      %dma_start3A_539 = tpu.memref_squeeze %dma_start3A_538 : memref<1x8x128xf32, #tpu.memory_space<vmem>> -> memref<8x128xf32, #tpu.memory_space<vmem>>
      tpu.enqueue_dma source(%dma_start3A_539 : memref<8x128xf32, #tpu.memory_space<vmem>>) target(%dma_start3A_535 : memref<8x128xf32, #tpu.memory_space<hbm>>) target_semaphore(%arg16 : memref<!tpu.dma_semaphore, #tpu.memory_space<semaphore_mem>>)
      %dma_start3A_540 = arith.constant 0 : i32
      %dma_start3A_541 = arith.constant 3 : i32
      %dma_start3A_542 = arith.constant 24 : i32
      %dma_start3A_543 = arith.constant 0 : i32
      %dma_start3A_544 = tpu.memref_slice %arg7[%dma_start3A_540, %dma_start3A_542, %dma_start3A_543] : memref<4x32x129xf32, #tpu.memory_space<vmem>> -> memref<1x8x128xf32, #tpu.memory_space<vmem>>
      %dma_start3A_545 = tpu.memref_squeeze %dma_start3A_544 : memref<1x8x128xf32, #tpu.memory_space<vmem>> -> memref<8x128xf32, #tpu.memory_space<vmem>>
      %dma_start3A_546 = arith.constant 0 : i32
      %dma_start3A_547 = arith.constant 0 : i32
      %dma_start3A_548 = tpu.memref_slice %arg4[%select_n3A, %dma_start3A_541, %rem3A_485, %dma_start3A_546, %dma_start3A_547] : memref<200x4x128x8x128xf32, #tpu.memory_space<hbm>> -> memref<1x1x1x8x128xf32, #tpu.memory_space<hbm>>
      %dma_start3A_549 = tpu.memref_squeeze %dma_start3A_548 : memref<1x1x1x8x128xf32, #tpu.memory_space<hbm>> -> memref<8x128xf32, #tpu.memory_space<hbm>>
      %dma_start3A_550 = arith.constant 0 : i32
      %dma_start3A_551 = arith.constant 0 : i32
      %dma_start3A_552 = tpu.memref_slice %arg4[%select_n3A, %dma_start3A_541, %rem3A_485, %dma_start3A_550, %dma_start3A_551] : memref<200x4x128x8x128xf32, #tpu.memory_space<hbm>> -> memref<1x1x1x8x128xf32, #tpu.memory_space<hbm>>
      %dma_start3A_553 = tpu.memref_squeeze %dma_start3A_552 : memref<1x1x1x8x128xf32, #tpu.memory_space<hbm>> -> memref<8x128xf32, #tpu.memory_space<hbm>>
      %dma_start3A_554 = arith.constant 24 : i32
      %dma_start3A_555 = arith.constant 0 : i32
      %dma_start3A_556 = tpu.memref_slice %arg7[%dma_start3A_540, %dma_start3A_554, %dma_start3A_555] : memref<4x32x129xf32, #tpu.memory_space<vmem>> -> memref<1x8x128xf32, #tpu.memory_space<vmem>>
      %dma_start3A_557 = tpu.memref_squeeze %dma_start3A_556 : memref<1x8x128xf32, #tpu.memory_space<vmem>> -> memref<8x128xf32, #tpu.memory_space<vmem>>
      tpu.enqueue_dma source(%dma_start3A_557 : memref<8x128xf32, #tpu.memory_space<vmem>>) target(%dma_start3A_553 : memref<8x128xf32, #tpu.memory_space<hbm>>) target_semaphore(%arg16 : memref<!tpu.dma_semaphore, #tpu.memory_space<semaphore_mem>>)
      %mul3A_558 = arith.constant 4 : i32
      %mul3A_559 = arith.muli %mul3A_558, %scan3A_424 : i32
      %add3A_560 = arith.constant 1 : i32
      %add3A_561 = arith.addi %mul3A_559, %add3A_560 : i32
      %dma_wait3A_562 = arith.constant 1 : i32
      %dma_wait3A_563 = arith.constant 1 : i32
      %dma_wait3A_564 = arith.constant 0 : i32
      %dma_wait3A_565 = arith.constant 0 : i32
      %dma_wait3A_566 = tpu.memref_slice %arg6[%dma_wait3A_563, %dma_wait3A_564, %dma_wait3A_565] : memref<4x128x32xf32, #tpu.memory_space<vmem>> -> memref<1x128x32xf32, #tpu.memory_space<vmem>>
      %dma_wait3A_567 = tpu.memref_squeeze %dma_wait3A_566 : memref<1x128x32xf32, #tpu.memory_space<vmem>> -> memref<128x32xf32, #tpu.memory_space<vmem>>
      %dma_wait3A_568 = arith.constant 0 : i32
      %dma_wait3A_569 = tpu.memref_slice %arg5[%dma_wait3A_562, %dma_wait3A_568] : memref<4x128xi32, #tpu.memory_space<vmem>> -> memref<1x128xi32, #tpu.memory_space<vmem>>
      %dma_wait3A_570 = tpu.memref_squeeze %dma_wait3A_569 : memref<1x128xi32, #tpu.memory_space<vmem>> -> memref<128xi32, #tpu.memory_space<vmem>>
      %dma_wait3A_571 = arith.constant 0 : i32
      %dma_wait3A_572 = arith.constant 0 : i32
      %dma_wait3A_573 = tpu.memref_slice %arg2[%dma_wait3A_571, %dma_wait3A_572] : memref<100000x32xf32, #tpu.memory_space<hbm>> -> memref<100000x32xf32, #tpu.memory_space<hbm>>
      tpu.wait_indirect_dma semaphore(%arg13 : memref<!tpu.dma_semaphore, #tpu.memory_space<semaphore_mem>>) src(%dma_wait3A_573 : memref<100000x32xf32, #tpu.memory_space<hbm>>) dst(%dma_wait3A_567 : memref<128x32xf32, #tpu.memory_space<vmem>>)
      %add3A_574 = arith.constant 4 : i32
      %add3A_575 = arith.addi %add3A_561, %add3A_574 : i32
      %lt3A_576 = arith.constant 800 : i32
      %lt3A_577 = arith.cmpi slt, %add3A_575, %lt3A_576 : i32
      %convert_element_type3A_578 = arith.extui %lt3A_577 : i1 to i32
      %cond3A_579 = arith.constant 0 : i32
      %cond3A_580 = arith.cmpi ne, %convert_element_type3A_578, %cond3A_579 : i32
      scf.if %cond3A_580 {
        %add3A_993 = arith.constant 4 : i32
        %add3A_994 = arith.addi %add3A_561, %add3A_993 : i32
        %add3A_995 = arith.addi %mul3A_2, %add3A_994 : i32
        %mul3A_996 = arith.constant 128 : i32
        %mul3A_997 = arith.muli %add3A_995, %mul3A_996 : i32
        %dma_start3A_998 = arith.constant 1 : i32
        %dma_start3A_999 = arith.constant 0 : i32
        %dma_start3A_1000 = tpu.memref_slice %arg5[%dma_start3A_998, %dma_start3A_999] : memref<4x128xi32, #tpu.memory_space<vmem>> -> memref<1x128xi32, #tpu.memory_space<vmem>>
        %dma_start3A_1001 = tpu.memref_squeeze %dma_start3A_1000 : memref<1x128xi32, #tpu.memory_space<vmem>> -> memref<128xi32, #tpu.memory_space<vmem>>
        %dma_start3A_1002 = tpu.memref_slice %arg3[%mul3A_997] : memref<3276800xi32, #tpu.memory_space<hbm>> -> memref<128xi32, #tpu.memory_space<hbm>>
        %dma_start3A_1003 = arith.constant 0 : i32
        %dma_start3A_1004 = tpu.memref_slice %arg5[%dma_start3A_998, %dma_start3A_1003] : memref<4x128xi32, #tpu.memory_space<vmem>> -> memref<1x128xi32, #tpu.memory_space<vmem>>
        %dma_start3A_1005 = tpu.memref_squeeze %dma_start3A_1004 : memref<1x128xi32, #tpu.memory_space<vmem>> -> memref<128xi32, #tpu.memory_space<vmem>>
        %dma_start3A_1006 = tpu.memref_slice %arg3[%mul3A_997] : memref<3276800xi32, #tpu.memory_space<hbm>> -> memref<128xi32, #tpu.memory_space<hbm>>
        tpu.enqueue_dma source(%dma_start3A_1006 : memref<128xi32, #tpu.memory_space<hbm>>) target(%dma_start3A_1005 : memref<128xi32, #tpu.memory_space<vmem>>) target_semaphore(%arg9 : memref<!tpu.dma_semaphore, #tpu.memory_space<semaphore_mem>>)
      } else {
      }
      %ge3A_581 = arith.constant 2 : i32
      %ge3A_582 = arith.cmpi sge, %add3A_561, %ge3A_581 : i32
      %add3A_583 = arith.constant 2 : i32
      %add3A_584 = arith.addi %add3A_561, %add3A_583 : i32
      %lt3A_585 = arith.constant 800 : i32
      %lt3A_586 = arith.cmpi slt, %add3A_584, %lt3A_585 : i32
      %and3A_587 = arith.andi %ge3A_582, %lt3A_586 : i1
      %convert_element_type3A_588 = arith.extui %and3A_587 : i1 to i32
      %cond3A_589 = arith.constant 0 : i32
      %cond3A_590 = arith.cmpi ne, %convert_element_type3A_588, %cond3A_589 : i32
      scf.if %cond3A_590 {
        %dma_wait3A_993 = arith.constant 3 : i32
        %dma_wait3A_994 = arith.constant 0 : i32
        %dma_wait3A_995 = arith.constant 0 : i32
        %dma_wait3A_996 = arith.constant 0 : i32
        %dma_wait3A_997 = arith.constant 0 : i32
        %dma_wait3A_998 = arith.constant 0 : i32
        %dma_wait3A_999 = tpu.memref_slice %arg7[%dma_wait3A_993, %dma_wait3A_997, %dma_wait3A_998] : memref<4x32x129xf32, #tpu.memory_space<vmem>> -> memref<1x8x128xf32, #tpu.memory_space<vmem>>
        %dma_wait3A_1000 = tpu.memref_squeeze %dma_wait3A_999 : memref<1x8x128xf32, #tpu.memory_space<vmem>> -> memref<8x128xf32, #tpu.memory_space<vmem>>
        %dma_wait3A_1001 = arith.constant 0 : i32
        %dma_wait3A_1002 = arith.constant 0 : i32
        %dma_wait3A_1003 = tpu.memref_slice %arg4[%dma_wait3A_994, %dma_wait3A_995, %dma_wait3A_996, %dma_wait3A_1001, %dma_wait3A_1002] : memref<200x4x128x8x128xf32, #tpu.memory_space<hbm>> -> memref<1x1x1x8x128xf32, #tpu.memory_space<hbm>>
        %dma_wait3A_1004 = tpu.memref_squeeze %dma_wait3A_1003 : memref<1x1x1x8x128xf32, #tpu.memory_space<hbm>> -> memref<8x128xf32, #tpu.memory_space<hbm>>
        %dma_wait3A_1005 = arith.constant 0 : i32
        %dma_wait3A_1006 = arith.constant 0 : i32
        %dma_wait3A_1007 = tpu.memref_slice %arg4[%dma_wait3A_994, %dma_wait3A_995, %dma_wait3A_996, %dma_wait3A_1005, %dma_wait3A_1006] : memref<200x4x128x8x128xf32, #tpu.memory_space<hbm>> -> memref<1x1x1x8x128xf32, #tpu.memory_space<hbm>>
        %dma_wait3A_1008 = tpu.memref_squeeze %dma_wait3A_1007 : memref<1x1x1x8x128xf32, #tpu.memory_space<hbm>> -> memref<8x128xf32, #tpu.memory_space<hbm>>
        %dma_wait3A_1009 = arith.constant 0 : i32
        %dma_wait3A_1010 = arith.constant 0 : i32
        %dma_wait3A_1011 = tpu.memref_slice %arg7[%dma_wait3A_993, %dma_wait3A_1009, %dma_wait3A_1010] : memref<4x32x129xf32, #tpu.memory_space<vmem>> -> memref<1x8x128xf32, #tpu.memory_space<vmem>>
        %dma_wait3A_1012 = tpu.memref_squeeze %dma_wait3A_1011 : memref<1x8x128xf32, #tpu.memory_space<vmem>> -> memref<8x128xf32, #tpu.memory_space<vmem>>
        tpu.wait_dma2 semaphore(%arg19 : memref<!tpu.dma_semaphore, #tpu.memory_space<semaphore_mem>>) src(%dma_wait3A_1012 : memref<8x128xf32, #tpu.memory_space<vmem>>) dst(%dma_wait3A_1008 : memref<8x128xf32, #tpu.memory_space<hbm>>)
        %dma_wait3A_1013 = arith.constant 3 : i32
        %dma_wait3A_1014 = arith.constant 0 : i32
        %dma_wait3A_1015 = arith.constant 0 : i32
        %dma_wait3A_1016 = arith.constant 0 : i32
        %dma_wait3A_1017 = arith.constant 8 : i32
        %dma_wait3A_1018 = arith.constant 0 : i32
        %dma_wait3A_1019 = tpu.memref_slice %arg7[%dma_wait3A_1013, %dma_wait3A_1017, %dma_wait3A_1018] : memref<4x32x129xf32, #tpu.memory_space<vmem>> -> memref<1x8x128xf32, #tpu.memory_space<vmem>>
        %dma_wait3A_1020 = tpu.memref_squeeze %dma_wait3A_1019 : memref<1x8x128xf32, #tpu.memory_space<vmem>> -> memref<8x128xf32, #tpu.memory_space<vmem>>
        %dma_wait3A_1021 = arith.constant 0 : i32
        %dma_wait3A_1022 = arith.constant 0 : i32
        %dma_wait3A_1023 = tpu.memref_slice %arg4[%dma_wait3A_1014, %dma_wait3A_1015, %dma_wait3A_1016, %dma_wait3A_1021, %dma_wait3A_1022] : memref<200x4x128x8x128xf32, #tpu.memory_space<hbm>> -> memref<1x1x1x8x128xf32, #tpu.memory_space<hbm>>
        %dma_wait3A_1024 = tpu.memref_squeeze %dma_wait3A_1023 : memref<1x1x1x8x128xf32, #tpu.memory_space<hbm>> -> memref<8x128xf32, #tpu.memory_space<hbm>>
        %dma_wait3A_1025 = arith.constant 0 : i32
        %dma_wait3A_1026 = arith.constant 0 : i32
        %dma_wait3A_1027 = tpu.memref_slice %arg4[%dma_wait3A_1014, %dma_wait3A_1015, %dma_wait3A_1016, %dma_wait3A_1025, %dma_wait3A_1026] : memref<200x4x128x8x128xf32, #tpu.memory_space<hbm>> -> memref<1x1x1x8x128xf32, #tpu.memory_space<hbm>>
        %dma_wait3A_1028 = tpu.memref_squeeze %dma_wait3A_1027 : memref<1x1x1x8x128xf32, #tpu.memory_space<hbm>> -> memref<8x128xf32, #tpu.memory_space<hbm>>
        %dma_wait3A_1029 = arith.constant 8 : i32
        %dma_wait3A_1030 = arith.constant 0 : i32
        %dma_wait3A_1031 = tpu.memref_slice %arg7[%dma_wait3A_1013, %dma_wait3A_1029, %dma_wait3A_1030] : memref<4x32x129xf32, #tpu.memory_space<vmem>> -> memref<1x8x128xf32, #tpu.memory_space<vmem>>
        %dma_wait3A_1032 = tpu.memref_squeeze %dma_wait3A_1031 : memref<1x8x128xf32, #tpu.memory_space<vmem>> -> memref<8x128xf32, #tpu.memory_space<vmem>>
        tpu.wait_dma2 semaphore(%arg19 : memref<!tpu.dma_semaphore, #tpu.memory_space<semaphore_mem>>) src(%dma_wait3A_1032 : memref<8x128xf32, #tpu.memory_space<vmem>>) dst(%dma_wait3A_1028 : memref<8x128xf32, #tpu.memory_space<hbm>>)
        %dma_wait3A_1033 = arith.constant 3 : i32
        %dma_wait3A_1034 = arith.constant 0 : i32
        %dma_wait3A_1035 = arith.constant 0 : i32
        %dma_wait3A_1036 = arith.constant 0 : i32
        %dma_wait3A_1037 = arith.constant 16 : i32
        %dma_wait3A_1038 = arith.constant 0 : i32
        %dma_wait3A_1039 = tpu.memref_slice %arg7[%dma_wait3A_1033, %dma_wait3A_1037, %dma_wait3A_1038] : memref<4x32x129xf32, #tpu.memory_space<vmem>> -> memref<1x8x128xf32, #tpu.memory_space<vmem>>
        %dma_wait3A_1040 = tpu.memref_squeeze %dma_wait3A_1039 : memref<1x8x128xf32, #tpu.memory_space<vmem>> -> memref<8x128xf32, #tpu.memory_space<vmem>>
        %dma_wait3A_1041 = arith.constant 0 : i32
        %dma_wait3A_1042 = arith.constant 0 : i32
        %dma_wait3A_1043 = tpu.memref_slice %arg4[%dma_wait3A_1034, %dma_wait3A_1035, %dma_wait3A_1036, %dma_wait3A_1041, %dma_wait3A_1042] : memref<200x4x128x8x128xf32, #tpu.memory_space<hbm>> -> memref<1x1x1x8x128xf32, #tpu.memory_space<hbm>>
        %dma_wait3A_1044 = tpu.memref_squeeze %dma_wait3A_1043 : memref<1x1x1x8x128xf32, #tpu.memory_space<hbm>> -> memref<8x128xf32, #tpu.memory_space<hbm>>
        %dma_wait3A_1045 = arith.constant 0 : i32
        %dma_wait3A_1046 = arith.constant 0 : i32
        %dma_wait3A_1047 = tpu.memref_slice %arg4[%dma_wait3A_1034, %dma_wait3A_1035, %dma_wait3A_1036, %dma_wait3A_1045, %dma_wait3A_1046] : memref<200x4x128x8x128xf32, #tpu.memory_space<hbm>> -> memref<1x1x1x8x128xf32, #tpu.memory_space<hbm>>
        %dma_wait3A_1048 = tpu.memref_squeeze %dma_wait3A_1047 : memref<1x1x1x8x128xf32, #tpu.memory_space<hbm>> -> memref<8x128xf32, #tpu.memory_space<hbm>>
        %dma_wait3A_1049 = arith.constant 16 : i32
        %dma_wait3A_1050 = arith.constant 0 : i32
        %dma_wait3A_1051 = tpu.memref_slice %arg7[%dma_wait3A_1033, %dma_wait3A_1049, %dma_wait3A_1050] : memref<4x32x129xf32, #tpu.memory_space<vmem>> -> memref<1x8x128xf32, #tpu.memory_space<vmem>>
        %dma_wait3A_1052 = tpu.memref_squeeze %dma_wait3A_1051 : memref<1x8x128xf32, #tpu.memory_space<vmem>> -> memref<8x128xf32, #tpu.memory_space<vmem>>
        tpu.wait_dma2 semaphore(%arg19 : memref<!tpu.dma_semaphore, #tpu.memory_space<semaphore_mem>>) src(%dma_wait3A_1052 : memref<8x128xf32, #tpu.memory_space<vmem>>) dst(%dma_wait3A_1048 : memref<8x128xf32, #tpu.memory_space<hbm>>)
        %dma_wait3A_1053 = arith.constant 3 : i32
        %dma_wait3A_1054 = arith.constant 0 : i32
        %dma_wait3A_1055 = arith.constant 0 : i32
        %dma_wait3A_1056 = arith.constant 0 : i32
        %dma_wait3A_1057 = arith.constant 24 : i32
        %dma_wait3A_1058 = arith.constant 0 : i32
        %dma_wait3A_1059 = tpu.memref_slice %arg7[%dma_wait3A_1053, %dma_wait3A_1057, %dma_wait3A_1058] : memref<4x32x129xf32, #tpu.memory_space<vmem>> -> memref<1x8x128xf32, #tpu.memory_space<vmem>>
        %dma_wait3A_1060 = tpu.memref_squeeze %dma_wait3A_1059 : memref<1x8x128xf32, #tpu.memory_space<vmem>> -> memref<8x128xf32, #tpu.memory_space<vmem>>
        %dma_wait3A_1061 = arith.constant 0 : i32
        %dma_wait3A_1062 = arith.constant 0 : i32
        %dma_wait3A_1063 = tpu.memref_slice %arg4[%dma_wait3A_1054, %dma_wait3A_1055, %dma_wait3A_1056, %dma_wait3A_1061, %dma_wait3A_1062] : memref<200x4x128x8x128xf32, #tpu.memory_space<hbm>> -> memref<1x1x1x8x128xf32, #tpu.memory_space<hbm>>
        %dma_wait3A_1064 = tpu.memref_squeeze %dma_wait3A_1063 : memref<1x1x1x8x128xf32, #tpu.memory_space<hbm>> -> memref<8x128xf32, #tpu.memory_space<hbm>>
        %dma_wait3A_1065 = arith.constant 0 : i32
        %dma_wait3A_1066 = arith.constant 0 : i32
        %dma_wait3A_1067 = tpu.memref_slice %arg4[%dma_wait3A_1054, %dma_wait3A_1055, %dma_wait3A_1056, %dma_wait3A_1065, %dma_wait3A_1066] : memref<200x4x128x8x128xf32, #tpu.memory_space<hbm>> -> memref<1x1x1x8x128xf32, #tpu.memory_space<hbm>>
        %dma_wait3A_1068 = tpu.memref_squeeze %dma_wait3A_1067 : memref<1x1x1x8x128xf32, #tpu.memory_space<hbm>> -> memref<8x128xf32, #tpu.memory_space<hbm>>
        %dma_wait3A_1069 = arith.constant 24 : i32
        %dma_wait3A_1070 = arith.constant 0 : i32
        %dma_wait3A_1071 = tpu.memref_slice %arg7[%dma_wait3A_1053, %dma_wait3A_1069, %dma_wait3A_1070] : memref<4x32x129xf32, #tpu.memory_space<vmem>> -> memref<1x8x128xf32, #tpu.memory_space<vmem>>
        %dma_wait3A_1072 = tpu.memref_squeeze %dma_wait3A_1071 : memref<1x8x128xf32, #tpu.memory_space<vmem>> -> memref<8x128xf32, #tpu.memory_space<vmem>>
        tpu.wait_dma2 semaphore(%arg19 : memref<!tpu.dma_semaphore, #tpu.memory_space<semaphore_mem>>) src(%dma_wait3A_1072 : memref<8x128xf32, #tpu.memory_space<vmem>>) dst(%dma_wait3A_1068 : memref<8x128xf32, #tpu.memory_space<hbm>>)
      } else {
      }
      %add3A_591 = arith.constant 2 : i32
      %add3A_592 = arith.addi %add3A_561, %add3A_591 : i32
      %lt3A_593 = arith.constant 800 : i32
      %lt3A_594 = arith.cmpi slt, %add3A_592, %lt3A_593 : i32
      %convert_element_type3A_595 = arith.extui %lt3A_594 : i1 to i32
      %cond3A_596 = arith.constant 0 : i32
      %cond3A_597 = arith.cmpi ne, %convert_element_type3A_595, %cond3A_596 : i32
      scf.if %cond3A_597 {
        %add3A_993 = arith.constant 2 : i32
        %add3A_994 = arith.addi %add3A_561, %add3A_993 : i32
        %mul3A_995 = arith.constant 128 : i32
        %mul3A_996 = arith.muli %mul3A_2, %mul3A_995 : i32
        %dma_wait3A_997 = arith.constant 3 : i32
        %dma_wait3A_998 = arith.constant 0 : i32
        %dma_wait3A_999 = tpu.memref_slice %arg5[%dma_wait3A_997, %dma_wait3A_998] : memref<4x128xi32, #tpu.memory_space<vmem>> -> memref<1x128xi32, #tpu.memory_space<vmem>>
        %dma_wait3A_1000 = tpu.memref_squeeze %dma_wait3A_999 : memref<1x128xi32, #tpu.memory_space<vmem>> -> memref<128xi32, #tpu.memory_space<vmem>>
        %dma_wait3A_1001 = tpu.memref_slice %arg3[%mul3A_996] : memref<3276800xi32, #tpu.memory_space<hbm>> -> memref<128xi32, #tpu.memory_space<hbm>>
        %dma_wait3A_1002 = arith.constant 0 : i32
        %dma_wait3A_1003 = tpu.memref_slice %arg5[%dma_wait3A_997, %dma_wait3A_1002] : memref<4x128xi32, #tpu.memory_space<vmem>> -> memref<1x128xi32, #tpu.memory_space<vmem>>
        %dma_wait3A_1004 = tpu.memref_squeeze %dma_wait3A_1003 : memref<1x128xi32, #tpu.memory_space<vmem>> -> memref<128xi32, #tpu.memory_space<vmem>>
        %dma_wait3A_1005 = tpu.memref_slice %arg3[%mul3A_996] : memref<3276800xi32, #tpu.memory_space<hbm>> -> memref<128xi32, #tpu.memory_space<hbm>>
        tpu.wait_dma2 semaphore(%arg11 : memref<!tpu.dma_semaphore, #tpu.memory_space<semaphore_mem>>) src(%dma_wait3A_1005 : memref<128xi32, #tpu.memory_space<hbm>>) dst(%dma_wait3A_1004 : memref<128xi32, #tpu.memory_space<vmem>>)
        %dma_start3A_1006 = arith.constant 3 : i32
        %dma_start3A_1007 = arith.constant 3 : i32
        %dma_start3A_1008 = arith.constant 0 : i32
        %dma_start3A_1009 = arith.constant 0 : i32
        %dma_start3A_1010 = tpu.memref_slice %arg6[%dma_start3A_1007, %dma_start3A_1008, %dma_start3A_1009] : memref<4x128x32xf32, #tpu.memory_space<vmem>> -> memref<1x128x32xf32, #tpu.memory_space<vmem>>
        %dma_start3A_1011 = tpu.memref_squeeze %dma_start3A_1010 : memref<1x128x32xf32, #tpu.memory_space<vmem>> -> memref<128x32xf32, #tpu.memory_space<vmem>>
        %dma_start3A_1012 = arith.constant 0 : i32
        %dma_start3A_1013 = tpu.memref_slice %arg5[%dma_start3A_1006, %dma_start3A_1012] : memref<4x128xi32, #tpu.memory_space<vmem>> -> memref<1x128xi32, #tpu.memory_space<vmem>>
        %dma_start3A_1014 = tpu.memref_squeeze %dma_start3A_1013 : memref<1x128xi32, #tpu.memory_space<vmem>> -> memref<128xi32, #tpu.memory_space<vmem>>
        %dma_start3A_1015 = arith.constant 0 : i32
        %dma_start3A_1016 = arith.constant 0 : i32
        %dma_start3A_1017 = tpu.memref_slice %arg2[%dma_start3A_1015, %dma_start3A_1016] : memref<100000x32xf32, #tpu.memory_space<hbm>> -> memref<100000x32xf32, #tpu.memory_space<hbm>>
        tpu.enqueue_indirect_dma source(%dma_start3A_1017 : memref<100000x32xf32, #tpu.memory_space<hbm>>) target(%dma_start3A_1011 : memref<128x32xf32, #tpu.memory_space<vmem>>) offsets(%dma_start3A_1014 : memref<128xi32, #tpu.memory_space<vmem>>) semaphore(%arg15 : memref<!tpu.dma_semaphore, #tpu.memory_space<semaphore_mem>>)
      } else {
      }
      %scan3A_598 = arith.constant 0 : i32
      %scan3A_599 = arith.constant 0 : i32
      %scan3A_600 = arith.constant 32 : i32
      %scan3A_601 = arith.addi %scan3A_599, %scan3A_600 : i32
      %scan3A_602 = arith.constant 1 : i32
      scf.for %scan3A_993 = %scan3A_599 to %scan3A_601 step %scan3A_602  : i32 {
        %mul3A_994 = arith.constant 4 : i32
        %mul3A_995 = arith.muli %mul3A_994, %scan3A_993 : i32
        %add3A_996 = arith.constant 0 : i32
        %add3A_997 = arith.addi %mul3A_995, %add3A_996 : i32
        %broadcast_in_dim3A = vector.broadcast %add3A_997 : i32 to vector<16xi32>
        %get3A = arith.constant 1 : i32
        %get3A_998 = arith.index_cast %get3A : i32 to index
        %get3A_999 = arith.index_cast %add3A_997 : i32 to index
        %get3A_1000 = arith.constant 0 : index
        %get3A_1001 = tpu.vector_load %arg6[%get3A_998, %get3A_999, %get3A_1000] {strides = array<i32>} : memref<4x128x32xf32, #tpu.memory_space<vmem>>, vector<16xf32>,
        %add3A_1002 = arith.constant 0 : i32
        %add3A_1003 = vector.broadcast %add3A_1002 : i32 to vector<16xi32>
        %add3A_1004 = arith.addi %iota3A, %add3A_1003 : vector<16xi32>
        %scatter3A = arith.constant 1 : i32
        %scatter3A_1005 = arith.constant 0 : i32
        %scatter3A_1006 = arith.constant 0 : i32
        %scatter3A_1007 = tpu.memref_slice %arg7[%scatter3A, %scatter3A_1005, %scatter3A_1006] : memref<4x32x129xf32, #tpu.memory_space<vmem>> -> memref<1x32x129xf32, #tpu.memory_space<vmem>>
        %scatter3A_1008 = tpu.memref_squeeze %scatter3A_1007 : memref<1x32x129xf32, #tpu.memory_space<vmem>> -> memref<32x129xf32, #tpu.memory_space<vmem>>
        tpu.vector_store_idx %scatter3A_1008[%add3A_1004, %broadcast_in_dim3A], %get3A_1001 : memref<32x129xf32, #tpu.memory_space<vmem>>[vector<16xi32>, vector<16xi32>], vector<16xf32>,
        %get3A_1009 = arith.constant 1 : i32
        %get3A_1010 = arith.index_cast %get3A_1009 : i32 to index
        %get3A_1011 = arith.index_cast %add3A_997 : i32 to index
        %get3A_1012 = arith.constant 16 : index
        %get3A_1013 = tpu.vector_load %arg6[%get3A_1010, %get3A_1011, %get3A_1012] {strides = array<i32>} : memref<4x128x32xf32, #tpu.memory_space<vmem>>, vector<16xf32>,
        %add3A_1014 = arith.constant 16 : i32
        %add3A_1015 = vector.broadcast %add3A_1014 : i32 to vector<16xi32>
        %add3A_1016 = arith.addi %iota3A, %add3A_1015 : vector<16xi32>
        %scatter3A_1017 = arith.constant 1 : i32
        %scatter3A_1018 = arith.constant 0 : i32
        %scatter3A_1019 = arith.constant 0 : i32
        %scatter3A_1020 = tpu.memref_slice %arg7[%scatter3A_1017, %scatter3A_1018, %scatter3A_1019] : memref<4x32x129xf32, #tpu.memory_space<vmem>> -> memref<1x32x129xf32, #tpu.memory_space<vmem>>
        %scatter3A_1021 = tpu.memref_squeeze %scatter3A_1020 : memref<1x32x129xf32, #tpu.memory_space<vmem>> -> memref<32x129xf32, #tpu.memory_space<vmem>>
        tpu.vector_store_idx %scatter3A_1021[%add3A_1016, %broadcast_in_dim3A], %get3A_1013 : memref<32x129xf32, #tpu.memory_space<vmem>>[vector<16xi32>, vector<16xi32>], vector<16xf32>,
        %mul3A_1022 = arith.constant 4 : i32
        %mul3A_1023 = arith.muli %mul3A_1022, %scan3A_993 : i32
        %add3A_1024 = arith.constant 1 : i32
        %add3A_1025 = arith.addi %mul3A_1023, %add3A_1024 : i32
        %broadcast_in_dim3A_1026 = vector.broadcast %add3A_1025 : i32 to vector<16xi32>
        %get3A_1027 = arith.constant 1 : i32
        %get3A_1028 = arith.index_cast %get3A_1027 : i32 to index
        %get3A_1029 = arith.index_cast %add3A_1025 : i32 to index
        %get3A_1030 = arith.constant 0 : index
        %get3A_1031 = tpu.vector_load %arg6[%get3A_1028, %get3A_1029, %get3A_1030] {strides = array<i32>} : memref<4x128x32xf32, #tpu.memory_space<vmem>>, vector<16xf32>,
        %add3A_1032 = arith.constant 0 : i32
        %add3A_1033 = vector.broadcast %add3A_1032 : i32 to vector<16xi32>
        %add3A_1034 = arith.addi %iota3A, %add3A_1033 : vector<16xi32>
        %scatter3A_1035 = arith.constant 1 : i32
        %scatter3A_1036 = arith.constant 0 : i32
        %scatter3A_1037 = arith.constant 0 : i32
        %scatter3A_1038 = tpu.memref_slice %arg7[%scatter3A_1035, %scatter3A_1036, %scatter3A_1037] : memref<4x32x129xf32, #tpu.memory_space<vmem>> -> memref<1x32x129xf32, #tpu.memory_space<vmem>>
        %scatter3A_1039 = tpu.memref_squeeze %scatter3A_1038 : memref<1x32x129xf32, #tpu.memory_space<vmem>> -> memref<32x129xf32, #tpu.memory_space<vmem>>
        tpu.vector_store_idx %scatter3A_1039[%add3A_1034, %broadcast_in_dim3A_1026], %get3A_1031 : memref<32x129xf32, #tpu.memory_space<vmem>>[vector<16xi32>, vector<16xi32>], vector<16xf32>,
        %get3A_1040 = arith.constant 1 : i32
        %get3A_1041 = arith.index_cast %get3A_1040 : i32 to index
        %get3A_1042 = arith.index_cast %add3A_1025 : i32 to index
        %get3A_1043 = arith.constant 16 : index
        %get3A_1044 = tpu.vector_load %arg6[%get3A_1041, %get3A_1042, %get3A_1043] {strides = array<i32>} : memref<4x128x32xf32, #tpu.memory_space<vmem>>, vector<16xf32>,
        %add3A_1045 = arith.constant 16 : i32
        %add3A_1046 = vector.broadcast %add3A_1045 : i32 to vector<16xi32>
        %add3A_1047 = arith.addi %iota3A, %add3A_1046 : vector<16xi32>
        %scatter3A_1048 = arith.constant 1 : i32
        %scatter3A_1049 = arith.constant 0 : i32
        %scatter3A_1050 = arith.constant 0 : i32
        %scatter3A_1051 = tpu.memref_slice %arg7[%scatter3A_1048, %scatter3A_1049, %scatter3A_1050] : memref<4x32x129xf32, #tpu.memory_space<vmem>> -> memref<1x32x129xf32, #tpu.memory_space<vmem>>
        %scatter3A_1052 = tpu.memref_squeeze %scatter3A_1051 : memref<1x32x129xf32, #tpu.memory_space<vmem>> -> memref<32x129xf32, #tpu.memory_space<vmem>>
        tpu.vector_store_idx %scatter3A_1052[%add3A_1047, %broadcast_in_dim3A_1026], %get3A_1044 : memref<32x129xf32, #tpu.memory_space<vmem>>[vector<16xi32>, vector<16xi32>], vector<16xf32>,
        %mul3A_1053 = arith.constant 4 : i32
        %mul3A_1054 = arith.muli %mul3A_1053, %scan3A_993 : i32
        %add3A_1055 = arith.constant 2 : i32
        %add3A_1056 = arith.addi %mul3A_1054, %add3A_1055 : i32
        %broadcast_in_dim3A_1057 = vector.broadcast %add3A_1056 : i32 to vector<16xi32>
        %get3A_1058 = arith.constant 1 : i32
        %get3A_1059 = arith.index_cast %get3A_1058 : i32 to index
        %get3A_1060 = arith.index_cast %add3A_1056 : i32 to index
        %get3A_1061 = arith.constant 0 : index
        %get3A_1062 = tpu.vector_load %arg6[%get3A_1059, %get3A_1060, %get3A_1061] {strides = array<i32>} : memref<4x128x32xf32, #tpu.memory_space<vmem>>, vector<16xf32>,
        %add3A_1063 = arith.constant 0 : i32
        %add3A_1064 = vector.broadcast %add3A_1063 : i32 to vector<16xi32>
        %add3A_1065 = arith.addi %iota3A, %add3A_1064 : vector<16xi32>
        %scatter3A_1066 = arith.constant 1 : i32
        %scatter3A_1067 = arith.constant 0 : i32
        %scatter3A_1068 = arith.constant 0 : i32
        %scatter3A_1069 = tpu.memref_slice %arg7[%scatter3A_1066, %scatter3A_1067, %scatter3A_1068] : memref<4x32x129xf32, #tpu.memory_space<vmem>> -> memref<1x32x129xf32, #tpu.memory_space<vmem>>
        %scatter3A_1070 = tpu.memref_squeeze %scatter3A_1069 : memref<1x32x129xf32, #tpu.memory_space<vmem>> -> memref<32x129xf32, #tpu.memory_space<vmem>>
        tpu.vector_store_idx %scatter3A_1070[%add3A_1065, %broadcast_in_dim3A_1057], %get3A_1062 : memref<32x129xf32, #tpu.memory_space<vmem>>[vector<16xi32>, vector<16xi32>], vector<16xf32>,
        %get3A_1071 = arith.constant 1 : i32
        %get3A_1072 = arith.index_cast %get3A_1071 : i32 to index
        %get3A_1073 = arith.index_cast %add3A_1056 : i32 to index
        %get3A_1074 = arith.constant 16 : index
        %get3A_1075 = tpu.vector_load %arg6[%get3A_1072, %get3A_1073, %get3A_1074] {strides = array<i32>} : memref<4x128x32xf32, #tpu.memory_space<vmem>>, vector<16xf32>,
        %add3A_1076 = arith.constant 16 : i32
        %add3A_1077 = vector.broadcast %add3A_1076 : i32 to vector<16xi32>
        %add3A_1078 = arith.addi %iota3A, %add3A_1077 : vector<16xi32>
        %scatter3A_1079 = arith.constant 1 : i32
        %scatter3A_1080 = arith.constant 0 : i32
        %scatter3A_1081 = arith.constant 0 : i32
        %scatter3A_1082 = tpu.memref_slice %arg7[%scatter3A_1079, %scatter3A_1080, %scatter3A_1081] : memref<4x32x129xf32, #tpu.memory_space<vmem>> -> memref<1x32x129xf32, #tpu.memory_space<vmem>>
        %scatter3A_1083 = tpu.memref_squeeze %scatter3A_1082 : memref<1x32x129xf32, #tpu.memory_space<vmem>> -> memref<32x129xf32, #tpu.memory_space<vmem>>
        tpu.vector_store_idx %scatter3A_1083[%add3A_1078, %broadcast_in_dim3A_1057], %get3A_1075 : memref<32x129xf32, #tpu.memory_space<vmem>>[vector<16xi32>, vector<16xi32>], vector<16xf32>,
        %mul3A_1084 = arith.constant 4 : i32
        %mul3A_1085 = arith.muli %mul3A_1084, %scan3A_993 : i32
        %add3A_1086 = arith.constant 3 : i32
        %add3A_1087 = arith.addi %mul3A_1085, %add3A_1086 : i32
        %broadcast_in_dim3A_1088 = vector.broadcast %add3A_1087 : i32 to vector<16xi32>
        %get3A_1089 = arith.constant 1 : i32
        %get3A_1090 = arith.index_cast %get3A_1089 : i32 to index
        %get3A_1091 = arith.index_cast %add3A_1087 : i32 to index
        %get3A_1092 = arith.constant 0 : index
        %get3A_1093 = tpu.vector_load %arg6[%get3A_1090, %get3A_1091, %get3A_1092] {strides = array<i32>} : memref<4x128x32xf32, #tpu.memory_space<vmem>>, vector<16xf32>,
        %add3A_1094 = arith.constant 0 : i32
        %add3A_1095 = vector.broadcast %add3A_1094 : i32 to vector<16xi32>
        %add3A_1096 = arith.addi %iota3A, %add3A_1095 : vector<16xi32>
        %scatter3A_1097 = arith.constant 1 : i32
        %scatter3A_1098 = arith.constant 0 : i32
        %scatter3A_1099 = arith.constant 0 : i32
        %scatter3A_1100 = tpu.memref_slice %arg7[%scatter3A_1097, %scatter3A_1098, %scatter3A_1099] : memref<4x32x129xf32, #tpu.memory_space<vmem>> -> memref<1x32x129xf32, #tpu.memory_space<vmem>>
        %scatter3A_1101 = tpu.memref_squeeze %scatter3A_1100 : memref<1x32x129xf32, #tpu.memory_space<vmem>> -> memref<32x129xf32, #tpu.memory_space<vmem>>
        tpu.vector_store_idx %scatter3A_1101[%add3A_1096, %broadcast_in_dim3A_1088], %get3A_1093 : memref<32x129xf32, #tpu.memory_space<vmem>>[vector<16xi32>, vector<16xi32>], vector<16xf32>,
        %get3A_1102 = arith.constant 1 : i32
        %get3A_1103 = arith.index_cast %get3A_1102 : i32 to index
        %get3A_1104 = arith.index_cast %add3A_1087 : i32 to index
        %get3A_1105 = arith.constant 16 : index
        %get3A_1106 = tpu.vector_load %arg6[%get3A_1103, %get3A_1104, %get3A_1105] {strides = array<i32>} : memref<4x128x32xf32, #tpu.memory_space<vmem>>, vector<16xf32>,
        %add3A_1107 = arith.constant 16 : i32
        %add3A_1108 = vector.broadcast %add3A_1107 : i32 to vector<16xi32>
        %add3A_1109 = arith.addi %iota3A, %add3A_1108 : vector<16xi32>
        %scatter3A_1110 = arith.constant 1 : i32
        %scatter3A_1111 = arith.constant 0 : i32
        %scatter3A_1112 = arith.constant 0 : i32
        %scatter3A_1113 = tpu.memref_slice %arg7[%scatter3A_1110, %scatter3A_1111, %scatter3A_1112] : memref<4x32x129xf32, #tpu.memory_space<vmem>> -> memref<1x32x129xf32, #tpu.memory_space<vmem>>
        %scatter3A_1114 = tpu.memref_squeeze %scatter3A_1113 : memref<1x32x129xf32, #tpu.memory_space<vmem>> -> memref<32x129xf32, #tpu.memory_space<vmem>>
        tpu.vector_store_idx %scatter3A_1114[%add3A_1109, %broadcast_in_dim3A_1088], %get3A_1106 : memref<32x129xf32, #tpu.memory_space<vmem>>[vector<16xi32>, vector<16xi32>], vector<16xf32>,
      }
      %scan3A_603 = arith.constant 32 : i32
      %add3A_604 = arith.addi %mul3A_2, %add3A_561 : i32
      %jit3A_605 = arith.constant 128 : i32
      %div3A_606 = arith.divsi %add3A_604, %jit3A_605 : i32
      %sign3A_607 = arith.constant 0 : i32
      %sign3A_608 = arith.cmpi sgt, %add3A_604, %sign3A_607 : i32
      %sign3A_609 = arith.extui %sign3A_608 : i1 to i32
      %sign3A_610 = arith.constant 0 : i32
      %sign3A_611 = arith.cmpi slt, %add3A_604, %sign3A_610 : i32
      %sign3A_612 = arith.extui %sign3A_611 : i1 to i32
      %sign3A_613 = arith.subi %sign3A_609, %sign3A_612 : i32
      %sign3A_614 = arith.constant 0 : i32
      %sign3A_615 = arith.cmpi sgt, %jit3A_605, %sign3A_614 : i32
      %sign3A_616 = arith.extui %sign3A_615 : i1 to i32
      %sign3A_617 = arith.constant 0 : i32
      %sign3A_618 = arith.cmpi slt, %jit3A_605, %sign3A_617 : i32
      %sign3A_619 = arith.extui %sign3A_618 : i1 to i32
      %sign3A_620 = arith.subi %sign3A_616, %sign3A_619 : i32
      %ne3A_621 = arith.cmpi ne, %sign3A_613, %sign3A_620 : i32
      %rem3A_622 = arith.remsi %add3A_604, %jit3A_605 : i32
      %ne3A_623 = arith.constant 0 : i32
      %ne3A_624 = arith.cmpi ne, %rem3A_622, %ne3A_623 : i32
      %and3A_625 = arith.andi %ne3A_621, %ne3A_624 : i1
      %sub3A_626 = arith.constant 1 : i32
      %sub3A_627 = arith.subi %div3A_606, %sub3A_626 : i32
      %select_n3A_628 = arith.select %and3A_625, %sub3A_627, %div3A_606 : i32
      %rem3A_629 = arith.constant 128 : i32
      %rem3A_630 = arith.remsi %add3A_604, %rem3A_629 : i32
      %dma_start3A_631 = arith.constant 1 : i32
      %dma_start3A_632 = arith.constant 0 : i32
      %dma_start3A_633 = arith.constant 0 : i32
      %dma_start3A_634 = arith.constant 0 : i32
      %dma_start3A_635 = tpu.memref_slice %arg7[%dma_start3A_631, %dma_start3A_633, %dma_start3A_634] : memref<4x32x129xf32, #tpu.memory_space<vmem>> -> memref<1x8x128xf32, #tpu.memory_space<vmem>>
      %dma_start3A_636 = tpu.memref_squeeze %dma_start3A_635 : memref<1x8x128xf32, #tpu.memory_space<vmem>> -> memref<8x128xf32, #tpu.memory_space<vmem>>
      %dma_start3A_637 = arith.constant 0 : i32
      %dma_start3A_638 = arith.constant 0 : i32
      %dma_start3A_639 = tpu.memref_slice %arg4[%select_n3A_628, %dma_start3A_632, %rem3A_630, %dma_start3A_637, %dma_start3A_638] : memref<200x4x128x8x128xf32, #tpu.memory_space<hbm>> -> memref<1x1x1x8x128xf32, #tpu.memory_space<hbm>>
      %dma_start3A_640 = tpu.memref_squeeze %dma_start3A_639 : memref<1x1x1x8x128xf32, #tpu.memory_space<hbm>> -> memref<8x128xf32, #tpu.memory_space<hbm>>
      %dma_start3A_641 = arith.constant 0 : i32
      %dma_start3A_642 = arith.constant 0 : i32
      %dma_start3A_643 = tpu.memref_slice %arg4[%select_n3A_628, %dma_start3A_632, %rem3A_630, %dma_start3A_641, %dma_start3A_642] : memref<200x4x128x8x128xf32, #tpu.memory_space<hbm>> -> memref<1x1x1x8x128xf32, #tpu.memory_space<hbm>>
      %dma_start3A_644 = tpu.memref_squeeze %dma_start3A_643 : memref<1x1x1x8x128xf32, #tpu.memory_space<hbm>> -> memref<8x128xf32, #tpu.memory_space<hbm>>
      %dma_start3A_645 = arith.constant 0 : i32
      %dma_start3A_646 = arith.constant 0 : i32
      %dma_start3A_647 = tpu.memref_slice %arg7[%dma_start3A_631, %dma_start3A_645, %dma_start3A_646] : memref<4x32x129xf32, #tpu.memory_space<vmem>> -> memref<1x8x128xf32, #tpu.memory_space<vmem>>
      %dma_start3A_648 = tpu.memref_squeeze %dma_start3A_647 : memref<1x8x128xf32, #tpu.memory_space<vmem>> -> memref<8x128xf32, #tpu.memory_space<vmem>>
      tpu.enqueue_dma source(%dma_start3A_648 : memref<8x128xf32, #tpu.memory_space<vmem>>) target(%dma_start3A_644 : memref<8x128xf32, #tpu.memory_space<hbm>>) target_semaphore(%arg17 : memref<!tpu.dma_semaphore, #tpu.memory_space<semaphore_mem>>)
      %dma_start3A_649 = arith.constant 1 : i32
      %dma_start3A_650 = arith.constant 1 : i32
      %dma_start3A_651 = arith.constant 8 : i32
      %dma_start3A_652 = arith.constant 0 : i32
      %dma_start3A_653 = tpu.memref_slice %arg7[%dma_start3A_649, %dma_start3A_651, %dma_start3A_652] : memref<4x32x129xf32, #tpu.memory_space<vmem>> -> memref<1x8x128xf32, #tpu.memory_space<vmem>>
      %dma_start3A_654 = tpu.memref_squeeze %dma_start3A_653 : memref<1x8x128xf32, #tpu.memory_space<vmem>> -> memref<8x128xf32, #tpu.memory_space<vmem>>
      %dma_start3A_655 = arith.constant 0 : i32
      %dma_start3A_656 = arith.constant 0 : i32
      %dma_start3A_657 = tpu.memref_slice %arg4[%select_n3A_628, %dma_start3A_650, %rem3A_630, %dma_start3A_655, %dma_start3A_656] : memref<200x4x128x8x128xf32, #tpu.memory_space<hbm>> -> memref<1x1x1x8x128xf32, #tpu.memory_space<hbm>>
      %dma_start3A_658 = tpu.memref_squeeze %dma_start3A_657 : memref<1x1x1x8x128xf32, #tpu.memory_space<hbm>> -> memref<8x128xf32, #tpu.memory_space<hbm>>
      %dma_start3A_659 = arith.constant 0 : i32
      %dma_start3A_660 = arith.constant 0 : i32
      %dma_start3A_661 = tpu.memref_slice %arg4[%select_n3A_628, %dma_start3A_650, %rem3A_630, %dma_start3A_659, %dma_start3A_660] : memref<200x4x128x8x128xf32, #tpu.memory_space<hbm>> -> memref<1x1x1x8x128xf32, #tpu.memory_space<hbm>>
      %dma_start3A_662 = tpu.memref_squeeze %dma_start3A_661 : memref<1x1x1x8x128xf32, #tpu.memory_space<hbm>> -> memref<8x128xf32, #tpu.memory_space<hbm>>
      %dma_start3A_663 = arith.constant 8 : i32
      %dma_start3A_664 = arith.constant 0 : i32
      %dma_start3A_665 = tpu.memref_slice %arg7[%dma_start3A_649, %dma_start3A_663, %dma_start3A_664] : memref<4x32x129xf32, #tpu.memory_space<vmem>> -> memref<1x8x128xf32, #tpu.memory_space<vmem>>
      %dma_start3A_666 = tpu.memref_squeeze %dma_start3A_665 : memref<1x8x128xf32, #tpu.memory_space<vmem>> -> memref<8x128xf32, #tpu.memory_space<vmem>>
      tpu.enqueue_dma source(%dma_start3A_666 : memref<8x128xf32, #tpu.memory_space<vmem>>) target(%dma_start3A_662 : memref<8x128xf32, #tpu.memory_space<hbm>>) target_semaphore(%arg17 : memref<!tpu.dma_semaphore, #tpu.memory_space<semaphore_mem>>)
      %dma_start3A_667 = arith.constant 1 : i32
      %dma_start3A_668 = arith.constant 2 : i32
      %dma_start3A_669 = arith.constant 16 : i32
      %dma_start3A_670 = arith.constant 0 : i32
      %dma_start3A_671 = tpu.memref_slice %arg7[%dma_start3A_667, %dma_start3A_669, %dma_start3A_670] : memref<4x32x129xf32, #tpu.memory_space<vmem>> -> memref<1x8x128xf32, #tpu.memory_space<vmem>>
      %dma_start3A_672 = tpu.memref_squeeze %dma_start3A_671 : memref<1x8x128xf32, #tpu.memory_space<vmem>> -> memref<8x128xf32, #tpu.memory_space<vmem>>
      %dma_start3A_673 = arith.constant 0 : i32
      %dma_start3A_674 = arith.constant 0 : i32
      %dma_start3A_675 = tpu.memref_slice %arg4[%select_n3A_628, %dma_start3A_668, %rem3A_630, %dma_start3A_673, %dma_start3A_674] : memref<200x4x128x8x128xf32, #tpu.memory_space<hbm>> -> memref<1x1x1x8x128xf32, #tpu.memory_space<hbm>>
      %dma_start3A_676 = tpu.memref_squeeze %dma_start3A_675 : memref<1x1x1x8x128xf32, #tpu.memory_space<hbm>> -> memref<8x128xf32, #tpu.memory_space<hbm>>
      %dma_start3A_677 = arith.constant 0 : i32
      %dma_start3A_678 = arith.constant 0 : i32
      %dma_start3A_679 = tpu.memref_slice %arg4[%select_n3A_628, %dma_start3A_668, %rem3A_630, %dma_start3A_677, %dma_start3A_678] : memref<200x4x128x8x128xf32, #tpu.memory_space<hbm>> -> memref<1x1x1x8x128xf32, #tpu.memory_space<hbm>>
      %dma_start3A_680 = tpu.memref_squeeze %dma_start3A_679 : memref<1x1x1x8x128xf32, #tpu.memory_space<hbm>> -> memref<8x128xf32, #tpu.memory_space<hbm>>
      %dma_start3A_681 = arith.constant 16 : i32
      %dma_start3A_682 = arith.constant 0 : i32
      %dma_start3A_683 = tpu.memref_slice %arg7[%dma_start3A_667, %dma_start3A_681, %dma_start3A_682] : memref<4x32x129xf32, #tpu.memory_space<vmem>> -> memref<1x8x128xf32, #tpu.memory_space<vmem>>
      %dma_start3A_684 = tpu.memref_squeeze %dma_start3A_683 : memref<1x8x128xf32, #tpu.memory_space<vmem>> -> memref<8x128xf32, #tpu.memory_space<vmem>>
      tpu.enqueue_dma source(%dma_start3A_684 : memref<8x128xf32, #tpu.memory_space<vmem>>) target(%dma_start3A_680 : memref<8x128xf32, #tpu.memory_space<hbm>>) target_semaphore(%arg17 : memref<!tpu.dma_semaphore, #tpu.memory_space<semaphore_mem>>)
      %dma_start3A_685 = arith.constant 1 : i32
      %dma_start3A_686 = arith.constant 3 : i32
      %dma_start3A_687 = arith.constant 24 : i32
      %dma_start3A_688 = arith.constant 0 : i32
      %dma_start3A_689 = tpu.memref_slice %arg7[%dma_start3A_685, %dma_start3A_687, %dma_start3A_688] : memref<4x32x129xf32, #tpu.memory_space<vmem>> -> memref<1x8x128xf32, #tpu.memory_space<vmem>>
      %dma_start3A_690 = tpu.memref_squeeze %dma_start3A_689 : memref<1x8x128xf32, #tpu.memory_space<vmem>> -> memref<8x128xf32, #tpu.memory_space<vmem>>
      %dma_start3A_691 = arith.constant 0 : i32
      %dma_start3A_692 = arith.constant 0 : i32
      %dma_start3A_693 = tpu.memref_slice %arg4[%select_n3A_628, %dma_start3A_686, %rem3A_630, %dma_start3A_691, %dma_start3A_692] : memref<200x4x128x8x128xf32, #tpu.memory_space<hbm>> -> memref<1x1x1x8x128xf32, #tpu.memory_space<hbm>>
      %dma_start3A_694 = tpu.memref_squeeze %dma_start3A_693 : memref<1x1x1x8x128xf32, #tpu.memory_space<hbm>> -> memref<8x128xf32, #tpu.memory_space<hbm>>
      %dma_start3A_695 = arith.constant 0 : i32
      %dma_start3A_696 = arith.constant 0 : i32
      %dma_start3A_697 = tpu.memref_slice %arg4[%select_n3A_628, %dma_start3A_686, %rem3A_630, %dma_start3A_695, %dma_start3A_696] : memref<200x4x128x8x128xf32, #tpu.memory_space<hbm>> -> memref<1x1x1x8x128xf32, #tpu.memory_space<hbm>>
      %dma_start3A_698 = tpu.memref_squeeze %dma_start3A_697 : memref<1x1x1x8x128xf32, #tpu.memory_space<hbm>> -> memref<8x128xf32, #tpu.memory_space<hbm>>
      %dma_start3A_699 = arith.constant 24 : i32
      %dma_start3A_700 = arith.constant 0 : i32
      %dma_start3A_701 = tpu.memref_slice %arg7[%dma_start3A_685, %dma_start3A_699, %dma_start3A_700] : memref<4x32x129xf32, #tpu.memory_space<vmem>> -> memref<1x8x128xf32, #tpu.memory_space<vmem>>
      %dma_start3A_702 = tpu.memref_squeeze %dma_start3A_701 : memref<1x8x128xf32, #tpu.memory_space<vmem>> -> memref<8x128xf32, #tpu.memory_space<vmem>>
      tpu.enqueue_dma source(%dma_start3A_702 : memref<8x128xf32, #tpu.memory_space<vmem>>) target(%dma_start3A_698 : memref<8x128xf32, #tpu.memory_space<hbm>>) target_semaphore(%arg17 : memref<!tpu.dma_semaphore, #tpu.memory_space<semaphore_mem>>)
      %mul3A_703 = arith.constant 4 : i32
      %mul3A_704 = arith.muli %mul3A_703, %scan3A_424 : i32
      %add3A_705 = arith.constant 2 : i32
      %add3A_706 = arith.addi %mul3A_704, %add3A_705 : i32
      %dma_wait3A_707 = arith.constant 2 : i32
      %dma_wait3A_708 = arith.constant 2 : i32
      %dma_wait3A_709 = arith.constant 0 : i32
      %dma_wait3A_710 = arith.constant 0 : i32
      %dma_wait3A_711 = tpu.memref_slice %arg6[%dma_wait3A_708, %dma_wait3A_709, %dma_wait3A_710] : memref<4x128x32xf32, #tpu.memory_space<vmem>> -> memref<1x128x32xf32, #tpu.memory_space<vmem>>
      %dma_wait3A_712 = tpu.memref_squeeze %dma_wait3A_711 : memref<1x128x32xf32, #tpu.memory_space<vmem>> -> memref<128x32xf32, #tpu.memory_space<vmem>>
      %dma_wait3A_713 = arith.constant 0 : i32
      %dma_wait3A_714 = tpu.memref_slice %arg5[%dma_wait3A_707, %dma_wait3A_713] : memref<4x128xi32, #tpu.memory_space<vmem>> -> memref<1x128xi32, #tpu.memory_space<vmem>>
      %dma_wait3A_715 = tpu.memref_squeeze %dma_wait3A_714 : memref<1x128xi32, #tpu.memory_space<vmem>> -> memref<128xi32, #tpu.memory_space<vmem>>
      %dma_wait3A_716 = arith.constant 0 : i32
      %dma_wait3A_717 = arith.constant 0 : i32
      %dma_wait3A_718 = tpu.memref_slice %arg2[%dma_wait3A_716, %dma_wait3A_717] : memref<100000x32xf32, #tpu.memory_space<hbm>> -> memref<100000x32xf32, #tpu.memory_space<hbm>>
      tpu.wait_indirect_dma semaphore(%arg14 : memref<!tpu.dma_semaphore, #tpu.memory_space<semaphore_mem>>) src(%dma_wait3A_718 : memref<100000x32xf32, #tpu.memory_space<hbm>>) dst(%dma_wait3A_712 : memref<128x32xf32, #tpu.memory_space<vmem>>)
      %add3A_719 = arith.constant 4 : i32
      %add3A_720 = arith.addi %add3A_706, %add3A_719 : i32
      %lt3A_721 = arith.constant 800 : i32
      %lt3A_722 = arith.cmpi slt, %add3A_720, %lt3A_721 : i32
      %convert_element_type3A_723 = arith.extui %lt3A_722 : i1 to i32
      %cond3A_724 = arith.constant 0 : i32
      %cond3A_725 = arith.cmpi ne, %convert_element_type3A_723, %cond3A_724 : i32
      scf.if %cond3A_725 {
        %add3A_993 = arith.constant 4 : i32
        %add3A_994 = arith.addi %add3A_706, %add3A_993 : i32
        %add3A_995 = arith.addi %mul3A_2, %add3A_994 : i32
        %mul3A_996 = arith.constant 128 : i32
        %mul3A_997 = arith.muli %add3A_995, %mul3A_996 : i32
        %dma_start3A_998 = arith.constant 2 : i32
        %dma_start3A_999 = arith.constant 0 : i32
        %dma_start3A_1000 = tpu.memref_slice %arg5[%dma_start3A_998, %dma_start3A_999] : memref<4x128xi32, #tpu.memory_space<vmem>> -> memref<1x128xi32, #tpu.memory_space<vmem>>
        %dma_start3A_1001 = tpu.memref_squeeze %dma_start3A_1000 : memref<1x128xi32, #tpu.memory_space<vmem>> -> memref<128xi32, #tpu.memory_space<vmem>>
        %dma_start3A_1002 = tpu.memref_slice %arg3[%mul3A_997] : memref<3276800xi32, #tpu.memory_space<hbm>> -> memref<128xi32, #tpu.memory_space<hbm>>
        %dma_start3A_1003 = arith.constant 0 : i32
        %dma_start3A_1004 = tpu.memref_slice %arg5[%dma_start3A_998, %dma_start3A_1003] : memref<4x128xi32, #tpu.memory_space<vmem>> -> memref<1x128xi32, #tpu.memory_space<vmem>>
        %dma_start3A_1005 = tpu.memref_squeeze %dma_start3A_1004 : memref<1x128xi32, #tpu.memory_space<vmem>> -> memref<128xi32, #tpu.memory_space<vmem>>
        %dma_start3A_1006 = tpu.memref_slice %arg3[%mul3A_997] : memref<3276800xi32, #tpu.memory_space<hbm>> -> memref<128xi32, #tpu.memory_space<hbm>>
        tpu.enqueue_dma source(%dma_start3A_1006 : memref<128xi32, #tpu.memory_space<hbm>>) target(%dma_start3A_1005 : memref<128xi32, #tpu.memory_space<vmem>>) target_semaphore(%arg10 : memref<!tpu.dma_semaphore, #tpu.memory_space<semaphore_mem>>)
      } else {
      }
      %ge3A_726 = arith.constant 2 : i32
      %ge3A_727 = arith.cmpi sge, %add3A_706, %ge3A_726 : i32
      %add3A_728 = arith.constant 2 : i32
      %add3A_729 = arith.addi %add3A_706, %add3A_728 : i32
      %lt3A_730 = arith.constant 800 : i32
      %lt3A_731 = arith.cmpi slt, %add3A_729, %lt3A_730 : i32
      %and3A_732 = arith.andi %ge3A_727, %lt3A_731 : i1
      %convert_element_type3A_733 = arith.extui %and3A_732 : i1 to i32
      %cond3A_734 = arith.constant 0 : i32
      %cond3A_735 = arith.cmpi ne, %convert_element_type3A_733, %cond3A_734 : i32
      scf.if %cond3A_735 {
        %dma_wait3A_993 = arith.constant 0 : i32
        %dma_wait3A_994 = arith.constant 0 : i32
        %dma_wait3A_995 = arith.constant 0 : i32
        %dma_wait3A_996 = arith.constant 0 : i32
        %dma_wait3A_997 = arith.constant 0 : i32
        %dma_wait3A_998 = arith.constant 0 : i32
        %dma_wait3A_999 = tpu.memref_slice %arg7[%dma_wait3A_993, %dma_wait3A_997, %dma_wait3A_998] : memref<4x32x129xf32, #tpu.memory_space<vmem>> -> memref<1x8x128xf32, #tpu.memory_space<vmem>>
        %dma_wait3A_1000 = tpu.memref_squeeze %dma_wait3A_999 : memref<1x8x128xf32, #tpu.memory_space<vmem>> -> memref<8x128xf32, #tpu.memory_space<vmem>>
        %dma_wait3A_1001 = arith.constant 0 : i32
        %dma_wait3A_1002 = arith.constant 0 : i32
        %dma_wait3A_1003 = tpu.memref_slice %arg4[%dma_wait3A_994, %dma_wait3A_995, %dma_wait3A_996, %dma_wait3A_1001, %dma_wait3A_1002] : memref<200x4x128x8x128xf32, #tpu.memory_space<hbm>> -> memref<1x1x1x8x128xf32, #tpu.memory_space<hbm>>
        %dma_wait3A_1004 = tpu.memref_squeeze %dma_wait3A_1003 : memref<1x1x1x8x128xf32, #tpu.memory_space<hbm>> -> memref<8x128xf32, #tpu.memory_space<hbm>>
        %dma_wait3A_1005 = arith.constant 0 : i32
        %dma_wait3A_1006 = arith.constant 0 : i32
        %dma_wait3A_1007 = tpu.memref_slice %arg4[%dma_wait3A_994, %dma_wait3A_995, %dma_wait3A_996, %dma_wait3A_1005, %dma_wait3A_1006] : memref<200x4x128x8x128xf32, #tpu.memory_space<hbm>> -> memref<1x1x1x8x128xf32, #tpu.memory_space<hbm>>
        %dma_wait3A_1008 = tpu.memref_squeeze %dma_wait3A_1007 : memref<1x1x1x8x128xf32, #tpu.memory_space<hbm>> -> memref<8x128xf32, #tpu.memory_space<hbm>>
        %dma_wait3A_1009 = arith.constant 0 : i32
        %dma_wait3A_1010 = arith.constant 0 : i32
        %dma_wait3A_1011 = tpu.memref_slice %arg7[%dma_wait3A_993, %dma_wait3A_1009, %dma_wait3A_1010] : memref<4x32x129xf32, #tpu.memory_space<vmem>> -> memref<1x8x128xf32, #tpu.memory_space<vmem>>
        %dma_wait3A_1012 = tpu.memref_squeeze %dma_wait3A_1011 : memref<1x8x128xf32, #tpu.memory_space<vmem>> -> memref<8x128xf32, #tpu.memory_space<vmem>>
        tpu.wait_dma2 semaphore(%arg16 : memref<!tpu.dma_semaphore, #tpu.memory_space<semaphore_mem>>) src(%dma_wait3A_1012 : memref<8x128xf32, #tpu.memory_space<vmem>>) dst(%dma_wait3A_1008 : memref<8x128xf32, #tpu.memory_space<hbm>>)
        %dma_wait3A_1013 = arith.constant 0 : i32
        %dma_wait3A_1014 = arith.constant 0 : i32
        %dma_wait3A_1015 = arith.constant 0 : i32
        %dma_wait3A_1016 = arith.constant 0 : i32
        %dma_wait3A_1017 = arith.constant 8 : i32
        %dma_wait3A_1018 = arith.constant 0 : i32
        %dma_wait3A_1019 = tpu.memref_slice %arg7[%dma_wait3A_1013, %dma_wait3A_1017, %dma_wait3A_1018] : memref<4x32x129xf32, #tpu.memory_space<vmem>> -> memref<1x8x128xf32, #tpu.memory_space<vmem>>
        %dma_wait3A_1020 = tpu.memref_squeeze %dma_wait3A_1019 : memref<1x8x128xf32, #tpu.memory_space<vmem>> -> memref<8x128xf32, #tpu.memory_space<vmem>>
        %dma_wait3A_1021 = arith.constant 0 : i32
        %dma_wait3A_1022 = arith.constant 0 : i32
        %dma_wait3A_1023 = tpu.memref_slice %arg4[%dma_wait3A_1014, %dma_wait3A_1015, %dma_wait3A_1016, %dma_wait3A_1021, %dma_wait3A_1022] : memref<200x4x128x8x128xf32, #tpu.memory_space<hbm>> -> memref<1x1x1x8x128xf32, #tpu.memory_space<hbm>>
        %dma_wait3A_1024 = tpu.memref_squeeze %dma_wait3A_1023 : memref<1x1x1x8x128xf32, #tpu.memory_space<hbm>> -> memref<8x128xf32, #tpu.memory_space<hbm>>
        %dma_wait3A_1025 = arith.constant 0 : i32
        %dma_wait3A_1026 = arith.constant 0 : i32
        %dma_wait3A_1027 = tpu.memref_slice %arg4[%dma_wait3A_1014, %dma_wait3A_1015, %dma_wait3A_1016, %dma_wait3A_1025, %dma_wait3A_1026] : memref<200x4x128x8x128xf32, #tpu.memory_space<hbm>> -> memref<1x1x1x8x128xf32, #tpu.memory_space<hbm>>
        %dma_wait3A_1028 = tpu.memref_squeeze %dma_wait3A_1027 : memref<1x1x1x8x128xf32, #tpu.memory_space<hbm>> -> memref<8x128xf32, #tpu.memory_space<hbm>>
        %dma_wait3A_1029 = arith.constant 8 : i32
        %dma_wait3A_1030 = arith.constant 0 : i32
        %dma_wait3A_1031 = tpu.memref_slice %arg7[%dma_wait3A_1013, %dma_wait3A_1029, %dma_wait3A_1030] : memref<4x32x129xf32, #tpu.memory_space<vmem>> -> memref<1x8x128xf32, #tpu.memory_space<vmem>>
        %dma_wait3A_1032 = tpu.memref_squeeze %dma_wait3A_1031 : memref<1x8x128xf32, #tpu.memory_space<vmem>> -> memref<8x128xf32, #tpu.memory_space<vmem>>
        tpu.wait_dma2 semaphore(%arg16 : memref<!tpu.dma_semaphore, #tpu.memory_space<semaphore_mem>>) src(%dma_wait3A_1032 : memref<8x128xf32, #tpu.memory_space<vmem>>) dst(%dma_wait3A_1028 : memref<8x128xf32, #tpu.memory_space<hbm>>)
        %dma_wait3A_1033 = arith.constant 0 : i32
        %dma_wait3A_1034 = arith.constant 0 : i32
        %dma_wait3A_1035 = arith.constant 0 : i32
        %dma_wait3A_1036 = arith.constant 0 : i32
        %dma_wait3A_1037 = arith.constant 16 : i32
        %dma_wait3A_1038 = arith.constant 0 : i32
        %dma_wait3A_1039 = tpu.memref_slice %arg7[%dma_wait3A_1033, %dma_wait3A_1037, %dma_wait3A_1038] : memref<4x32x129xf32, #tpu.memory_space<vmem>> -> memref<1x8x128xf32, #tpu.memory_space<vmem>>
        %dma_wait3A_1040 = tpu.memref_squeeze %dma_wait3A_1039 : memref<1x8x128xf32, #tpu.memory_space<vmem>> -> memref<8x128xf32, #tpu.memory_space<vmem>>
        %dma_wait3A_1041 = arith.constant 0 : i32
        %dma_wait3A_1042 = arith.constant 0 : i32
        %dma_wait3A_1043 = tpu.memref_slice %arg4[%dma_wait3A_1034, %dma_wait3A_1035, %dma_wait3A_1036, %dma_wait3A_1041, %dma_wait3A_1042] : memref<200x4x128x8x128xf32, #tpu.memory_space<hbm>> -> memref<1x1x1x8x128xf32, #tpu.memory_space<hbm>>
        %dma_wait3A_1044 = tpu.memref_squeeze %dma_wait3A_1043 : memref<1x1x1x8x128xf32, #tpu.memory_space<hbm>> -> memref<8x128xf32, #tpu.memory_space<hbm>>
        %dma_wait3A_1045 = arith.constant 0 : i32
        %dma_wait3A_1046 = arith.constant 0 : i32
        %dma_wait3A_1047 = tpu.memref_slice %arg4[%dma_wait3A_1034, %dma_wait3A_1035, %dma_wait3A_1036, %dma_wait3A_1045, %dma_wait3A_1046] : memref<200x4x128x8x128xf32, #tpu.memory_space<hbm>> -> memref<1x1x1x8x128xf32, #tpu.memory_space<hbm>>
        %dma_wait3A_1048 = tpu.memref_squeeze %dma_wait3A_1047 : memref<1x1x1x8x128xf32, #tpu.memory_space<hbm>> -> memref<8x128xf32, #tpu.memory_space<hbm>>
        %dma_wait3A_1049 = arith.constant 16 : i32
        %dma_wait3A_1050 = arith.constant 0 : i32
        %dma_wait3A_1051 = tpu.memref_slice %arg7[%dma_wait3A_1033, %dma_wait3A_1049, %dma_wait3A_1050] : memref<4x32x129xf32, #tpu.memory_space<vmem>> -> memref<1x8x128xf32, #tpu.memory_space<vmem>>
        %dma_wait3A_1052 = tpu.memref_squeeze %dma_wait3A_1051 : memref<1x8x128xf32, #tpu.memory_space<vmem>> -> memref<8x128xf32, #tpu.memory_space<vmem>>
        tpu.wait_dma2 semaphore(%arg16 : memref<!tpu.dma_semaphore, #tpu.memory_space<semaphore_mem>>) src(%dma_wait3A_1052 : memref<8x128xf32, #tpu.memory_space<vmem>>) dst(%dma_wait3A_1048 : memref<8x128xf32, #tpu.memory_space<hbm>>)
        %dma_wait3A_1053 = arith.constant 0 : i32
        %dma_wait3A_1054 = arith.constant 0 : i32
        %dma_wait3A_1055 = arith.constant 0 : i32
        %dma_wait3A_1056 = arith.constant 0 : i32
        %dma_wait3A_1057 = arith.constant 24 : i32
        %dma_wait3A_1058 = arith.constant 0 : i32
        %dma_wait3A_1059 = tpu.memref_slice %arg7[%dma_wait3A_1053, %dma_wait3A_1057, %dma_wait3A_1058] : memref<4x32x129xf32, #tpu.memory_space<vmem>> -> memref<1x8x128xf32, #tpu.memory_space<vmem>>
        %dma_wait3A_1060 = tpu.memref_squeeze %dma_wait3A_1059 : memref<1x8x128xf32, #tpu.memory_space<vmem>> -> memref<8x128xf32, #tpu.memory_space<vmem>>
        %dma_wait3A_1061 = arith.constant 0 : i32
        %dma_wait3A_1062 = arith.constant 0 : i32
        %dma_wait3A_1063 = tpu.memref_slice %arg4[%dma_wait3A_1054, %dma_wait3A_1055, %dma_wait3A_1056, %dma_wait3A_1061, %dma_wait3A_1062] : memref<200x4x128x8x128xf32, #tpu.memory_space<hbm>> -> memref<1x1x1x8x128xf32, #tpu.memory_space<hbm>>
        %dma_wait3A_1064 = tpu.memref_squeeze %dma_wait3A_1063 : memref<1x1x1x8x128xf32, #tpu.memory_space<hbm>> -> memref<8x128xf32, #tpu.memory_space<hbm>>
        %dma_wait3A_1065 = arith.constant 0 : i32
        %dma_wait3A_1066 = arith.constant 0 : i32
        %dma_wait3A_1067 = tpu.memref_slice %arg4[%dma_wait3A_1054, %dma_wait3A_1055, %dma_wait3A_1056, %dma_wait3A_1065, %dma_wait3A_1066] : memref<200x4x128x8x128xf32, #tpu.memory_space<hbm>> -> memref<1x1x1x8x128xf32, #tpu.memory_space<hbm>>
        %dma_wait3A_1068 = tpu.memref_squeeze %dma_wait3A_1067 : memref<1x1x1x8x128xf32, #tpu.memory_space<hbm>> -> memref<8x128xf32, #tpu.memory_space<hbm>>
        %dma_wait3A_1069 = arith.constant 24 : i32
        %dma_wait3A_1070 = arith.constant 0 : i32
        %dma_wait3A_1071 = tpu.memref_slice %arg7[%dma_wait3A_1053, %dma_wait3A_1069, %dma_wait3A_1070] : memref<4x32x129xf32, #tpu.memory_space<vmem>> -> memref<1x8x128xf32, #tpu.memory_space<vmem>>
        %dma_wait3A_1072 = tpu.memref_squeeze %dma_wait3A_1071 : memref<1x8x128xf32, #tpu.memory_space<vmem>> -> memref<8x128xf32, #tpu.memory_space<vmem>>
        tpu.wait_dma2 semaphore(%arg16 : memref<!tpu.dma_semaphore, #tpu.memory_space<semaphore_mem>>) src(%dma_wait3A_1072 : memref<8x128xf32, #tpu.memory_space<vmem>>) dst(%dma_wait3A_1068 : memref<8x128xf32, #tpu.memory_space<hbm>>)
      } else {
      }
      %add3A_736 = arith.constant 2 : i32
      %add3A_737 = arith.addi %add3A_706, %add3A_736 : i32
      %lt3A_738 = arith.constant 800 : i32
      %lt3A_739 = arith.cmpi slt, %add3A_737, %lt3A_738 : i32
      %convert_element_type3A_740 = arith.extui %lt3A_739 : i1 to i32
      %cond3A_741 = arith.constant 0 : i32
      %cond3A_742 = arith.cmpi ne, %convert_element_type3A_740, %cond3A_741 : i32
      scf.if %cond3A_742 {
        %add3A_993 = arith.constant 2 : i32
        %add3A_994 = arith.addi %add3A_706, %add3A_993 : i32
        %mul3A_995 = arith.constant 128 : i32
        %mul3A_996 = arith.muli %mul3A_2, %mul3A_995 : i32
        %dma_wait3A_997 = arith.constant 0 : i32
        %dma_wait3A_998 = arith.constant 0 : i32
        %dma_wait3A_999 = tpu.memref_slice %arg5[%dma_wait3A_997, %dma_wait3A_998] : memref<4x128xi32, #tpu.memory_space<vmem>> -> memref<1x128xi32, #tpu.memory_space<vmem>>
        %dma_wait3A_1000 = tpu.memref_squeeze %dma_wait3A_999 : memref<1x128xi32, #tpu.memory_space<vmem>> -> memref<128xi32, #tpu.memory_space<vmem>>
        %dma_wait3A_1001 = tpu.memref_slice %arg3[%mul3A_996] : memref<3276800xi32, #tpu.memory_space<hbm>> -> memref<128xi32, #tpu.memory_space<hbm>>
        %dma_wait3A_1002 = arith.constant 0 : i32
        %dma_wait3A_1003 = tpu.memref_slice %arg5[%dma_wait3A_997, %dma_wait3A_1002] : memref<4x128xi32, #tpu.memory_space<vmem>> -> memref<1x128xi32, #tpu.memory_space<vmem>>
        %dma_wait3A_1004 = tpu.memref_squeeze %dma_wait3A_1003 : memref<1x128xi32, #tpu.memory_space<vmem>> -> memref<128xi32, #tpu.memory_space<vmem>>
        %dma_wait3A_1005 = tpu.memref_slice %arg3[%mul3A_996] : memref<3276800xi32, #tpu.memory_space<hbm>> -> memref<128xi32, #tpu.memory_space<hbm>>
        tpu.wait_dma2 semaphore(%arg8 : memref<!tpu.dma_semaphore, #tpu.memory_space<semaphore_mem>>) src(%dma_wait3A_1005 : memref<128xi32, #tpu.memory_space<hbm>>) dst(%dma_wait3A_1004 : memref<128xi32, #tpu.memory_space<vmem>>)
        %dma_start3A_1006 = arith.constant 0 : i32
        %dma_start3A_1007 = arith.constant 0 : i32
        %dma_start3A_1008 = arith.constant 0 : i32
        %dma_start3A_1009 = arith.constant 0 : i32
        %dma_start3A_1010 = tpu.memref_slice %arg6[%dma_start3A_1007, %dma_start3A_1008, %dma_start3A_1009] : memref<4x128x32xf32, #tpu.memory_space<vmem>> -> memref<1x128x32xf32, #tpu.memory_space<vmem>>
        %dma_start3A_1011 = tpu.memref_squeeze %dma_start3A_1010 : memref<1x128x32xf32, #tpu.memory_space<vmem>> -> memref<128x32xf32, #tpu.memory_space<vmem>>
        %dma_start3A_1012 = arith.constant 0 : i32
        %dma_start3A_1013 = tpu.memref_slice %arg5[%dma_start3A_1006, %dma_start3A_1012] : memref<4x128xi32, #tpu.memory_space<vmem>> -> memref<1x128xi32, #tpu.memory_space<vmem>>
        %dma_start3A_1014 = tpu.memref_squeeze %dma_start3A_1013 : memref<1x128xi32, #tpu.memory_space<vmem>> -> memref<128xi32, #tpu.memory_space<vmem>>
        %dma_start3A_1015 = arith.constant 0 : i32
        %dma_start3A_1016 = arith.constant 0 : i32
        %dma_start3A_1017 = tpu.memref_slice %arg2[%dma_start3A_1015, %dma_start3A_1016] : memref<100000x32xf32, #tpu.memory_space<hbm>> -> memref<100000x32xf32, #tpu.memory_space<hbm>>
        tpu.enqueue_indirect_dma source(%dma_start3A_1017 : memref<100000x32xf32, #tpu.memory_space<hbm>>) target(%dma_start3A_1011 : memref<128x32xf32, #tpu.memory_space<vmem>>) offsets(%dma_start3A_1014 : memref<128xi32, #tpu.memory_space<vmem>>) semaphore(%arg12 : memref<!tpu.dma_semaphore, #tpu.memory_space<semaphore_mem>>)
      } else {
      }
      %scan3A_743 = arith.constant 0 : i32
      %scan3A_744 = arith.constant 0 : i32
      %scan3A_745 = arith.constant 32 : i32
      %scan3A_746 = arith.addi %scan3A_744, %scan3A_745 : i32
      %scan3A_747 = arith.constant 1 : i32
      scf.for %scan3A_993 = %scan3A_744 to %scan3A_746 step %scan3A_747  : i32 {
        %mul3A_994 = arith.constant 4 : i32
        %mul3A_995 = arith.muli %mul3A_994, %scan3A_993 : i32
        %add3A_996 = arith.constant 0 : i32
        %add3A_997 = arith.addi %mul3A_995, %add3A_996 : i32
        %broadcast_in_dim3A = vector.broadcast %add3A_997 : i32 to vector<16xi32>
        %get3A = arith.constant 2 : i32
        %get3A_998 = arith.index_cast %get3A : i32 to index
        %get3A_999 = arith.index_cast %add3A_997 : i32 to index
        %get3A_1000 = arith.constant 0 : index
        %get3A_1001 = tpu.vector_load %arg6[%get3A_998, %get3A_999, %get3A_1000] {strides = array<i32>} : memref<4x128x32xf32, #tpu.memory_space<vmem>>, vector<16xf32>,
        %add3A_1002 = arith.constant 0 : i32
        %add3A_1003 = vector.broadcast %add3A_1002 : i32 to vector<16xi32>
        %add3A_1004 = arith.addi %iota3A, %add3A_1003 : vector<16xi32>
        %scatter3A = arith.constant 2 : i32
        %scatter3A_1005 = arith.constant 0 : i32
        %scatter3A_1006 = arith.constant 0 : i32
        %scatter3A_1007 = tpu.memref_slice %arg7[%scatter3A, %scatter3A_1005, %scatter3A_1006] : memref<4x32x129xf32, #tpu.memory_space<vmem>> -> memref<1x32x129xf32, #tpu.memory_space<vmem>>
        %scatter3A_1008 = tpu.memref_squeeze %scatter3A_1007 : memref<1x32x129xf32, #tpu.memory_space<vmem>> -> memref<32x129xf32, #tpu.memory_space<vmem>>
        tpu.vector_store_idx %scatter3A_1008[%add3A_1004, %broadcast_in_dim3A], %get3A_1001 : memref<32x129xf32, #tpu.memory_space<vmem>>[vector<16xi32>, vector<16xi32>], vector<16xf32>,
        %get3A_1009 = arith.constant 2 : i32
        %get3A_1010 = arith.index_cast %get3A_1009 : i32 to index
        %get3A_1011 = arith.index_cast %add3A_997 : i32 to index
        %get3A_1012 = arith.constant 16 : index
        %get3A_1013 = tpu.vector_load %arg6[%get3A_1010, %get3A_1011, %get3A_1012] {strides = array<i32>} : memref<4x128x32xf32, #tpu.memory_space<vmem>>, vector<16xf32>,
        %add3A_1014 = arith.constant 16 : i32
        %add3A_1015 = vector.broadcast %add3A_1014 : i32 to vector<16xi32>
        %add3A_1016 = arith.addi %iota3A, %add3A_1015 : vector<16xi32>
        %scatter3A_1017 = arith.constant 2 : i32
        %scatter3A_1018 = arith.constant 0 : i32
        %scatter3A_1019 = arith.constant 0 : i32
        %scatter3A_1020 = tpu.memref_slice %arg7[%scatter3A_1017, %scatter3A_1018, %scatter3A_1019] : memref<4x32x129xf32, #tpu.memory_space<vmem>> -> memref<1x32x129xf32, #tpu.memory_space<vmem>>
        %scatter3A_1021 = tpu.memref_squeeze %scatter3A_1020 : memref<1x32x129xf32, #tpu.memory_space<vmem>> -> memref<32x129xf32, #tpu.memory_space<vmem>>
        tpu.vector_store_idx %scatter3A_1021[%add3A_1016, %broadcast_in_dim3A], %get3A_1013 : memref<32x129xf32, #tpu.memory_space<vmem>>[vector<16xi32>, vector<16xi32>], vector<16xf32>,
        %mul3A_1022 = arith.constant 4 : i32
        %mul3A_1023 = arith.muli %mul3A_1022, %scan3A_993 : i32
        %add3A_1024 = arith.constant 1 : i32
        %add3A_1025 = arith.addi %mul3A_1023, %add3A_1024 : i32
        %broadcast_in_dim3A_1026 = vector.broadcast %add3A_1025 : i32 to vector<16xi32>
        %get3A_1027 = arith.constant 2 : i32
        %get3A_1028 = arith.index_cast %get3A_1027 : i32 to index
        %get3A_1029 = arith.index_cast %add3A_1025 : i32 to index
        %get3A_1030 = arith.constant 0 : index
        %get3A_1031 = tpu.vector_load %arg6[%get3A_1028, %get3A_1029, %get3A_1030] {strides = array<i32>} : memref<4x128x32xf32, #tpu.memory_space<vmem>>, vector<16xf32>,
        %add3A_1032 = arith.constant 0 : i32
        %add3A_1033 = vector.broadcast %add3A_1032 : i32 to vector<16xi32>
        %add3A_1034 = arith.addi %iota3A, %add3A_1033 : vector<16xi32>
        %scatter3A_1035 = arith.constant 2 : i32
        %scatter3A_1036 = arith.constant 0 : i32
        %scatter3A_1037 = arith.constant 0 : i32
        %scatter3A_1038 = tpu.memref_slice %arg7[%scatter3A_1035, %scatter3A_1036, %scatter3A_1037] : memref<4x32x129xf32, #tpu.memory_space<vmem>> -> memref<1x32x129xf32, #tpu.memory_space<vmem>>
        %scatter3A_1039 = tpu.memref_squeeze %scatter3A_1038 : memref<1x32x129xf32, #tpu.memory_space<vmem>> -> memref<32x129xf32, #tpu.memory_space<vmem>>
        tpu.vector_store_idx %scatter3A_1039[%add3A_1034, %broadcast_in_dim3A_1026], %get3A_1031 : memref<32x129xf32, #tpu.memory_space<vmem>>[vector<16xi32>, vector<16xi32>], vector<16xf32>,
        %get3A_1040 = arith.constant 2 : i32
        %get3A_1041 = arith.index_cast %get3A_1040 : i32 to index
        %get3A_1042 = arith.index_cast %add3A_1025 : i32 to index
        %get3A_1043 = arith.constant 16 : index
        %get3A_1044 = tpu.vector_load %arg6[%get3A_1041, %get3A_1042, %get3A_1043] {strides = array<i32>} : memref<4x128x32xf32, #tpu.memory_space<vmem>>, vector<16xf32>,
        %add3A_1045 = arith.constant 16 : i32
        %add3A_1046 = vector.broadcast %add3A_1045 : i32 to vector<16xi32>
        %add3A_1047 = arith.addi %iota3A, %add3A_1046 : vector<16xi32>
        %scatter3A_1048 = arith.constant 2 : i32
        %scatter3A_1049 = arith.constant 0 : i32
        %scatter3A_1050 = arith.constant 0 : i32
        %scatter3A_1051 = tpu.memref_slice %arg7[%scatter3A_1048, %scatter3A_1049, %scatter3A_1050] : memref<4x32x129xf32, #tpu.memory_space<vmem>> -> memref<1x32x129xf32, #tpu.memory_space<vmem>>
        %scatter3A_1052 = tpu.memref_squeeze %scatter3A_1051 : memref<1x32x129xf32, #tpu.memory_space<vmem>> -> memref<32x129xf32, #tpu.memory_space<vmem>>
        tpu.vector_store_idx %scatter3A_1052[%add3A_1047, %broadcast_in_dim3A_1026], %get3A_1044 : memref<32x129xf32, #tpu.memory_space<vmem>>[vector<16xi32>, vector<16xi32>], vector<16xf32>,
        %mul3A_1053 = arith.constant 4 : i32
        %mul3A_1054 = arith.muli %mul3A_1053, %scan3A_993 : i32
        %add3A_1055 = arith.constant 2 : i32
        %add3A_1056 = arith.addi %mul3A_1054, %add3A_1055 : i32
        %broadcast_in_dim3A_1057 = vector.broadcast %add3A_1056 : i32 to vector<16xi32>
        %get3A_1058 = arith.constant 2 : i32
        %get3A_1059 = arith.index_cast %get3A_1058 : i32 to index
        %get3A_1060 = arith.index_cast %add3A_1056 : i32 to index
        %get3A_1061 = arith.constant 0 : index
        %get3A_1062 = tpu.vector_load %arg6[%get3A_1059, %get3A_1060, %get3A_1061] {strides = array<i32>} : memref<4x128x32xf32, #tpu.memory_space<vmem>>, vector<16xf32>,
        %add3A_1063 = arith.constant 0 : i32
        %add3A_1064 = vector.broadcast %add3A_1063 : i32 to vector<16xi32>
        %add3A_1065 = arith.addi %iota3A, %add3A_1064 : vector<16xi32>
        %scatter3A_1066 = arith.constant 2 : i32
        %scatter3A_1067 = arith.constant 0 : i32
        %scatter3A_1068 = arith.constant 0 : i32
        %scatter3A_1069 = tpu.memref_slice %arg7[%scatter3A_1066, %scatter3A_1067, %scatter3A_1068] : memref<4x32x129xf32, #tpu.memory_space<vmem>> -> memref<1x32x129xf32, #tpu.memory_space<vmem>>
        %scatter3A_1070 = tpu.memref_squeeze %scatter3A_1069 : memref<1x32x129xf32, #tpu.memory_space<vmem>> -> memref<32x129xf32, #tpu.memory_space<vmem>>
        tpu.vector_store_idx %scatter3A_1070[%add3A_1065, %broadcast_in_dim3A_1057], %get3A_1062 : memref<32x129xf32, #tpu.memory_space<vmem>>[vector<16xi32>, vector<16xi32>], vector<16xf32>,
        %get3A_1071 = arith.constant 2 : i32
        %get3A_1072 = arith.index_cast %get3A_1071 : i32 to index
        %get3A_1073 = arith.index_cast %add3A_1056 : i32 to index
        %get3A_1074 = arith.constant 16 : index
        %get3A_1075 = tpu.vector_load %arg6[%get3A_1072, %get3A_1073, %get3A_1074] {strides = array<i32>} : memref<4x128x32xf32, #tpu.memory_space<vmem>>, vector<16xf32>,
        %add3A_1076 = arith.constant 16 : i32
        %add3A_1077 = vector.broadcast %add3A_1076 : i32 to vector<16xi32>
        %add3A_1078 = arith.addi %iota3A, %add3A_1077 : vector<16xi32>
        %scatter3A_1079 = arith.constant 2 : i32
        %scatter3A_1080 = arith.constant 0 : i32
        %scatter3A_1081 = arith.constant 0 : i32
        %scatter3A_1082 = tpu.memref_slice %arg7[%scatter3A_1079, %scatter3A_1080, %scatter3A_1081] : memref<4x32x129xf32, #tpu.memory_space<vmem>> -> memref<1x32x129xf32, #tpu.memory_space<vmem>>
        %scatter3A_1083 = tpu.memref_squeeze %scatter3A_1082 : memref<1x32x129xf32, #tpu.memory_space<vmem>> -> memref<32x129xf32, #tpu.memory_space<vmem>>
        tpu.vector_store_idx %scatter3A_1083[%add3A_1078, %broadcast_in_dim3A_1057], %get3A_1075 : memref<32x129xf32, #tpu.memory_space<vmem>>[vector<16xi32>, vector<16xi32>], vector<16xf32>,
        %mul3A_1084 = arith.constant 4 : i32
        %mul3A_1085 = arith.muli %mul3A_1084, %scan3A_993 : i32
        %add3A_1086 = arith.constant 3 : i32
        %add3A_1087 = arith.addi %mul3A_1085, %add3A_1086 : i32
        %broadcast_in_dim3A_1088 = vector.broadcast %add3A_1087 : i32 to vector<16xi32>
        %get3A_1089 = arith.constant 2 : i32
        %get3A_1090 = arith.index_cast %get3A_1089 : i32 to index
        %get3A_1091 = arith.index_cast %add3A_1087 : i32 to index
        %get3A_1092 = arith.constant 0 : index
        %get3A_1093 = tpu.vector_load %arg6[%get3A_1090, %get3A_1091, %get3A_1092] {strides = array<i32>} : memref<4x128x32xf32, #tpu.memory_space<vmem>>, vector<16xf32>,
        %add3A_1094 = arith.constant 0 : i32
        %add3A_1095 = vector.broadcast %add3A_1094 : i32 to vector<16xi32>
        %add3A_1096 = arith.addi %iota3A, %add3A_1095 : vector<16xi32>
        %scatter3A_1097 = arith.constant 2 : i32
        %scatter3A_1098 = arith.constant 0 : i32
        %scatter3A_1099 = arith.constant 0 : i32
        %scatter3A_1100 = tpu.memref_slice %arg7[%scatter3A_1097, %scatter3A_1098, %scatter3A_1099] : memref<4x32x129xf32, #tpu.memory_space<vmem>> -> memref<1x32x129xf32, #tpu.memory_space<vmem>>
        %scatter3A_1101 = tpu.memref_squeeze %scatter3A_1100 : memref<1x32x129xf32, #tpu.memory_space<vmem>> -> memref<32x129xf32, #tpu.memory_space<vmem>>
        tpu.vector_store_idx %scatter3A_1101[%add3A_1096, %broadcast_in_dim3A_1088], %get3A_1093 : memref<32x129xf32, #tpu.memory_space<vmem>>[vector<16xi32>, vector<16xi32>], vector<16xf32>,
        %get3A_1102 = arith.constant 2 : i32
        %get3A_1103 = arith.index_cast %get3A_1102 : i32 to index
        %get3A_1104 = arith.index_cast %add3A_1087 : i32 to index
        %get3A_1105 = arith.constant 16 : index
        %get3A_1106 = tpu.vector_load %arg6[%get3A_1103, %get3A_1104, %get3A_1105] {strides = array<i32>} : memref<4x128x32xf32, #tpu.memory_space<vmem>>, vector<16xf32>,
        %add3A_1107 = arith.constant 16 : i32
        %add3A_1108 = vector.broadcast %add3A_1107 : i32 to vector<16xi32>
        %add3A_1109 = arith.addi %iota3A, %add3A_1108 : vector<16xi32>
        %scatter3A_1110 = arith.constant 2 : i32
        %scatter3A_1111 = arith.constant 0 : i32
        %scatter3A_1112 = arith.constant 0 : i32
        %scatter3A_1113 = tpu.memref_slice %arg7[%scatter3A_1110, %scatter3A_1111, %scatter3A_1112] : memref<4x32x129xf32, #tpu.memory_space<vmem>> -> memref<1x32x129xf32, #tpu.memory_space<vmem>>
        %scatter3A_1114 = tpu.memref_squeeze %scatter3A_1113 : memref<1x32x129xf32, #tpu.memory_space<vmem>> -> memref<32x129xf32, #tpu.memory_space<vmem>>
        tpu.vector_store_idx %scatter3A_1114[%add3A_1109, %broadcast_in_dim3A_1088], %get3A_1106 : memref<32x129xf32, #tpu.memory_space<vmem>>[vector<16xi32>, vector<16xi32>], vector<16xf32>,
      }
      %scan3A_748 = arith.constant 32 : i32
      %add3A_749 = arith.addi %mul3A_2, %add3A_706 : i32
      %jit3A_750 = arith.constant 128 : i32
      %div3A_751 = arith.divsi %add3A_749, %jit3A_750 : i32
      %sign3A_752 = arith.constant 0 : i32
      %sign3A_753 = arith.cmpi sgt, %add3A_749, %sign3A_752 : i32
      %sign3A_754 = arith.extui %sign3A_753 : i1 to i32
      %sign3A_755 = arith.constant 0 : i32
      %sign3A_756 = arith.cmpi slt, %add3A_749, %sign3A_755 : i32
      %sign3A_757 = arith.extui %sign3A_756 : i1 to i32
      %sign3A_758 = arith.subi %sign3A_754, %sign3A_757 : i32
      %sign3A_759 = arith.constant 0 : i32
      %sign3A_760 = arith.cmpi sgt, %jit3A_750, %sign3A_759 : i32
      %sign3A_761 = arith.extui %sign3A_760 : i1 to i32
      %sign3A_762 = arith.constant 0 : i32
      %sign3A_763 = arith.cmpi slt, %jit3A_750, %sign3A_762 : i32
      %sign3A_764 = arith.extui %sign3A_763 : i1 to i32
      %sign3A_765 = arith.subi %sign3A_761, %sign3A_764 : i32
      %ne3A_766 = arith.cmpi ne, %sign3A_758, %sign3A_765 : i32
      %rem3A_767 = arith.remsi %add3A_749, %jit3A_750 : i32
      %ne3A_768 = arith.constant 0 : i32
      %ne3A_769 = arith.cmpi ne, %rem3A_767, %ne3A_768 : i32
      %and3A_770 = arith.andi %ne3A_766, %ne3A_769 : i1
      %sub3A_771 = arith.constant 1 : i32
      %sub3A_772 = arith.subi %div3A_751, %sub3A_771 : i32
      %select_n3A_773 = arith.select %and3A_770, %sub3A_772, %div3A_751 : i32
      %rem3A_774 = arith.constant 128 : i32
      %rem3A_775 = arith.remsi %add3A_749, %rem3A_774 : i32
      %dma_start3A_776 = arith.constant 2 : i32
      %dma_start3A_777 = arith.constant 0 : i32
      %dma_start3A_778 = arith.constant 0 : i32
      %dma_start3A_779 = arith.constant 0 : i32
      %dma_start3A_780 = tpu.memref_slice %arg7[%dma_start3A_776, %dma_start3A_778, %dma_start3A_779] : memref<4x32x129xf32, #tpu.memory_space<vmem>> -> memref<1x8x128xf32, #tpu.memory_space<vmem>>
      %dma_start3A_781 = tpu.memref_squeeze %dma_start3A_780 : memref<1x8x128xf32, #tpu.memory_space<vmem>> -> memref<8x128xf32, #tpu.memory_space<vmem>>
      %dma_start3A_782 = arith.constant 0 : i32
      %dma_start3A_783 = arith.constant 0 : i32
      %dma_start3A_784 = tpu.memref_slice %arg4[%select_n3A_773, %dma_start3A_777, %rem3A_775, %dma_start3A_782, %dma_start3A_783] : memref<200x4x128x8x128xf32, #tpu.memory_space<hbm>> -> memref<1x1x1x8x128xf32, #tpu.memory_space<hbm>>
      %dma_start3A_785 = tpu.memref_squeeze %dma_start3A_784 : memref<1x1x1x8x128xf32, #tpu.memory_space<hbm>> -> memref<8x128xf32, #tpu.memory_space<hbm>>
      %dma_start3A_786 = arith.constant 0 : i32
      %dma_start3A_787 = arith.constant 0 : i32
      %dma_start3A_788 = tpu.memref_slice %arg4[%select_n3A_773, %dma_start3A_777, %rem3A_775, %dma_start3A_786, %dma_start3A_787] : memref<200x4x128x8x128xf32, #tpu.memory_space<hbm>> -> memref<1x1x1x8x128xf32, #tpu.memory_space<hbm>>
      %dma_start3A_789 = tpu.memref_squeeze %dma_start3A_788 : memref<1x1x1x8x128xf32, #tpu.memory_space<hbm>> -> memref<8x128xf32, #tpu.memory_space<hbm>>
      %dma_start3A_790 = arith.constant 0 : i32
      %dma_start3A_791 = arith.constant 0 : i32
      %dma_start3A_792 = tpu.memref_slice %arg7[%dma_start3A_776, %dma_start3A_790, %dma_start3A_791] : memref<4x32x129xf32, #tpu.memory_space<vmem>> -> memref<1x8x128xf32, #tpu.memory_space<vmem>>
      %dma_start3A_793 = tpu.memref_squeeze %dma_start3A_792 : memref<1x8x128xf32, #tpu.memory_space<vmem>> -> memref<8x128xf32, #tpu.memory_space<vmem>>
      tpu.enqueue_dma source(%dma_start3A_793 : memref<8x128xf32, #tpu.memory_space<vmem>>) target(%dma_start3A_789 : memref<8x128xf32, #tpu.memory_space<hbm>>) target_semaphore(%arg18 : memref<!tpu.dma_semaphore, #tpu.memory_space<semaphore_mem>>)
      %dma_start3A_794 = arith.constant 2 : i32
      %dma_start3A_795 = arith.constant 1 : i32
      %dma_start3A_796 = arith.constant 8 : i32
      %dma_start3A_797 = arith.constant 0 : i32
      %dma_start3A_798 = tpu.memref_slice %arg7[%dma_start3A_794, %dma_start3A_796, %dma_start3A_797] : memref<4x32x129xf32, #tpu.memory_space<vmem>> -> memref<1x8x128xf32, #tpu.memory_space<vmem>>
      %dma_start3A_799 = tpu.memref_squeeze %dma_start3A_798 : memref<1x8x128xf32, #tpu.memory_space<vmem>> -> memref<8x128xf32, #tpu.memory_space<vmem>>
      %dma_start3A_800 = arith.constant 0 : i32
      %dma_start3A_801 = arith.constant 0 : i32
      %dma_start3A_802 = tpu.memref_slice %arg4[%select_n3A_773, %dma_start3A_795, %rem3A_775, %dma_start3A_800, %dma_start3A_801] : memref<200x4x128x8x128xf32, #tpu.memory_space<hbm>> -> memref<1x1x1x8x128xf32, #tpu.memory_space<hbm>>
      %dma_start3A_803 = tpu.memref_squeeze %dma_start3A_802 : memref<1x1x1x8x128xf32, #tpu.memory_space<hbm>> -> memref<8x128xf32, #tpu.memory_space<hbm>>
      %dma_start3A_804 = arith.constant 0 : i32
      %dma_start3A_805 = arith.constant 0 : i32
      %dma_start3A_806 = tpu.memref_slice %arg4[%select_n3A_773, %dma_start3A_795, %rem3A_775, %dma_start3A_804, %dma_start3A_805] : memref<200x4x128x8x128xf32, #tpu.memory_space<hbm>> -> memref<1x1x1x8x128xf32, #tpu.memory_space<hbm>>
      %dma_start3A_807 = tpu.memref_squeeze %dma_start3A_806 : memref<1x1x1x8x128xf32, #tpu.memory_space<hbm>> -> memref<8x128xf32, #tpu.memory_space<hbm>>
      %dma_start3A_808 = arith.constant 8 : i32
      %dma_start3A_809 = arith.constant 0 : i32
      %dma_start3A_810 = tpu.memref_slice %arg7[%dma_start3A_794, %dma_start3A_808, %dma_start3A_809] : memref<4x32x129xf32, #tpu.memory_space<vmem>> -> memref<1x8x128xf32, #tpu.memory_space<vmem>>
      %dma_start3A_811 = tpu.memref_squeeze %dma_start3A_810 : memref<1x8x128xf32, #tpu.memory_space<vmem>> -> memref<8x128xf32, #tpu.memory_space<vmem>>
      tpu.enqueue_dma source(%dma_start3A_811 : memref<8x128xf32, #tpu.memory_space<vmem>>) target(%dma_start3A_807 : memref<8x128xf32, #tpu.memory_space<hbm>>) target_semaphore(%arg18 : memref<!tpu.dma_semaphore, #tpu.memory_space<semaphore_mem>>)
      %dma_start3A_812 = arith.constant 2 : i32
      %dma_start3A_813 = arith.constant 2 : i32
      %dma_start3A_814 = arith.constant 16 : i32
      %dma_start3A_815 = arith.constant 0 : i32
      %dma_start3A_816 = tpu.memref_slice %arg7[%dma_start3A_812, %dma_start3A_814, %dma_start3A_815] : memref<4x32x129xf32, #tpu.memory_space<vmem>> -> memref<1x8x128xf32, #tpu.memory_space<vmem>>
      %dma_start3A_817 = tpu.memref_squeeze %dma_start3A_816 : memref<1x8x128xf32, #tpu.memory_space<vmem>> -> memref<8x128xf32, #tpu.memory_space<vmem>>
      %dma_start3A_818 = arith.constant 0 : i32
      %dma_start3A_819 = arith.constant 0 : i32
      %dma_start3A_820 = tpu.memref_slice %arg4[%select_n3A_773, %dma_start3A_813, %rem3A_775, %dma_start3A_818, %dma_start3A_819] : memref<200x4x128x8x128xf32, #tpu.memory_space<hbm>> -> memref<1x1x1x8x128xf32, #tpu.memory_space<hbm>>
      %dma_start3A_821 = tpu.memref_squeeze %dma_start3A_820 : memref<1x1x1x8x128xf32, #tpu.memory_space<hbm>> -> memref<8x128xf32, #tpu.memory_space<hbm>>
      %dma_start3A_822 = arith.constant 0 : i32
      %dma_start3A_823 = arith.constant 0 : i32
      %dma_start3A_824 = tpu.memref_slice %arg4[%select_n3A_773, %dma_start3A_813, %rem3A_775, %dma_start3A_822, %dma_start3A_823] : memref<200x4x128x8x128xf32, #tpu.memory_space<hbm>> -> memref<1x1x1x8x128xf32, #tpu.memory_space<hbm>>
      %dma_start3A_825 = tpu.memref_squeeze %dma_start3A_824 : memref<1x1x1x8x128xf32, #tpu.memory_space<hbm>> -> memref<8x128xf32, #tpu.memory_space<hbm>>
      %dma_start3A_826 = arith.constant 16 : i32
      %dma_start3A_827 = arith.constant 0 : i32
      %dma_start3A_828 = tpu.memref_slice %arg7[%dma_start3A_812, %dma_start3A_826, %dma_start3A_827] : memref<4x32x129xf32, #tpu.memory_space<vmem>> -> memref<1x8x128xf32, #tpu.memory_space<vmem>>
      %dma_start3A_829 = tpu.memref_squeeze %dma_start3A_828 : memref<1x8x128xf32, #tpu.memory_space<vmem>> -> memref<8x128xf32, #tpu.memory_space<vmem>>
      tpu.enqueue_dma source(%dma_start3A_829 : memref<8x128xf32, #tpu.memory_space<vmem>>) target(%dma_start3A_825 : memref<8x128xf32, #tpu.memory_space<hbm>>) target_semaphore(%arg18 : memref<!tpu.dma_semaphore, #tpu.memory_space<semaphore_mem>>)
      %dma_start3A_830 = arith.constant 2 : i32
      %dma_start3A_831 = arith.constant 3 : i32
      %dma_start3A_832 = arith.constant 24 : i32
      %dma_start3A_833 = arith.constant 0 : i32
      %dma_start3A_834 = tpu.memref_slice %arg7[%dma_start3A_830, %dma_start3A_832, %dma_start3A_833] : memref<4x32x129xf32, #tpu.memory_space<vmem>> -> memref<1x8x128xf32, #tpu.memory_space<vmem>>
      %dma_start3A_835 = tpu.memref_squeeze %dma_start3A_834 : memref<1x8x128xf32, #tpu.memory_space<vmem>> -> memref<8x128xf32, #tpu.memory_space<vmem>>
      %dma_start3A_836 = arith.constant 0 : i32
      %dma_start3A_837 = arith.constant 0 : i32
      %dma_start3A_838 = tpu.memref_slice %arg4[%select_n3A_773, %dma_start3A_831, %rem3A_775, %dma_start3A_836, %dma_start3A_837] : memref<200x4x128x8x128xf32, #tpu.memory_space<hbm>> -> memref<1x1x1x8x128xf32, #tpu.memory_space<hbm>>
      %dma_start3A_839 = tpu.memref_squeeze %dma_start3A_838 : memref<1x1x1x8x128xf32, #tpu.memory_space<hbm>> -> memref<8x128xf32, #tpu.memory_space<hbm>>
      %dma_start3A_840 = arith.constant 0 : i32
      %dma_start3A_841 = arith.constant 0 : i32
      %dma_start3A_842 = tpu.memref_slice %arg4[%select_n3A_773, %dma_start3A_831, %rem3A_775, %dma_start3A_840, %dma_start3A_841] : memref<200x4x128x8x128xf32, #tpu.memory_space<hbm>> -> memref<1x1x1x8x128xf32, #tpu.memory_space<hbm>>
      %dma_start3A_843 = tpu.memref_squeeze %dma_start3A_842 : memref<1x1x1x8x128xf32, #tpu.memory_space<hbm>> -> memref<8x128xf32, #tpu.memory_space<hbm>>
      %dma_start3A_844 = arith.constant 24 : i32
      %dma_start3A_845 = arith.constant 0 : i32
      %dma_start3A_846 = tpu.memref_slice %arg7[%dma_start3A_830, %dma_start3A_844, %dma_start3A_845] : memref<4x32x129xf32, #tpu.memory_space<vmem>> -> memref<1x8x128xf32, #tpu.memory_space<vmem>>
      %dma_start3A_847 = tpu.memref_squeeze %dma_start3A_846 : memref<1x8x128xf32, #tpu.memory_space<vmem>> -> memref<8x128xf32, #tpu.memory_space<vmem>>
      tpu.enqueue_dma source(%dma_start3A_847 : memref<8x128xf32, #tpu.memory_space<vmem>>) target(%dma_start3A_843 : memref<8x128xf32, #tpu.memory_space<hbm>>) target_semaphore(%arg18 : memref<!tpu.dma_semaphore, #tpu.memory_space<semaphore_mem>>)
      %mul3A_848 = arith.constant 4 : i32
      %mul3A_849 = arith.muli %mul3A_848, %scan3A_424 : i32
      %add3A_850 = arith.constant 3 : i32
      %add3A_851 = arith.addi %mul3A_849, %add3A_850 : i32
      %dma_wait3A_852 = arith.constant 3 : i32
      %dma_wait3A_853 = arith.constant 3 : i32
      %dma_wait3A_854 = arith.constant 0 : i32
      %dma_wait3A_855 = arith.constant 0 : i32
      %dma_wait3A_856 = tpu.memref_slice %arg6[%dma_wait3A_853, %dma_wait3A_854, %dma_wait3A_855] : memref<4x128x32xf32, #tpu.memory_space<vmem>> -> memref<1x128x32xf32, #tpu.memory_space<vmem>>
      %dma_wait3A_857 = tpu.memref_squeeze %dma_wait3A_856 : memref<1x128x32xf32, #tpu.memory_space<vmem>> -> memref<128x32xf32, #tpu.memory_space<vmem>>
      %dma_wait3A_858 = arith.constant 0 : i32
      %dma_wait3A_859 = tpu.memref_slice %arg5[%dma_wait3A_852, %dma_wait3A_858] : memref<4x128xi32, #tpu.memory_space<vmem>> -> memref<1x128xi32, #tpu.memory_space<vmem>>
      %dma_wait3A_860 = tpu.memref_squeeze %dma_wait3A_859 : memref<1x128xi32, #tpu.memory_space<vmem>> -> memref<128xi32, #tpu.memory_space<vmem>>
      %dma_wait3A_861 = arith.constant 0 : i32
      %dma_wait3A_862 = arith.constant 0 : i32
      %dma_wait3A_863 = tpu.memref_slice %arg2[%dma_wait3A_861, %dma_wait3A_862] : memref<100000x32xf32, #tpu.memory_space<hbm>> -> memref<100000x32xf32, #tpu.memory_space<hbm>>
      tpu.wait_indirect_dma semaphore(%arg15 : memref<!tpu.dma_semaphore, #tpu.memory_space<semaphore_mem>>) src(%dma_wait3A_863 : memref<100000x32xf32, #tpu.memory_space<hbm>>) dst(%dma_wait3A_857 : memref<128x32xf32, #tpu.memory_space<vmem>>)
      %add3A_864 = arith.constant 4 : i32
      %add3A_865 = arith.addi %add3A_851, %add3A_864 : i32
      %lt3A_866 = arith.constant 800 : i32
      %lt3A_867 = arith.cmpi slt, %add3A_865, %lt3A_866 : i32
      %convert_element_type3A_868 = arith.extui %lt3A_867 : i1 to i32
      %cond3A_869 = arith.constant 0 : i32
      %cond3A_870 = arith.cmpi ne, %convert_element_type3A_868, %cond3A_869 : i32
      scf.if %cond3A_870 {
        %add3A_993 = arith.constant 4 : i32
        %add3A_994 = arith.addi %add3A_851, %add3A_993 : i32
        %add3A_995 = arith.addi %mul3A_2, %add3A_994 : i32
        %mul3A_996 = arith.constant 128 : i32
        %mul3A_997 = arith.muli %add3A_995, %mul3A_996 : i32
        %dma_start3A_998 = arith.constant 3 : i32
        %dma_start3A_999 = arith.constant 0 : i32
        %dma_start3A_1000 = tpu.memref_slice %arg5[%dma_start3A_998, %dma_start3A_999] : memref<4x128xi32, #tpu.memory_space<vmem>> -> memref<1x128xi32, #tpu.memory_space<vmem>>
        %dma_start3A_1001 = tpu.memref_squeeze %dma_start3A_1000 : memref<1x128xi32, #tpu.memory_space<vmem>> -> memref<128xi32, #tpu.memory_space<vmem>>
        %dma_start3A_1002 = tpu.memref_slice %arg3[%mul3A_997] : memref<3276800xi32, #tpu.memory_space<hbm>> -> memref<128xi32, #tpu.memory_space<hbm>>
        %dma_start3A_1003 = arith.constant 0 : i32
        %dma_start3A_1004 = tpu.memref_slice %arg5[%dma_start3A_998, %dma_start3A_1003] : memref<4x128xi32, #tpu.memory_space<vmem>> -> memref<1x128xi32, #tpu.memory_space<vmem>>
        %dma_start3A_1005 = tpu.memref_squeeze %dma_start3A_1004 : memref<1x128xi32, #tpu.memory_space<vmem>> -> memref<128xi32, #tpu.memory_space<vmem>>
        %dma_start3A_1006 = tpu.memref_slice %arg3[%mul3A_997] : memref<3276800xi32, #tpu.memory_space<hbm>> -> memref<128xi32, #tpu.memory_space<hbm>>
        tpu.enqueue_dma source(%dma_start3A_1006 : memref<128xi32, #tpu.memory_space<hbm>>) target(%dma_start3A_1005 : memref<128xi32, #tpu.memory_space<vmem>>) target_semaphore(%arg11 : memref<!tpu.dma_semaphore, #tpu.memory_space<semaphore_mem>>)
      } else {
      }
      %ge3A_871 = arith.constant 2 : i32
      %ge3A_872 = arith.cmpi sge, %add3A_851, %ge3A_871 : i32
      %add3A_873 = arith.constant 2 : i32
      %add3A_874 = arith.addi %add3A_851, %add3A_873 : i32
      %lt3A_875 = arith.constant 800 : i32
      %lt3A_876 = arith.cmpi slt, %add3A_874, %lt3A_875 : i32
      %and3A_877 = arith.andi %ge3A_872, %lt3A_876 : i1
      %convert_element_type3A_878 = arith.extui %and3A_877 : i1 to i32
      %cond3A_879 = arith.constant 0 : i32
      %cond3A_880 = arith.cmpi ne, %convert_element_type3A_878, %cond3A_879 : i32
      scf.if %cond3A_880 {
        %dma_wait3A_993 = arith.constant 1 : i32
        %dma_wait3A_994 = arith.constant 0 : i32
        %dma_wait3A_995 = arith.constant 0 : i32
        %dma_wait3A_996 = arith.constant 0 : i32
        %dma_wait3A_997 = arith.constant 0 : i32
        %dma_wait3A_998 = arith.constant 0 : i32
        %dma_wait3A_999 = tpu.memref_slice %arg7[%dma_wait3A_993, %dma_wait3A_997, %dma_wait3A_998] : memref<4x32x129xf32, #tpu.memory_space<vmem>> -> memref<1x8x128xf32, #tpu.memory_space<vmem>>
        %dma_wait3A_1000 = tpu.memref_squeeze %dma_wait3A_999 : memref<1x8x128xf32, #tpu.memory_space<vmem>> -> memref<8x128xf32, #tpu.memory_space<vmem>>
        %dma_wait3A_1001 = arith.constant 0 : i32
        %dma_wait3A_1002 = arith.constant 0 : i32
        %dma_wait3A_1003 = tpu.memref_slice %arg4[%dma_wait3A_994, %dma_wait3A_995, %dma_wait3A_996, %dma_wait3A_1001, %dma_wait3A_1002] : memref<200x4x128x8x128xf32, #tpu.memory_space<hbm>> -> memref<1x1x1x8x128xf32, #tpu.memory_space<hbm>>
        %dma_wait3A_1004 = tpu.memref_squeeze %dma_wait3A_1003 : memref<1x1x1x8x128xf32, #tpu.memory_space<hbm>> -> memref<8x128xf32, #tpu.memory_space<hbm>>
        %dma_wait3A_1005 = arith.constant 0 : i32
        %dma_wait3A_1006 = arith.constant 0 : i32
        %dma_wait3A_1007 = tpu.memref_slice %arg4[%dma_wait3A_994, %dma_wait3A_995, %dma_wait3A_996, %dma_wait3A_1005, %dma_wait3A_1006] : memref<200x4x128x8x128xf32, #tpu.memory_space<hbm>> -> memref<1x1x1x8x128xf32, #tpu.memory_space<hbm>>
        %dma_wait3A_1008 = tpu.memref_squeeze %dma_wait3A_1007 : memref<1x1x1x8x128xf32, #tpu.memory_space<hbm>> -> memref<8x128xf32, #tpu.memory_space<hbm>>
        %dma_wait3A_1009 = arith.constant 0 : i32
        %dma_wait3A_1010 = arith.constant 0 : i32
        %dma_wait3A_1011 = tpu.memref_slice %arg7[%dma_wait3A_993, %dma_wait3A_1009, %dma_wait3A_1010] : memref<4x32x129xf32, #tpu.memory_space<vmem>> -> memref<1x8x128xf32, #tpu.memory_space<vmem>>
        %dma_wait3A_1012 = tpu.memref_squeeze %dma_wait3A_1011 : memref<1x8x128xf32, #tpu.memory_space<vmem>> -> memref<8x128xf32, #tpu.memory_space<vmem>>
        tpu.wait_dma2 semaphore(%arg17 : memref<!tpu.dma_semaphore, #tpu.memory_space<semaphore_mem>>) src(%dma_wait3A_1012 : memref<8x128xf32, #tpu.memory_space<vmem>>) dst(%dma_wait3A_1008 : memref<8x128xf32, #tpu.memory_space<hbm>>)
        %dma_wait3A_1013 = arith.constant 1 : i32
        %dma_wait3A_1014 = arith.constant 0 : i32
        %dma_wait3A_1015 = arith.constant 0 : i32
        %dma_wait3A_1016 = arith.constant 0 : i32
        %dma_wait3A_1017 = arith.constant 8 : i32
        %dma_wait3A_1018 = arith.constant 0 : i32
        %dma_wait3A_1019 = tpu.memref_slice %arg7[%dma_wait3A_1013, %dma_wait3A_1017, %dma_wait3A_1018] : memref<4x32x129xf32, #tpu.memory_space<vmem>> -> memref<1x8x128xf32, #tpu.memory_space<vmem>>
        %dma_wait3A_1020 = tpu.memref_squeeze %dma_wait3A_1019 : memref<1x8x128xf32, #tpu.memory_space<vmem>> -> memref<8x128xf32, #tpu.memory_space<vmem>>
        %dma_wait3A_1021 = arith.constant 0 : i32
        %dma_wait3A_1022 = arith.constant 0 : i32
        %dma_wait3A_1023 = tpu.memref_slice %arg4[%dma_wait3A_1014, %dma_wait3A_1015, %dma_wait3A_1016, %dma_wait3A_1021, %dma_wait3A_1022] : memref<200x4x128x8x128xf32, #tpu.memory_space<hbm>> -> memref<1x1x1x8x128xf32, #tpu.memory_space<hbm>>
        %dma_wait3A_1024 = tpu.memref_squeeze %dma_wait3A_1023 : memref<1x1x1x8x128xf32, #tpu.memory_space<hbm>> -> memref<8x128xf32, #tpu.memory_space<hbm>>
        %dma_wait3A_1025 = arith.constant 0 : i32
        %dma_wait3A_1026 = arith.constant 0 : i32
        %dma_wait3A_1027 = tpu.memref_slice %arg4[%dma_wait3A_1014, %dma_wait3A_1015, %dma_wait3A_1016, %dma_wait3A_1025, %dma_wait3A_1026] : memref<200x4x128x8x128xf32, #tpu.memory_space<hbm>> -> memref<1x1x1x8x128xf32, #tpu.memory_space<hbm>>
        %dma_wait3A_1028 = tpu.memref_squeeze %dma_wait3A_1027 : memref<1x1x1x8x128xf32, #tpu.memory_space<hbm>> -> memref<8x128xf32, #tpu.memory_space<hbm>>
        %dma_wait3A_1029 = arith.constant 8 : i32
        %dma_wait3A_1030 = arith.constant 0 : i32
        %dma_wait3A_1031 = tpu.memref_slice %arg7[%dma_wait3A_1013, %dma_wait3A_1029, %dma_wait3A_1030] : memref<4x32x129xf32, #tpu.memory_space<vmem>> -> memref<1x8x128xf32, #tpu.memory_space<vmem>>
        %dma_wait3A_1032 = tpu.memref_squeeze %dma_wait3A_1031 : memref<1x8x128xf32, #tpu.memory_space<vmem>> -> memref<8x128xf32, #tpu.memory_space<vmem>>
        tpu.wait_dma2 semaphore(%arg17 : memref<!tpu.dma_semaphore, #tpu.memory_space<semaphore_mem>>) src(%dma_wait3A_1032 : memref<8x128xf32, #tpu.memory_space<vmem>>) dst(%dma_wait3A_1028 : memref<8x128xf32, #tpu.memory_space<hbm>>)
        %dma_wait3A_1033 = arith.constant 1 : i32
        %dma_wait3A_1034 = arith.constant 0 : i32
        %dma_wait3A_1035 = arith.constant 0 : i32
        %dma_wait3A_1036 = arith.constant 0 : i32
        %dma_wait3A_1037 = arith.constant 16 : i32
        %dma_wait3A_1038 = arith.constant 0 : i32
        %dma_wait3A_1039 = tpu.memref_slice %arg7[%dma_wait3A_1033, %dma_wait3A_1037, %dma_wait3A_1038] : memref<4x32x129xf32, #tpu.memory_space<vmem>> -> memref<1x8x128xf32, #tpu.memory_space<vmem>>
        %dma_wait3A_1040 = tpu.memref_squeeze %dma_wait3A_1039 : memref<1x8x128xf32, #tpu.memory_space<vmem>> -> memref<8x128xf32, #tpu.memory_space<vmem>>
        %dma_wait3A_1041 = arith.constant 0 : i32
        %dma_wait3A_1042 = arith.constant 0 : i32
        %dma_wait3A_1043 = tpu.memref_slice %arg4[%dma_wait3A_1034, %dma_wait3A_1035, %dma_wait3A_1036, %dma_wait3A_1041, %dma_wait3A_1042] : memref<200x4x128x8x128xf32, #tpu.memory_space<hbm>> -> memref<1x1x1x8x128xf32, #tpu.memory_space<hbm>>
        %dma_wait3A_1044 = tpu.memref_squeeze %dma_wait3A_1043 : memref<1x1x1x8x128xf32, #tpu.memory_space<hbm>> -> memref<8x128xf32, #tpu.memory_space<hbm>>
        %dma_wait3A_1045 = arith.constant 0 : i32
        %dma_wait3A_1046 = arith.constant 0 : i32
        %dma_wait3A_1047 = tpu.memref_slice %arg4[%dma_wait3A_1034, %dma_wait3A_1035, %dma_wait3A_1036, %dma_wait3A_1045, %dma_wait3A_1046] : memref<200x4x128x8x128xf32, #tpu.memory_space<hbm>> -> memref<1x1x1x8x128xf32, #tpu.memory_space<hbm>>
        %dma_wait3A_1048 = tpu.memref_squeeze %dma_wait3A_1047 : memref<1x1x1x8x128xf32, #tpu.memory_space<hbm>> -> memref<8x128xf32, #tpu.memory_space<hbm>>
        %dma_wait3A_1049 = arith.constant 16 : i32
        %dma_wait3A_1050 = arith.constant 0 : i32
        %dma_wait3A_1051 = tpu.memref_slice %arg7[%dma_wait3A_1033, %dma_wait3A_1049, %dma_wait3A_1050] : memref<4x32x129xf32, #tpu.memory_space<vmem>> -> memref<1x8x128xf32, #tpu.memory_space<vmem>>
        %dma_wait3A_1052 = tpu.memref_squeeze %dma_wait3A_1051 : memref<1x8x128xf32, #tpu.memory_space<vmem>> -> memref<8x128xf32, #tpu.memory_space<vmem>>
        tpu.wait_dma2 semaphore(%arg17 : memref<!tpu.dma_semaphore, #tpu.memory_space<semaphore_mem>>) src(%dma_wait3A_1052 : memref<8x128xf32, #tpu.memory_space<vmem>>) dst(%dma_wait3A_1048 : memref<8x128xf32, #tpu.memory_space<hbm>>)
        %dma_wait3A_1053 = arith.constant 1 : i32
        %dma_wait3A_1054 = arith.constant 0 : i32
        %dma_wait3A_1055 = arith.constant 0 : i32
        %dma_wait3A_1056 = arith.constant 0 : i32
        %dma_wait3A_1057 = arith.constant 24 : i32
        %dma_wait3A_1058 = arith.constant 0 : i32
        %dma_wait3A_1059 = tpu.memref_slice %arg7[%dma_wait3A_1053, %dma_wait3A_1057, %dma_wait3A_1058] : memref<4x32x129xf32, #tpu.memory_space<vmem>> -> memref<1x8x128xf32, #tpu.memory_space<vmem>>
        %dma_wait3A_1060 = tpu.memref_squeeze %dma_wait3A_1059 : memref<1x8x128xf32, #tpu.memory_space<vmem>> -> memref<8x128xf32, #tpu.memory_space<vmem>>
        %dma_wait3A_1061 = arith.constant 0 : i32
        %dma_wait3A_1062 = arith.constant 0 : i32
        %dma_wait3A_1063 = tpu.memref_slice %arg4[%dma_wait3A_1054, %dma_wait3A_1055, %dma_wait3A_1056, %dma_wait3A_1061, %dma_wait3A_1062] : memref<200x4x128x8x128xf32, #tpu.memory_space<hbm>> -> memref<1x1x1x8x128xf32, #tpu.memory_space<hbm>>
        %dma_wait3A_1064 = tpu.memref_squeeze %dma_wait3A_1063 : memref<1x1x1x8x128xf32, #tpu.memory_space<hbm>> -> memref<8x128xf32, #tpu.memory_space<hbm>>
        %dma_wait3A_1065 = arith.constant 0 : i32
        %dma_wait3A_1066 = arith.constant 0 : i32
        %dma_wait3A_1067 = tpu.memref_slice %arg4[%dma_wait3A_1054, %dma_wait3A_1055, %dma_wait3A_1056, %dma_wait3A_1065, %dma_wait3A_1066] : memref<200x4x128x8x128xf32, #tpu.memory_space<hbm>> -> memref<1x1x1x8x128xf32, #tpu.memory_space<hbm>>
        %dma_wait3A_1068 = tpu.memref_squeeze %dma_wait3A_1067 : memref<1x1x1x8x128xf32, #tpu.memory_space<hbm>> -> memref<8x128xf32, #tpu.memory_space<hbm>>
        %dma_wait3A_1069 = arith.constant 24 : i32
        %dma_wait3A_1070 = arith.constant 0 : i32
        %dma_wait3A_1071 = tpu.memref_slice %arg7[%dma_wait3A_1053, %dma_wait3A_1069, %dma_wait3A_1070] : memref<4x32x129xf32, #tpu.memory_space<vmem>> -> memref<1x8x128xf32, #tpu.memory_space<vmem>>
        %dma_wait3A_1072 = tpu.memref_squeeze %dma_wait3A_1071 : memref<1x8x128xf32, #tpu.memory_space<vmem>> -> memref<8x128xf32, #tpu.memory_space<vmem>>
        tpu.wait_dma2 semaphore(%arg17 : memref<!tpu.dma_semaphore, #tpu.memory_space<semaphore_mem>>) src(%dma_wait3A_1072 : memref<8x128xf32, #tpu.memory_space<vmem>>) dst(%dma_wait3A_1068 : memref<8x128xf32, #tpu.memory_space<hbm>>)
      } else {
      }
      %add3A_881 = arith.constant 2 : i32
      %add3A_882 = arith.addi %add3A_851, %add3A_881 : i32
      %lt3A_883 = arith.constant 800 : i32
      %lt3A_884 = arith.cmpi slt, %add3A_882, %lt3A_883 : i32
      %convert_element_type3A_885 = arith.extui %lt3A_884 : i1 to i32
      %cond3A_886 = arith.constant 0 : i32
      %cond3A_887 = arith.cmpi ne, %convert_element_type3A_885, %cond3A_886 : i32
      scf.if %cond3A_887 {
        %add3A_993 = arith.constant 2 : i32
        %add3A_994 = arith.addi %add3A_851, %add3A_993 : i32
        %mul3A_995 = arith.constant 128 : i32
        %mul3A_996 = arith.muli %mul3A_2, %mul3A_995 : i32
        %dma_wait3A_997 = arith.constant 1 : i32
        %dma_wait3A_998 = arith.constant 0 : i32
        %dma_wait3A_999 = tpu.memref_slice %arg5[%dma_wait3A_997, %dma_wait3A_998] : memref<4x128xi32, #tpu.memory_space<vmem>> -> memref<1x128xi32, #tpu.memory_space<vmem>>
        %dma_wait3A_1000 = tpu.memref_squeeze %dma_wait3A_999 : memref<1x128xi32, #tpu.memory_space<vmem>> -> memref<128xi32, #tpu.memory_space<vmem>>
        %dma_wait3A_1001 = tpu.memref_slice %arg3[%mul3A_996] : memref<3276800xi32, #tpu.memory_space<hbm>> -> memref<128xi32, #tpu.memory_space<hbm>>
        %dma_wait3A_1002 = arith.constant 0 : i32
        %dma_wait3A_1003 = tpu.memref_slice %arg5[%dma_wait3A_997, %dma_wait3A_1002] : memref<4x128xi32, #tpu.memory_space<vmem>> -> memref<1x128xi32, #tpu.memory_space<vmem>>
        %dma_wait3A_1004 = tpu.memref_squeeze %dma_wait3A_1003 : memref<1x128xi32, #tpu.memory_space<vmem>> -> memref<128xi32, #tpu.memory_space<vmem>>
        %dma_wait3A_1005 = tpu.memref_slice %arg3[%mul3A_996] : memref<3276800xi32, #tpu.memory_space<hbm>> -> memref<128xi32, #tpu.memory_space<hbm>>
        tpu.wait_dma2 semaphore(%arg9 : memref<!tpu.dma_semaphore, #tpu.memory_space<semaphore_mem>>) src(%dma_wait3A_1005 : memref<128xi32, #tpu.memory_space<hbm>>) dst(%dma_wait3A_1004 : memref<128xi32, #tpu.memory_space<vmem>>)
        %dma_start3A_1006 = arith.constant 1 : i32
        %dma_start3A_1007 = arith.constant 1 : i32
        %dma_start3A_1008 = arith.constant 0 : i32
        %dma_start3A_1009 = arith.constant 0 : i32
        %dma_start3A_1010 = tpu.memref_slice %arg6[%dma_start3A_1007, %dma_start3A_1008, %dma_start3A_1009] : memref<4x128x32xf32, #tpu.memory_space<vmem>> -> memref<1x128x32xf32, #tpu.memory_space<vmem>>
        %dma_start3A_1011 = tpu.memref_squeeze %dma_start3A_1010 : memref<1x128x32xf32, #tpu.memory_space<vmem>> -> memref<128x32xf32, #tpu.memory_space<vmem>>
        %dma_start3A_1012 = arith.constant 0 : i32
        %dma_start3A_1013 = tpu.memref_slice %arg5[%dma_start3A_1006, %dma_start3A_1012] : memref<4x128xi32, #tpu.memory_space<vmem>> -> memref<1x128xi32, #tpu.memory_space<vmem>>
        %dma_start3A_1014 = tpu.memref_squeeze %dma_start3A_1013 : memref<1x128xi32, #tpu.memory_space<vmem>> -> memref<128xi32, #tpu.memory_space<vmem>>
        %dma_start3A_1015 = arith.constant 0 : i32
        %dma_start3A_1016 = arith.constant 0 : i32
        %dma_start3A_1017 = tpu.memref_slice %arg2[%dma_start3A_1015, %dma_start3A_1016] : memref<100000x32xf32, #tpu.memory_space<hbm>> -> memref<100000x32xf32, #tpu.memory_space<hbm>>
        tpu.enqueue_indirect_dma source(%dma_start3A_1017 : memref<100000x32xf32, #tpu.memory_space<hbm>>) target(%dma_start3A_1011 : memref<128x32xf32, #tpu.memory_space<vmem>>) offsets(%dma_start3A_1014 : memref<128xi32, #tpu.memory_space<vmem>>) semaphore(%arg13 : memref<!tpu.dma_semaphore, #tpu.memory_space<semaphore_mem>>)
      } else {
      }
      %scan3A_888 = arith.constant 0 : i32
      %scan3A_889 = arith.constant 0 : i32
      %scan3A_890 = arith.constant 32 : i32
      %scan3A_891 = arith.addi %scan3A_889, %scan3A_890 : i32
      %scan3A_892 = arith.constant 1 : i32
      scf.for %scan3A_993 = %scan3A_889 to %scan3A_891 step %scan3A_892  : i32 {
        %mul3A_994 = arith.constant 4 : i32
        %mul3A_995 = arith.muli %mul3A_994, %scan3A_993 : i32
        %add3A_996 = arith.constant 0 : i32
        %add3A_997 = arith.addi %mul3A_995, %add3A_996 : i32
        %broadcast_in_dim3A = vector.broadcast %add3A_997 : i32 to vector<16xi32>
        %get3A = arith.constant 3 : i32
        %get3A_998 = arith.index_cast %get3A : i32 to index
        %get3A_999 = arith.index_cast %add3A_997 : i32 to index
        %get3A_1000 = arith.constant 0 : index
        %get3A_1001 = tpu.vector_load %arg6[%get3A_998, %get3A_999, %get3A_1000] {strides = array<i32>} : memref<4x128x32xf32, #tpu.memory_space<vmem>>, vector<16xf32>,
        %add3A_1002 = arith.constant 0 : i32
        %add3A_1003 = vector.broadcast %add3A_1002 : i32 to vector<16xi32>
        %add3A_1004 = arith.addi %iota3A, %add3A_1003 : vector<16xi32>
        %scatter3A = arith.constant 3 : i32
        %scatter3A_1005 = arith.constant 0 : i32
        %scatter3A_1006 = arith.constant 0 : i32
        %scatter3A_1007 = tpu.memref_slice %arg7[%scatter3A, %scatter3A_1005, %scatter3A_1006] : memref<4x32x129xf32, #tpu.memory_space<vmem>> -> memref<1x32x129xf32, #tpu.memory_space<vmem>>
        %scatter3A_1008 = tpu.memref_squeeze %scatter3A_1007 : memref<1x32x129xf32, #tpu.memory_space<vmem>> -> memref<32x129xf32, #tpu.memory_space<vmem>>
        tpu.vector_store_idx %scatter3A_1008[%add3A_1004, %broadcast_in_dim3A], %get3A_1001 : memref<32x129xf32, #tpu.memory_space<vmem>>[vector<16xi32>, vector<16xi32>], vector<16xf32>,
        %get3A_1009 = arith.constant 3 : i32
        %get3A_1010 = arith.index_cast %get3A_1009 : i32 to index
        %get3A_1011 = arith.index_cast %add3A_997 : i32 to index
        %get3A_1012 = arith.constant 16 : index
        %get3A_1013 = tpu.vector_load %arg6[%get3A_1010, %get3A_1011, %get3A_1012] {strides = array<i32>} : memref<4x128x32xf32, #tpu.memory_space<vmem>>, vector<16xf32>,
        %add3A_1014 = arith.constant 16 : i32
        %add3A_1015 = vector.broadcast %add3A_1014 : i32 to vector<16xi32>
        %add3A_1016 = arith.addi %iota3A, %add3A_1015 : vector<16xi32>
        %scatter3A_1017 = arith.constant 3 : i32
        %scatter3A_1018 = arith.constant 0 : i32
        %scatter3A_1019 = arith.constant 0 : i32
        %scatter3A_1020 = tpu.memref_slice %arg7[%scatter3A_1017, %scatter3A_1018, %scatter3A_1019] : memref<4x32x129xf32, #tpu.memory_space<vmem>> -> memref<1x32x129xf32, #tpu.memory_space<vmem>>
        %scatter3A_1021 = tpu.memref_squeeze %scatter3A_1020 : memref<1x32x129xf32, #tpu.memory_space<vmem>> -> memref<32x129xf32, #tpu.memory_space<vmem>>
        tpu.vector_store_idx %scatter3A_1021[%add3A_1016, %broadcast_in_dim3A], %get3A_1013 : memref<32x129xf32, #tpu.memory_space<vmem>>[vector<16xi32>, vector<16xi32>], vector<16xf32>,
        %mul3A_1022 = arith.constant 4 : i32
        %mul3A_1023 = arith.muli %mul3A_1022, %scan3A_993 : i32
        %add3A_1024 = arith.constant 1 : i32
        %add3A_1025 = arith.addi %mul3A_1023, %add3A_1024 : i32
        %broadcast_in_dim3A_1026 = vector.broadcast %add3A_1025 : i32 to vector<16xi32>
        %get3A_1027 = arith.constant 3 : i32
        %get3A_1028 = arith.index_cast %get3A_1027 : i32 to index
        %get3A_1029 = arith.index_cast %add3A_1025 : i32 to index
        %get3A_1030 = arith.constant 0 : index
        %get3A_1031 = tpu.vector_load %arg6[%get3A_1028, %get3A_1029, %get3A_1030] {strides = array<i32>} : memref<4x128x32xf32, #tpu.memory_space<vmem>>, vector<16xf32>,
        %add3A_1032 = arith.constant 0 : i32
        %add3A_1033 = vector.broadcast %add3A_1032 : i32 to vector<16xi32>
        %add3A_1034 = arith.addi %iota3A, %add3A_1033 : vector<16xi32>
        %scatter3A_1035 = arith.constant 3 : i32
        %scatter3A_1036 = arith.constant 0 : i32
        %scatter3A_1037 = arith.constant 0 : i32
        %scatter3A_1038 = tpu.memref_slice %arg7[%scatter3A_1035, %scatter3A_1036, %scatter3A_1037] : memref<4x32x129xf32, #tpu.memory_space<vmem>> -> memref<1x32x129xf32, #tpu.memory_space<vmem>>
        %scatter3A_1039 = tpu.memref_squeeze %scatter3A_1038 : memref<1x32x129xf32, #tpu.memory_space<vmem>> -> memref<32x129xf32, #tpu.memory_space<vmem>>
        tpu.vector_store_idx %scatter3A_1039[%add3A_1034, %broadcast_in_dim3A_1026], %get3A_1031 : memref<32x129xf32, #tpu.memory_space<vmem>>[vector<16xi32>, vector<16xi32>], vector<16xf32>,
        %get3A_1040 = arith.constant 3 : i32
        %get3A_1041 = arith.index_cast %get3A_1040 : i32 to index
        %get3A_1042 = arith.index_cast %add3A_1025 : i32 to index
        %get3A_1043 = arith.constant 16 : index
        %get3A_1044 = tpu.vector_load %arg6[%get3A_1041, %get3A_1042, %get3A_1043] {strides = array<i32>} : memref<4x128x32xf32, #tpu.memory_space<vmem>>, vector<16xf32>,
        %add3A_1045 = arith.constant 16 : i32
        %add3A_1046 = vector.broadcast %add3A_1045 : i32 to vector<16xi32>
        %add3A_1047 = arith.addi %iota3A, %add3A_1046 : vector<16xi32>
        %scatter3A_1048 = arith.constant 3 : i32
        %scatter3A_1049 = arith.constant 0 : i32
        %scatter3A_1050 = arith.constant 0 : i32
        %scatter3A_1051 = tpu.memref_slice %arg7[%scatter3A_1048, %scatter3A_1049, %scatter3A_1050] : memref<4x32x129xf32, #tpu.memory_space<vmem>> -> memref<1x32x129xf32, #tpu.memory_space<vmem>>
        %scatter3A_1052 = tpu.memref_squeeze %scatter3A_1051 : memref<1x32x129xf32, #tpu.memory_space<vmem>> -> memref<32x129xf32, #tpu.memory_space<vmem>>
        tpu.vector_store_idx %scatter3A_1052[%add3A_1047, %broadcast_in_dim3A_1026], %get3A_1044 : memref<32x129xf32, #tpu.memory_space<vmem>>[vector<16xi32>, vector<16xi32>], vector<16xf32>,
        %mul3A_1053 = arith.constant 4 : i32
        %mul3A_1054 = arith.muli %mul3A_1053, %scan3A_993 : i32
        %add3A_1055 = arith.constant 2 : i32
        %add3A_1056 = arith.addi %mul3A_1054, %add3A_1055 : i32
        %broadcast_in_dim3A_1057 = vector.broadcast %add3A_1056 : i32 to vector<16xi32>
        %get3A_1058 = arith.constant 3 : i32
        %get3A_1059 = arith.index_cast %get3A_1058 : i32 to index
        %get3A_1060 = arith.index_cast %add3A_1056 : i32 to index
        %get3A_1061 = arith.constant 0 : index
        %get3A_1062 = tpu.vector_load %arg6[%get3A_1059, %get3A_1060, %get3A_1061] {strides = array<i32>} : memref<4x128x32xf32, #tpu.memory_space<vmem>>, vector<16xf32>,
        %add3A_1063 = arith.constant 0 : i32
        %add3A_1064 = vector.broadcast %add3A_1063 : i32 to vector<16xi32>
        %add3A_1065 = arith.addi %iota3A, %add3A_1064 : vector<16xi32>
        %scatter3A_1066 = arith.constant 3 : i32
        %scatter3A_1067 = arith.constant 0 : i32
        %scatter3A_1068 = arith.constant 0 : i32
        %scatter3A_1069 = tpu.memref_slice %arg7[%scatter3A_1066, %scatter3A_1067, %scatter3A_1068] : memref<4x32x129xf32, #tpu.memory_space<vmem>> -> memref<1x32x129xf32, #tpu.memory_space<vmem>>
        %scatter3A_1070 = tpu.memref_squeeze %scatter3A_1069 : memref<1x32x129xf32, #tpu.memory_space<vmem>> -> memref<32x129xf32, #tpu.memory_space<vmem>>
        tpu.vector_store_idx %scatter3A_1070[%add3A_1065, %broadcast_in_dim3A_1057], %get3A_1062 : memref<32x129xf32, #tpu.memory_space<vmem>>[vector<16xi32>, vector<16xi32>], vector<16xf32>,
        %get3A_1071 = arith.constant 3 : i32
        %get3A_1072 = arith.index_cast %get3A_1071 : i32 to index
        %get3A_1073 = arith.index_cast %add3A_1056 : i32 to index
        %get3A_1074 = arith.constant 16 : index
        %get3A_1075 = tpu.vector_load %arg6[%get3A_1072, %get3A_1073, %get3A_1074] {strides = array<i32>} : memref<4x128x32xf32, #tpu.memory_space<vmem>>, vector<16xf32>,
        %add3A_1076 = arith.constant 16 : i32
        %add3A_1077 = vector.broadcast %add3A_1076 : i32 to vector<16xi32>
        %add3A_1078 = arith.addi %iota3A, %add3A_1077 : vector<16xi32>
        %scatter3A_1079 = arith.constant 3 : i32
        %scatter3A_1080 = arith.constant 0 : i32
        %scatter3A_1081 = arith.constant 0 : i32
        %scatter3A_1082 = tpu.memref_slice %arg7[%scatter3A_1079, %scatter3A_1080, %scatter3A_1081] : memref<4x32x129xf32, #tpu.memory_space<vmem>> -> memref<1x32x129xf32, #tpu.memory_space<vmem>>
        %scatter3A_1083 = tpu.memref_squeeze %scatter3A_1082 : memref<1x32x129xf32, #tpu.memory_space<vmem>> -> memref<32x129xf32, #tpu.memory_space<vmem>>
        tpu.vector_store_idx %scatter3A_1083[%add3A_1078, %broadcast_in_dim3A_1057], %get3A_1075 : memref<32x129xf32, #tpu.memory_space<vmem>>[vector<16xi32>, vector<16xi32>], vector<16xf32>,
        %mul3A_1084 = arith.constant 4 : i32
        %mul3A_1085 = arith.muli %mul3A_1084, %scan3A_993 : i32
        %add3A_1086 = arith.constant 3 : i32
        %add3A_1087 = arith.addi %mul3A_1085, %add3A_1086 : i32
        %broadcast_in_dim3A_1088 = vector.broadcast %add3A_1087 : i32 to vector<16xi32>
        %get3A_1089 = arith.constant 3 : i32
        %get3A_1090 = arith.index_cast %get3A_1089 : i32 to index
        %get3A_1091 = arith.index_cast %add3A_1087 : i32 to index
        %get3A_1092 = arith.constant 0 : index
        %get3A_1093 = tpu.vector_load %arg6[%get3A_1090, %get3A_1091, %get3A_1092] {strides = array<i32>} : memref<4x128x32xf32, #tpu.memory_space<vmem>>, vector<16xf32>,
        %add3A_1094 = arith.constant 0 : i32
        %add3A_1095 = vector.broadcast %add3A_1094 : i32 to vector<16xi32>
        %add3A_1096 = arith.addi %iota3A, %add3A_1095 : vector<16xi32>
        %scatter3A_1097 = arith.constant 3 : i32
        %scatter3A_1098 = arith.constant 0 : i32
        %scatter3A_1099 = arith.constant 0 : i32
        %scatter3A_1100 = tpu.memref_slice %arg7[%scatter3A_1097, %scatter3A_1098, %scatter3A_1099] : memref<4x32x129xf32, #tpu.memory_space<vmem>> -> memref<1x32x129xf32, #tpu.memory_space<vmem>>
        %scatter3A_1101 = tpu.memref_squeeze %scatter3A_1100 : memref<1x32x129xf32, #tpu.memory_space<vmem>> -> memref<32x129xf32, #tpu.memory_space<vmem>>
        tpu.vector_store_idx %scatter3A_1101[%add3A_1096, %broadcast_in_dim3A_1088], %get3A_1093 : memref<32x129xf32, #tpu.memory_space<vmem>>[vector<16xi32>, vector<16xi32>], vector<16xf32>,
        %get3A_1102 = arith.constant 3 : i32
        %get3A_1103 = arith.index_cast %get3A_1102 : i32 to index
        %get3A_1104 = arith.index_cast %add3A_1087 : i32 to index
        %get3A_1105 = arith.constant 16 : index
        %get3A_1106 = tpu.vector_load %arg6[%get3A_1103, %get3A_1104, %get3A_1105] {strides = array<i32>} : memref<4x128x32xf32, #tpu.memory_space<vmem>>, vector<16xf32>,
        %add3A_1107 = arith.constant 16 : i32
        %add3A_1108 = vector.broadcast %add3A_1107 : i32 to vector<16xi32>
        %add3A_1109 = arith.addi %iota3A, %add3A_1108 : vector<16xi32>
        %scatter3A_1110 = arith.constant 3 : i32
        %scatter3A_1111 = arith.constant 0 : i32
        %scatter3A_1112 = arith.constant 0 : i32
        %scatter3A_1113 = tpu.memref_slice %arg7[%scatter3A_1110, %scatter3A_1111, %scatter3A_1112] : memref<4x32x129xf32, #tpu.memory_space<vmem>> -> memref<1x32x129xf32, #tpu.memory_space<vmem>>
        %scatter3A_1114 = tpu.memref_squeeze %scatter3A_1113 : memref<1x32x129xf32, #tpu.memory_space<vmem>> -> memref<32x129xf32, #tpu.memory_space<vmem>>
        tpu.vector_store_idx %scatter3A_1114[%add3A_1109, %broadcast_in_dim3A_1088], %get3A_1106 : memref<32x129xf32, #tpu.memory_space<vmem>>[vector<16xi32>, vector<16xi32>], vector<16xf32>,
      }
      %scan3A_893 = arith.constant 32 : i32
      %add3A_894 = arith.addi %mul3A_2, %add3A_851 : i32
      %jit3A_895 = arith.constant 128 : i32
      %div3A_896 = arith.divsi %add3A_894, %jit3A_895 : i32
      %sign3A_897 = arith.constant 0 : i32
      %sign3A_898 = arith.cmpi sgt, %add3A_894, %sign3A_897 : i32
      %sign3A_899 = arith.extui %sign3A_898 : i1 to i32
      %sign3A_900 = arith.constant 0 : i32
      %sign3A_901 = arith.cmpi slt, %add3A_894, %sign3A_900 : i32
      %sign3A_902 = arith.extui %sign3A_901 : i1 to i32
      %sign3A_903 = arith.subi %sign3A_899, %sign3A_902 : i32
      %sign3A_904 = arith.constant 0 : i32
      %sign3A_905 = arith.cmpi sgt, %jit3A_895, %sign3A_904 : i32
      %sign3A_906 = arith.extui %sign3A_905 : i1 to i32
      %sign3A_907 = arith.constant 0 : i32
      %sign3A_908 = arith.cmpi slt, %jit3A_895, %sign3A_907 : i32
      %sign3A_909 = arith.extui %sign3A_908 : i1 to i32
      %sign3A_910 = arith.subi %sign3A_906, %sign3A_909 : i32
      %ne3A_911 = arith.cmpi ne, %sign3A_903, %sign3A_910 : i32
      %rem3A_912 = arith.remsi %add3A_894, %jit3A_895 : i32
      %ne3A_913 = arith.constant 0 : i32
      %ne3A_914 = arith.cmpi ne, %rem3A_912, %ne3A_913 : i32
      %and3A_915 = arith.andi %ne3A_911, %ne3A_914 : i1
      %sub3A_916 = arith.constant 1 : i32
      %sub3A_917 = arith.subi %div3A_896, %sub3A_916 : i32
      %select_n3A_918 = arith.select %and3A_915, %sub3A_917, %div3A_896 : i32
      %rem3A_919 = arith.constant 128 : i32
      %rem3A_920 = arith.remsi %add3A_894, %rem3A_919 : i32
      %dma_start3A_921 = arith.constant 3 : i32
      %dma_start3A_922 = arith.constant 0 : i32
      %dma_start3A_923 = arith.constant 0 : i32
      %dma_start3A_924 = arith.constant 0 : i32
      %dma_start3A_925 = tpu.memref_slice %arg7[%dma_start3A_921, %dma_start3A_923, %dma_start3A_924] : memref<4x32x129xf32, #tpu.memory_space<vmem>> -> memref<1x8x128xf32, #tpu.memory_space<vmem>>
      %dma_start3A_926 = tpu.memref_squeeze %dma_start3A_925 : memref<1x8x128xf32, #tpu.memory_space<vmem>> -> memref<8x128xf32, #tpu.memory_space<vmem>>
      %dma_start3A_927 = arith.constant 0 : i32
      %dma_start3A_928 = arith.constant 0 : i32
      %dma_start3A_929 = tpu.memref_slice %arg4[%select_n3A_918, %dma_start3A_922, %rem3A_920, %dma_start3A_927, %dma_start3A_928] : memref<200x4x128x8x128xf32, #tpu.memory_space<hbm>> -> memref<1x1x1x8x128xf32, #tpu.memory_space<hbm>>
      %dma_start3A_930 = tpu.memref_squeeze %dma_start3A_929 : memref<1x1x1x8x128xf32, #tpu.memory_space<hbm>> -> memref<8x128xf32, #tpu.memory_space<hbm>>
      %dma_start3A_931 = arith.constant 0 : i32
      %dma_start3A_932 = arith.constant 0 : i32
      %dma_start3A_933 = tpu.memref_slice %arg4[%select_n3A_918, %dma_start3A_922, %rem3A_920, %dma_start3A_931, %dma_start3A_932] : memref<200x4x128x8x128xf32, #tpu.memory_space<hbm>> -> memref<1x1x1x8x128xf32, #tpu.memory_space<hbm>>
      %dma_start3A_934 = tpu.memref_squeeze %dma_start3A_933 : memref<1x1x1x8x128xf32, #tpu.memory_space<hbm>> -> memref<8x128xf32, #tpu.memory_space<hbm>>
      %dma_start3A_935 = arith.constant 0 : i32
      %dma_start3A_936 = arith.constant 0 : i32
      %dma_start3A_937 = tpu.memref_slice %arg7[%dma_start3A_921, %dma_start3A_935, %dma_start3A_936] : memref<4x32x129xf32, #tpu.memory_space<vmem>> -> memref<1x8x128xf32, #tpu.memory_space<vmem>>
      %dma_start3A_938 = tpu.memref_squeeze %dma_start3A_937 : memref<1x8x128xf32, #tpu.memory_space<vmem>> -> memref<8x128xf32, #tpu.memory_space<vmem>>
      tpu.enqueue_dma source(%dma_start3A_938 : memref<8x128xf32, #tpu.memory_space<vmem>>) target(%dma_start3A_934 : memref<8x128xf32, #tpu.memory_space<hbm>>) target_semaphore(%arg19 : memref<!tpu.dma_semaphore, #tpu.memory_space<semaphore_mem>>)
      %dma_start3A_939 = arith.constant 3 : i32
      %dma_start3A_940 = arith.constant 1 : i32
      %dma_start3A_941 = arith.constant 8 : i32
      %dma_start3A_942 = arith.constant 0 : i32
      %dma_start3A_943 = tpu.memref_slice %arg7[%dma_start3A_939, %dma_start3A_941, %dma_start3A_942] : memref<4x32x129xf32, #tpu.memory_space<vmem>> -> memref<1x8x128xf32, #tpu.memory_space<vmem>>
      %dma_start3A_944 = tpu.memref_squeeze %dma_start3A_943 : memref<1x8x128xf32, #tpu.memory_space<vmem>> -> memref<8x128xf32, #tpu.memory_space<vmem>>
      %dma_start3A_945 = arith.constant 0 : i32
      %dma_start3A_946 = arith.constant 0 : i32
      %dma_start3A_947 = tpu.memref_slice %arg4[%select_n3A_918, %dma_start3A_940, %rem3A_920, %dma_start3A_945, %dma_start3A_946] : memref<200x4x128x8x128xf32, #tpu.memory_space<hbm>> -> memref<1x1x1x8x128xf32, #tpu.memory_space<hbm>>
      %dma_start3A_948 = tpu.memref_squeeze %dma_start3A_947 : memref<1x1x1x8x128xf32, #tpu.memory_space<hbm>> -> memref<8x128xf32, #tpu.memory_space<hbm>>
      %dma_start3A_949 = arith.constant 0 : i32
      %dma_start3A_950 = arith.constant 0 : i32
      %dma_start3A_951 = tpu.memref_slice %arg4[%select_n3A_918, %dma_start3A_940, %rem3A_920, %dma_start3A_949, %dma_start3A_950] : memref<200x4x128x8x128xf32, #tpu.memory_space<hbm>> -> memref<1x1x1x8x128xf32, #tpu.memory_space<hbm>>
      %dma_start3A_952 = tpu.memref_squeeze %dma_start3A_951 : memref<1x1x1x8x128xf32, #tpu.memory_space<hbm>> -> memref<8x128xf32, #tpu.memory_space<hbm>>
      %dma_start3A_953 = arith.constant 8 : i32
      %dma_start3A_954 = arith.constant 0 : i32
      %dma_start3A_955 = tpu.memref_slice %arg7[%dma_start3A_939, %dma_start3A_953, %dma_start3A_954] : memref<4x32x129xf32, #tpu.memory_space<vmem>> -> memref<1x8x128xf32, #tpu.memory_space<vmem>>
      %dma_start3A_956 = tpu.memref_squeeze %dma_start3A_955 : memref<1x8x128xf32, #tpu.memory_space<vmem>> -> memref<8x128xf32, #tpu.memory_space<vmem>>
      tpu.enqueue_dma source(%dma_start3A_956 : memref<8x128xf32, #tpu.memory_space<vmem>>) target(%dma_start3A_952 : memref<8x128xf32, #tpu.memory_space<hbm>>) target_semaphore(%arg19 : memref<!tpu.dma_semaphore, #tpu.memory_space<semaphore_mem>>)
      %dma_start3A_957 = arith.constant 3 : i32
      %dma_start3A_958 = arith.constant 2 : i32
      %dma_start3A_959 = arith.constant 16 : i32
      %dma_start3A_960 = arith.constant 0 : i32
      %dma_start3A_961 = tpu.memref_slice %arg7[%dma_start3A_957, %dma_start3A_959, %dma_start3A_960] : memref<4x32x129xf32, #tpu.memory_space<vmem>> -> memref<1x8x128xf32, #tpu.memory_space<vmem>>
      %dma_start3A_962 = tpu.memref_squeeze %dma_start3A_961 : memref<1x8x128xf32, #tpu.memory_space<vmem>> -> memref<8x128xf32, #tpu.memory_space<vmem>>
      %dma_start3A_963 = arith.constant 0 : i32
      %dma_start3A_964 = arith.constant 0 : i32
      %dma_start3A_965 = tpu.memref_slice %arg4[%select_n3A_918, %dma_start3A_958, %rem3A_920, %dma_start3A_963, %dma_start3A_964] : memref<200x4x128x8x128xf32, #tpu.memory_space<hbm>> -> memref<1x1x1x8x128xf32, #tpu.memory_space<hbm>>
      %dma_start3A_966 = tpu.memref_squeeze %dma_start3A_965 : memref<1x1x1x8x128xf32, #tpu.memory_space<hbm>> -> memref<8x128xf32, #tpu.memory_space<hbm>>
      %dma_start3A_967 = arith.constant 0 : i32
      %dma_start3A_968 = arith.constant 0 : i32
      %dma_start3A_969 = tpu.memref_slice %arg4[%select_n3A_918, %dma_start3A_958, %rem3A_920, %dma_start3A_967, %dma_start3A_968] : memref<200x4x128x8x128xf32, #tpu.memory_space<hbm>> -> memref<1x1x1x8x128xf32, #tpu.memory_space<hbm>>
      %dma_start3A_970 = tpu.memref_squeeze %dma_start3A_969 : memref<1x1x1x8x128xf32, #tpu.memory_space<hbm>> -> memref<8x128xf32, #tpu.memory_space<hbm>>
      %dma_start3A_971 = arith.constant 16 : i32
      %dma_start3A_972 = arith.constant 0 : i32
      %dma_start3A_973 = tpu.memref_slice %arg7[%dma_start3A_957, %dma_start3A_971, %dma_start3A_972] : memref<4x32x129xf32, #tpu.memory_space<vmem>> -> memref<1x8x128xf32, #tpu.memory_space<vmem>>
      %dma_start3A_974 = tpu.memref_squeeze %dma_start3A_973 : memref<1x8x128xf32, #tpu.memory_space<vmem>> -> memref<8x128xf32, #tpu.memory_space<vmem>>
      tpu.enqueue_dma source(%dma_start3A_974 : memref<8x128xf32, #tpu.memory_space<vmem>>) target(%dma_start3A_970 : memref<8x128xf32, #tpu.memory_space<hbm>>) target_semaphore(%arg19 : memref<!tpu.dma_semaphore, #tpu.memory_space<semaphore_mem>>)
      %dma_start3A_975 = arith.constant 3 : i32
      %dma_start3A_976 = arith.constant 3 : i32
      %dma_start3A_977 = arith.constant 24 : i32
      %dma_start3A_978 = arith.constant 0 : i32
      %dma_start3A_979 = tpu.memref_slice %arg7[%dma_start3A_975, %dma_start3A_977, %dma_start3A_978] : memref<4x32x129xf32, #tpu.memory_space<vmem>> -> memref<1x8x128xf32, #tpu.memory_space<vmem>>
      %dma_start3A_980 = tpu.memref_squeeze %dma_start3A_979 : memref<1x8x128xf32, #tpu.memory_space<vmem>> -> memref<8x128xf32, #tpu.memory_space<vmem>>
      %dma_start3A_981 = arith.constant 0 : i32
      %dma_start3A_982 = arith.constant 0 : i32
      %dma_start3A_983 = tpu.memref_slice %arg4[%select_n3A_918, %dma_start3A_976, %rem3A_920, %dma_start3A_981, %dma_start3A_982] : memref<200x4x128x8x128xf32, #tpu.memory_space<hbm>> -> memref<1x1x1x8x128xf32, #tpu.memory_space<hbm>>
      %dma_start3A_984 = tpu.memref_squeeze %dma_start3A_983 : memref<1x1x1x8x128xf32, #tpu.memory_space<hbm>> -> memref<8x128xf32, #tpu.memory_space<hbm>>
      %dma_start3A_985 = arith.constant 0 : i32
      %dma_start3A_986 = arith.constant 0 : i32
      %dma_start3A_987 = tpu.memref_slice %arg4[%select_n3A_918, %dma_start3A_976, %rem3A_920, %dma_start3A_985, %dma_start3A_986] : memref<200x4x128x8x128xf32, #tpu.memory_space<hbm>> -> memref<1x1x1x8x128xf32, #tpu.memory_space<hbm>>
      %dma_start3A_988 = tpu.memref_squeeze %dma_start3A_987 : memref<1x1x1x8x128xf32, #tpu.memory_space<hbm>> -> memref<8x128xf32, #tpu.memory_space<hbm>>
      %dma_start3A_989 = arith.constant 24 : i32
      %dma_start3A_990 = arith.constant 0 : i32
      %dma_start3A_991 = tpu.memref_slice %arg7[%dma_start3A_975, %dma_start3A_989, %dma_start3A_990] : memref<4x32x129xf32, #tpu.memory_space<vmem>> -> memref<1x8x128xf32, #tpu.memory_space<vmem>>
      %dma_start3A_992 = tpu.memref_squeeze %dma_start3A_991 : memref<1x8x128xf32, #tpu.memory_space<vmem>> -> memref<8x128xf32, #tpu.memory_space<vmem>>
      tpu.enqueue_dma source(%dma_start3A_992 : memref<8x128xf32, #tpu.memory_space<vmem>>) target(%dma_start3A_988 : memref<8x128xf32, #tpu.memory_space<hbm>>) target_semaphore(%arg19 : memref<!tpu.dma_semaphore, #tpu.memory_space<semaphore_mem>>)
    }
    %scan3A_103 = arith.constant 200 : i32
    %dma_wait3A_104 = arith.constant 0 : i32
    %dma_wait3A_105 = arith.constant 0 : i32
    %dma_wait3A_106 = arith.constant 0 : i32
    %dma_wait3A_107 = arith.constant 0 : i32
    %dma_wait3A_108 = arith.constant 0 : i32
    %dma_wait3A_109 = arith.constant 0 : i32
    %dma_wait3A_110 = tpu.memref_slice %arg7[%dma_wait3A_104, %dma_wait3A_108, %dma_wait3A_109] : memref<4x32x129xf32, #tpu.memory_space<vmem>> -> memref<1x8x128xf32, #tpu.memory_space<vmem>>
    %dma_wait3A_111 = tpu.memref_squeeze %dma_wait3A_110 : memref<1x8x128xf32, #tpu.memory_space<vmem>> -> memref<8x128xf32, #tpu.memory_space<vmem>>
    %dma_wait3A_112 = arith.constant 0 : i32
    %dma_wait3A_113 = arith.constant 0 : i32
    %dma_wait3A_114 = tpu.memref_slice %arg4[%dma_wait3A_105, %dma_wait3A_106, %dma_wait3A_107, %dma_wait3A_112, %dma_wait3A_113] : memref<200x4x128x8x128xf32, #tpu.memory_space<hbm>> -> memref<1x1x1x8x128xf32, #tpu.memory_space<hbm>>
    %dma_wait3A_115 = tpu.memref_squeeze %dma_wait3A_114 : memref<1x1x1x8x128xf32, #tpu.memory_space<hbm>> -> memref<8x128xf32, #tpu.memory_space<hbm>>
    %dma_wait3A_116 = arith.constant 0 : i32
    %dma_wait3A_117 = arith.constant 0 : i32
    %dma_wait3A_118 = tpu.memref_slice %arg4[%dma_wait3A_105, %dma_wait3A_106, %dma_wait3A_107, %dma_wait3A_116, %dma_wait3A_117] : memref<200x4x128x8x128xf32, #tpu.memory_space<hbm>> -> memref<1x1x1x8x128xf32, #tpu.memory_space<hbm>>
    %dma_wait3A_119 = tpu.memref_squeeze %dma_wait3A_118 : memref<1x1x1x8x128xf32, #tpu.memory_space<hbm>> -> memref<8x128xf32, #tpu.memory_space<hbm>>
    %dma_wait3A_120 = arith.constant 0 : i32
    %dma_wait3A_121 = arith.constant 0 : i32
    %dma_wait3A_122 = tpu.memref_slice %arg7[%dma_wait3A_104, %dma_wait3A_120, %dma_wait3A_121] : memref<4x32x129xf32, #tpu.memory_space<vmem>> -> memref<1x8x128xf32, #tpu.memory_space<vmem>>
    %dma_wait3A_123 = tpu.memref_squeeze %dma_wait3A_122 : memref<1x8x128xf32, #tpu.memory_space<vmem>> -> memref<8x128xf32, #tpu.memory_space<vmem>>
    tpu.wait_dma2 semaphore(%arg16 : memref<!tpu.dma_semaphore, #tpu.memory_space<semaphore_mem>>) src(%dma_wait3A_123 : memref<8x128xf32, #tpu.memory_space<vmem>>) dst(%dma_wait3A_119 : memref<8x128xf32, #tpu.memory_space<hbm>>)
    %dma_wait3A_124 = arith.constant 0 : i32
    %dma_wait3A_125 = arith.constant 0 : i32
    %dma_wait3A_126 = arith.constant 0 : i32
    %dma_wait3A_127 = arith.constant 0 : i32
    %dma_wait3A_128 = arith.constant 8 : i32
    %dma_wait3A_129 = arith.constant 0 : i32
    %dma_wait3A_130 = tpu.memref_slice %arg7[%dma_wait3A_124, %dma_wait3A_128, %dma_wait3A_129] : memref<4x32x129xf32, #tpu.memory_space<vmem>> -> memref<1x8x128xf32, #tpu.memory_space<vmem>>
    %dma_wait3A_131 = tpu.memref_squeeze %dma_wait3A_130 : memref<1x8x128xf32, #tpu.memory_space<vmem>> -> memref<8x128xf32, #tpu.memory_space<vmem>>
    %dma_wait3A_132 = arith.constant 0 : i32
    %dma_wait3A_133 = arith.constant 0 : i32
    %dma_wait3A_134 = tpu.memref_slice %arg4[%dma_wait3A_125, %dma_wait3A_126, %dma_wait3A_127, %dma_wait3A_132, %dma_wait3A_133] : memref<200x4x128x8x128xf32, #tpu.memory_space<hbm>> -> memref<1x1x1x8x128xf32, #tpu.memory_space<hbm>>
    %dma_wait3A_135 = tpu.memref_squeeze %dma_wait3A_134 : memref<1x1x1x8x128xf32, #tpu.memory_space<hbm>> -> memref<8x128xf32, #tpu.memory_space<hbm>>
    %dma_wait3A_136 = arith.constant 0 : i32
    %dma_wait3A_137 = arith.constant 0 : i32
    %dma_wait3A_138 = tpu.memref_slice %arg4[%dma_wait3A_125, %dma_wait3A_126, %dma_wait3A_127, %dma_wait3A_136, %dma_wait3A_137] : memref<200x4x128x8x128xf32, #tpu.memory_space<hbm>> -> memref<1x1x1x8x128xf32, #tpu.memory_space<hbm>>
    %dma_wait3A_139 = tpu.memref_squeeze %dma_wait3A_138 : memref<1x1x1x8x128xf32, #tpu.memory_space<hbm>> -> memref<8x128xf32, #tpu.memory_space<hbm>>
    %dma_wait3A_140 = arith.constant 8 : i32
    %dma_wait3A_141 = arith.constant 0 : i32
    %dma_wait3A_142 = tpu.memref_slice %arg7[%dma_wait3A_124, %dma_wait3A_140, %dma_wait3A_141] : memref<4x32x129xf32, #tpu.memory_space<vmem>> -> memref<1x8x128xf32, #tpu.memory_space<vmem>>
    %dma_wait3A_143 = tpu.memref_squeeze %dma_wait3A_142 : memref<1x8x128xf32, #tpu.memory_space<vmem>> -> memref<8x128xf32, #tpu.memory_space<vmem>>
    tpu.wait_dma2 semaphore(%arg16 : memref<!tpu.dma_semaphore, #tpu.memory_space<semaphore_mem>>) src(%dma_wait3A_143 : memref<8x128xf32, #tpu.memory_space<vmem>>) dst(%dma_wait3A_139 : memref<8x128xf32, #tpu.memory_space<hbm>>)
    %dma_wait3A_144 = arith.constant 0 : i32
    %dma_wait3A_145 = arith.constant 0 : i32
    %dma_wait3A_146 = arith.constant 0 : i32
    %dma_wait3A_147 = arith.constant 0 : i32
    %dma_wait3A_148 = arith.constant 16 : i32
    %dma_wait3A_149 = arith.constant 0 : i32
    %dma_wait3A_150 = tpu.memref_slice %arg7[%dma_wait3A_144, %dma_wait3A_148, %dma_wait3A_149] : memref<4x32x129xf32, #tpu.memory_space<vmem>> -> memref<1x8x128xf32, #tpu.memory_space<vmem>>
    %dma_wait3A_151 = tpu.memref_squeeze %dma_wait3A_150 : memref<1x8x128xf32, #tpu.memory_space<vmem>> -> memref<8x128xf32, #tpu.memory_space<vmem>>
    %dma_wait3A_152 = arith.constant 0 : i32
    %dma_wait3A_153 = arith.constant 0 : i32
    %dma_wait3A_154 = tpu.memref_slice %arg4[%dma_wait3A_145, %dma_wait3A_146, %dma_wait3A_147, %dma_wait3A_152, %dma_wait3A_153] : memref<200x4x128x8x128xf32, #tpu.memory_space<hbm>> -> memref<1x1x1x8x128xf32, #tpu.memory_space<hbm>>
    %dma_wait3A_155 = tpu.memref_squeeze %dma_wait3A_154 : memref<1x1x1x8x128xf32, #tpu.memory_space<hbm>> -> memref<8x128xf32, #tpu.memory_space<hbm>>
    %dma_wait3A_156 = arith.constant 0 : i32
    %dma_wait3A_157 = arith.constant 0 : i32
    %dma_wait3A_158 = tpu.memref_slice %arg4[%dma_wait3A_145, %dma_wait3A_146, %dma_wait3A_147, %dma_wait3A_156, %dma_wait3A_157] : memref<200x4x128x8x128xf32, #tpu.memory_space<hbm>> -> memref<1x1x1x8x128xf32, #tpu.memory_space<hbm>>
    %dma_wait3A_159 = tpu.memref_squeeze %dma_wait3A_158 : memref<1x1x1x8x128xf32, #tpu.memory_space<hbm>> -> memref<8x128xf32, #tpu.memory_space<hbm>>
    %dma_wait3A_160 = arith.constant 16 : i32
    %dma_wait3A_161 = arith.constant 0 : i32
    %dma_wait3A_162 = tpu.memref_slice %arg7[%dma_wait3A_144, %dma_wait3A_160, %dma_wait3A_161] : memref<4x32x129xf32, #tpu.memory_space<vmem>> -> memref<1x8x128xf32, #tpu.memory_space<vmem>>
    %dma_wait3A_163 = tpu.memref_squeeze %dma_wait3A_162 : memref<1x8x128xf32, #tpu.memory_space<vmem>> -> memref<8x128xf32, #tpu.memory_space<vmem>>
    tpu.wait_dma2 semaphore(%arg16 : memref<!tpu.dma_semaphore, #tpu.memory_space<semaphore_mem>>) src(%dma_wait3A_163 : memref<8x128xf32, #tpu.memory_space<vmem>>) dst(%dma_wait3A_159 : memref<8x128xf32, #tpu.memory_space<hbm>>)
    %dma_wait3A_164 = arith.constant 0 : i32
    %dma_wait3A_165 = arith.constant 0 : i32
    %dma_wait3A_166 = arith.constant 0 : i32
    %dma_wait3A_167 = arith.constant 0 : i32
    %dma_wait3A_168 = arith.constant 24 : i32
    %dma_wait3A_169 = arith.constant 0 : i32
    %dma_wait3A_170 = tpu.memref_slice %arg7[%dma_wait3A_164, %dma_wait3A_168, %dma_wait3A_169] : memref<4x32x129xf32, #tpu.memory_space<vmem>> -> memref<1x8x128xf32, #tpu.memory_space<vmem>>
    %dma_wait3A_171 = tpu.memref_squeeze %dma_wait3A_170 : memref<1x8x128xf32, #tpu.memory_space<vmem>> -> memref<8x128xf32, #tpu.memory_space<vmem>>
    %dma_wait3A_172 = arith.constant 0 : i32
    %dma_wait3A_173 = arith.constant 0 : i32
    %dma_wait3A_174 = tpu.memref_slice %arg4[%dma_wait3A_165, %dma_wait3A_166, %dma_wait3A_167, %dma_wait3A_172, %dma_wait3A_173] : memref<200x4x128x8x128xf32, #tpu.memory_space<hbm>> -> memref<1x1x1x8x128xf32, #tpu.memory_space<hbm>>
    %dma_wait3A_175 = tpu.memref_squeeze %dma_wait3A_174 : memref<1x1x1x8x128xf32, #tpu.memory_space<hbm>> -> memref<8x128xf32, #tpu.memory_space<hbm>>
    %dma_wait3A_176 = arith.constant 0 : i32
    %dma_wait3A_177 = arith.constant 0 : i32
    %dma_wait3A_178 = tpu.memref_slice %arg4[%dma_wait3A_165, %dma_wait3A_166, %dma_wait3A_167, %dma_wait3A_176, %dma_wait3A_177] : memref<200x4x128x8x128xf32, #tpu.memory_space<hbm>> -> memref<1x1x1x8x128xf32, #tpu.memory_space<hbm>>
    %dma_wait3A_179 = tpu.memref_squeeze %dma_wait3A_178 : memref<1x1x1x8x128xf32, #tpu.memory_space<hbm>> -> memref<8x128xf32, #tpu.memory_space<hbm>>
    %dma_wait3A_180 = arith.constant 24 : i32
    %dma_wait3A_181 = arith.constant 0 : i32
    %dma_wait3A_182 = tpu.memref_slice %arg7[%dma_wait3A_164, %dma_wait3A_180, %dma_wait3A_181] : memref<4x32x129xf32, #tpu.memory_space<vmem>> -> memref<1x8x128xf32, #tpu.memory_space<vmem>>
    %dma_wait3A_183 = tpu.memref_squeeze %dma_wait3A_182 : memref<1x8x128xf32, #tpu.memory_space<vmem>> -> memref<8x128xf32, #tpu.memory_space<vmem>>
    tpu.wait_dma2 semaphore(%arg16 : memref<!tpu.dma_semaphore, #tpu.memory_space<semaphore_mem>>) src(%dma_wait3A_183 : memref<8x128xf32, #tpu.memory_space<vmem>>) dst(%dma_wait3A_179 : memref<8x128xf32, #tpu.memory_space<hbm>>)
    %dma_wait3A_184 = arith.constant 1 : i32
    %dma_wait3A_185 = arith.constant 0 : i32
    %dma_wait3A_186 = arith.constant 0 : i32
    %dma_wait3A_187 = arith.constant 0 : i32
    %dma_wait3A_188 = arith.constant 0 : i32
    %dma_wait3A_189 = arith.constant 0 : i32
    %dma_wait3A_190 = tpu.memref_slice %arg7[%dma_wait3A_184, %dma_wait3A_188, %dma_wait3A_189] : memref<4x32x129xf32, #tpu.memory_space<vmem>> -> memref<1x8x128xf32, #tpu.memory_space<vmem>>
    %dma_wait3A_191 = tpu.memref_squeeze %dma_wait3A_190 : memref<1x8x128xf32, #tpu.memory_space<vmem>> -> memref<8x128xf32, #tpu.memory_space<vmem>>
    %dma_wait3A_192 = arith.constant 0 : i32
    %dma_wait3A_193 = arith.constant 0 : i32
    %dma_wait3A_194 = tpu.memref_slice %arg4[%dma_wait3A_185, %dma_wait3A_186, %dma_wait3A_187, %dma_wait3A_192, %dma_wait3A_193] : memref<200x4x128x8x128xf32, #tpu.memory_space<hbm>> -> memref<1x1x1x8x128xf32, #tpu.memory_space<hbm>>
    %dma_wait3A_195 = tpu.memref_squeeze %dma_wait3A_194 : memref<1x1x1x8x128xf32, #tpu.memory_space<hbm>> -> memref<8x128xf32, #tpu.memory_space<hbm>>
    %dma_wait3A_196 = arith.constant 0 : i32
    %dma_wait3A_197 = arith.constant 0 : i32
    %dma_wait3A_198 = tpu.memref_slice %arg4[%dma_wait3A_185, %dma_wait3A_186, %dma_wait3A_187, %dma_wait3A_196, %dma_wait3A_197] : memref<200x4x128x8x128xf32, #tpu.memory_space<hbm>> -> memref<1x1x1x8x128xf32, #tpu.memory_space<hbm>>
    %dma_wait3A_199 = tpu.memref_squeeze %dma_wait3A_198 : memref<1x1x1x8x128xf32, #tpu.memory_space<hbm>> -> memref<8x128xf32, #tpu.memory_space<hbm>>
    %dma_wait3A_200 = arith.constant 0 : i32
    %dma_wait3A_201 = arith.constant 0 : i32
    %dma_wait3A_202 = tpu.memref_slice %arg7[%dma_wait3A_184, %dma_wait3A_200, %dma_wait3A_201] : memref<4x32x129xf32, #tpu.memory_space<vmem>> -> memref<1x8x128xf32, #tpu.memory_space<vmem>>
    %dma_wait3A_203 = tpu.memref_squeeze %dma_wait3A_202 : memref<1x8x128xf32, #tpu.memory_space<vmem>> -> memref<8x128xf32, #tpu.memory_space<vmem>>
    tpu.wait_dma2 semaphore(%arg17 : memref<!tpu.dma_semaphore, #tpu.memory_space<semaphore_mem>>) src(%dma_wait3A_203 : memref<8x128xf32, #tpu.memory_space<vmem>>) dst(%dma_wait3A_199 : memref<8x128xf32, #tpu.memory_space<hbm>>)
    %dma_wait3A_204 = arith.constant 1 : i32
    %dma_wait3A_205 = arith.constant 0 : i32
    %dma_wait3A_206 = arith.constant 0 : i32
    %dma_wait3A_207 = arith.constant 0 : i32
    %dma_wait3A_208 = arith.constant 8 : i32
    %dma_wait3A_209 = arith.constant 0 : i32
    %dma_wait3A_210 = tpu.memref_slice %arg7[%dma_wait3A_204, %dma_wait3A_208, %dma_wait3A_209] : memref<4x32x129xf32, #tpu.memory_space<vmem>> -> memref<1x8x128xf32, #tpu.memory_space<vmem>>
    %dma_wait3A_211 = tpu.memref_squeeze %dma_wait3A_210 : memref<1x8x128xf32, #tpu.memory_space<vmem>> -> memref<8x128xf32, #tpu.memory_space<vmem>>
    %dma_wait3A_212 = arith.constant 0 : i32
    %dma_wait3A_213 = arith.constant 0 : i32
    %dma_wait3A_214 = tpu.memref_slice %arg4[%dma_wait3A_205, %dma_wait3A_206, %dma_wait3A_207, %dma_wait3A_212, %dma_wait3A_213] : memref<200x4x128x8x128xf32, #tpu.memory_space<hbm>> -> memref<1x1x1x8x128xf32, #tpu.memory_space<hbm>>
    %dma_wait3A_215 = tpu.memref_squeeze %dma_wait3A_214 : memref<1x1x1x8x128xf32, #tpu.memory_space<hbm>> -> memref<8x128xf32, #tpu.memory_space<hbm>>
    %dma_wait3A_216 = arith.constant 0 : i32
    %dma_wait3A_217 = arith.constant 0 : i32
    %dma_wait3A_218 = tpu.memref_slice %arg4[%dma_wait3A_205, %dma_wait3A_206, %dma_wait3A_207, %dma_wait3A_216, %dma_wait3A_217] : memref<200x4x128x8x128xf32, #tpu.memory_space<hbm>> -> memref<1x1x1x8x128xf32, #tpu.memory_space<hbm>>
    %dma_wait3A_219 = tpu.memref_squeeze %dma_wait3A_218 : memref<1x1x1x8x128xf32, #tpu.memory_space<hbm>> -> memref<8x128xf32, #tpu.memory_space<hbm>>
    %dma_wait3A_220 = arith.constant 8 : i32
    %dma_wait3A_221 = arith.constant 0 : i32
    %dma_wait3A_222 = tpu.memref_slice %arg7[%dma_wait3A_204, %dma_wait3A_220, %dma_wait3A_221] : memref<4x32x129xf32, #tpu.memory_space<vmem>> -> memref<1x8x128xf32, #tpu.memory_space<vmem>>
    %dma_wait3A_223 = tpu.memref_squeeze %dma_wait3A_222 : memref<1x8x128xf32, #tpu.memory_space<vmem>> -> memref<8x128xf32, #tpu.memory_space<vmem>>
    tpu.wait_dma2 semaphore(%arg17 : memref<!tpu.dma_semaphore, #tpu.memory_space<semaphore_mem>>) src(%dma_wait3A_223 : memref<8x128xf32, #tpu.memory_space<vmem>>) dst(%dma_wait3A_219 : memref<8x128xf32, #tpu.memory_space<hbm>>)
    %dma_wait3A_224 = arith.constant 1 : i32
    %dma_wait3A_225 = arith.constant 0 : i32
    %dma_wait3A_226 = arith.constant 0 : i32
    %dma_wait3A_227 = arith.constant 0 : i32
    %dma_wait3A_228 = arith.constant 16 : i32
    %dma_wait3A_229 = arith.constant 0 : i32
    %dma_wait3A_230 = tpu.memref_slice %arg7[%dma_wait3A_224, %dma_wait3A_228, %dma_wait3A_229] : memref<4x32x129xf32, #tpu.memory_space<vmem>> -> memref<1x8x128xf32, #tpu.memory_space<vmem>>
    %dma_wait3A_231 = tpu.memref_squeeze %dma_wait3A_230 : memref<1x8x128xf32, #tpu.memory_space<vmem>> -> memref<8x128xf32, #tpu.memory_space<vmem>>
    %dma_wait3A_232 = arith.constant 0 : i32
    %dma_wait3A_233 = arith.constant 0 : i32
    %dma_wait3A_234 = tpu.memref_slice %arg4[%dma_wait3A_225, %dma_wait3A_226, %dma_wait3A_227, %dma_wait3A_232, %dma_wait3A_233] : memref<200x4x128x8x128xf32, #tpu.memory_space<hbm>> -> memref<1x1x1x8x128xf32, #tpu.memory_space<hbm>>
    %dma_wait3A_235 = tpu.memref_squeeze %dma_wait3A_234 : memref<1x1x1x8x128xf32, #tpu.memory_space<hbm>> -> memref<8x128xf32, #tpu.memory_space<hbm>>
    %dma_wait3A_236 = arith.constant 0 : i32
    %dma_wait3A_237 = arith.constant 0 : i32
    %dma_wait3A_238 = tpu.memref_slice %arg4[%dma_wait3A_225, %dma_wait3A_226, %dma_wait3A_227, %dma_wait3A_236, %dma_wait3A_237] : memref<200x4x128x8x128xf32, #tpu.memory_space<hbm>> -> memref<1x1x1x8x128xf32, #tpu.memory_space<hbm>>
    %dma_wait3A_239 = tpu.memref_squeeze %dma_wait3A_238 : memref<1x1x1x8x128xf32, #tpu.memory_space<hbm>> -> memref<8x128xf32, #tpu.memory_space<hbm>>
    %dma_wait3A_240 = arith.constant 16 : i32
    %dma_wait3A_241 = arith.constant 0 : i32
    %dma_wait3A_242 = tpu.memref_slice %arg7[%dma_wait3A_224, %dma_wait3A_240, %dma_wait3A_241] : memref<4x32x129xf32, #tpu.memory_space<vmem>> -> memref<1x8x128xf32, #tpu.memory_space<vmem>>
    %dma_wait3A_243 = tpu.memref_squeeze %dma_wait3A_242 : memref<1x8x128xf32, #tpu.memory_space<vmem>> -> memref<8x128xf32, #tpu.memory_space<vmem>>
    tpu.wait_dma2 semaphore(%arg17 : memref<!tpu.dma_semaphore, #tpu.memory_space<semaphore_mem>>) src(%dma_wait3A_243 : memref<8x128xf32, #tpu.memory_space<vmem>>) dst(%dma_wait3A_239 : memref<8x128xf32, #tpu.memory_space<hbm>>)
    %dma_wait3A_244 = arith.constant 1 : i32
    %dma_wait3A_245 = arith.constant 0 : i32
    %dma_wait3A_246 = arith.constant 0 : i32
    %dma_wait3A_247 = arith.constant 0 : i32
    %dma_wait3A_248 = arith.constant 24 : i32
    %dma_wait3A_249 = arith.constant 0 : i32
    %dma_wait3A_250 = tpu.memref_slice %arg7[%dma_wait3A_244, %dma_wait3A_248, %dma_wait3A_249] : memref<4x32x129xf32, #tpu.memory_space<vmem>> -> memref<1x8x128xf32, #tpu.memory_space<vmem>>
    %dma_wait3A_251 = tpu.memref_squeeze %dma_wait3A_250 : memref<1x8x128xf32, #tpu.memory_space<vmem>> -> memref<8x128xf32, #tpu.memory_space<vmem>>
    %dma_wait3A_252 = arith.constant 0 : i32
    %dma_wait3A_253 = arith.constant 0 : i32
    %dma_wait3A_254 = tpu.memref_slice %arg4[%dma_wait3A_245, %dma_wait3A_246, %dma_wait3A_247, %dma_wait3A_252, %dma_wait3A_253] : memref<200x4x128x8x128xf32, #tpu.memory_space<hbm>> -> memref<1x1x1x8x128xf32, #tpu.memory_space<hbm>>
    %dma_wait3A_255 = tpu.memref_squeeze %dma_wait3A_254 : memref<1x1x1x8x128xf32, #tpu.memory_space<hbm>> -> memref<8x128xf32, #tpu.memory_space<hbm>>
    %dma_wait3A_256 = arith.constant 0 : i32
    %dma_wait3A_257 = arith.constant 0 : i32
    %dma_wait3A_258 = tpu.memref_slice %arg4[%dma_wait3A_245, %dma_wait3A_246, %dma_wait3A_247, %dma_wait3A_256, %dma_wait3A_257] : memref<200x4x128x8x128xf32, #tpu.memory_space<hbm>> -> memref<1x1x1x8x128xf32, #tpu.memory_space<hbm>>
    %dma_wait3A_259 = tpu.memref_squeeze %dma_wait3A_258 : memref<1x1x1x8x128xf32, #tpu.memory_space<hbm>> -> memref<8x128xf32, #tpu.memory_space<hbm>>
    %dma_wait3A_260 = arith.constant 24 : i32
    %dma_wait3A_261 = arith.constant 0 : i32
    %dma_wait3A_262 = tpu.memref_slice %arg7[%dma_wait3A_244, %dma_wait3A_260, %dma_wait3A_261] : memref<4x32x129xf32, #tpu.memory_space<vmem>> -> memref<1x8x128xf32, #tpu.memory_space<vmem>>
    %dma_wait3A_263 = tpu.memref_squeeze %dma_wait3A_262 : memref<1x8x128xf32, #tpu.memory_space<vmem>> -> memref<8x128xf32, #tpu.memory_space<vmem>>
    tpu.wait_dma2 semaphore(%arg17 : memref<!tpu.dma_semaphore, #tpu.memory_space<semaphore_mem>>) src(%dma_wait3A_263 : memref<8x128xf32, #tpu.memory_space<vmem>>) dst(%dma_wait3A_259 : memref<8x128xf32, #tpu.memory_space<hbm>>)
    %dma_wait3A_264 = arith.constant 2 : i32
    %dma_wait3A_265 = arith.constant 0 : i32
    %dma_wait3A_266 = arith.constant 0 : i32
    %dma_wait3A_267 = arith.constant 0 : i32
    %dma_wait3A_268 = arith.constant 0 : i32
    %dma_wait3A_269 = arith.constant 0 : i32
    %dma_wait3A_270 = tpu.memref_slice %arg7[%dma_wait3A_264, %dma_wait3A_268, %dma_wait3A_269] : memref<4x32x129xf32, #tpu.memory_space<vmem>> -> memref<1x8x128xf32, #tpu.memory_space<vmem>>
    %dma_wait3A_271 = tpu.memref_squeeze %dma_wait3A_270 : memref<1x8x128xf32, #tpu.memory_space<vmem>> -> memref<8x128xf32, #tpu.memory_space<vmem>>
    %dma_wait3A_272 = arith.constant 0 : i32
    %dma_wait3A_273 = arith.constant 0 : i32
    %dma_wait3A_274 = tpu.memref_slice %arg4[%dma_wait3A_265, %dma_wait3A_266, %dma_wait3A_267, %dma_wait3A_272, %dma_wait3A_273] : memref<200x4x128x8x128xf32, #tpu.memory_space<hbm>> -> memref<1x1x1x8x128xf32, #tpu.memory_space<hbm>>
    %dma_wait3A_275 = tpu.memref_squeeze %dma_wait3A_274 : memref<1x1x1x8x128xf32, #tpu.memory_space<hbm>> -> memref<8x128xf32, #tpu.memory_space<hbm>>
    %dma_wait3A_276 = arith.constant 0 : i32
    %dma_wait3A_277 = arith.constant 0 : i32
    %dma_wait3A_278 = tpu.memref_slice %arg4[%dma_wait3A_265, %dma_wait3A_266, %dma_wait3A_267, %dma_wait3A_276, %dma_wait3A_277] : memref<200x4x128x8x128xf32, #tpu.memory_space<hbm>> -> memref<1x1x1x8x128xf32, #tpu.memory_space<hbm>>
    %dma_wait3A_279 = tpu.memref_squeeze %dma_wait3A_278 : memref<1x1x1x8x128xf32, #tpu.memory_space<hbm>> -> memref<8x128xf32, #tpu.memory_space<hbm>>
    %dma_wait3A_280 = arith.constant 0 : i32
    %dma_wait3A_281 = arith.constant 0 : i32
    %dma_wait3A_282 = tpu.memref_slice %arg7[%dma_wait3A_264, %dma_wait3A_280, %dma_wait3A_281] : memref<4x32x129xf32, #tpu.memory_space<vmem>> -> memref<1x8x128xf32, #tpu.memory_space<vmem>>
    %dma_wait3A_283 = tpu.memref_squeeze %dma_wait3A_282 : memref<1x8x128xf32, #tpu.memory_space<vmem>> -> memref<8x128xf32, #tpu.memory_space<vmem>>
    tpu.wait_dma2 semaphore(%arg18 : memref<!tpu.dma_semaphore, #tpu.memory_space<semaphore_mem>>) src(%dma_wait3A_283 : memref<8x128xf32, #tpu.memory_space<vmem>>) dst(%dma_wait3A_279 : memref<8x128xf32, #tpu.memory_space<hbm>>)
    %dma_wait3A_284 = arith.constant 2 : i32
    %dma_wait3A_285 = arith.constant 0 : i32
    %dma_wait3A_286 = arith.constant 0 : i32
    %dma_wait3A_287 = arith.constant 0 : i32
    %dma_wait3A_288 = arith.constant 8 : i32
    %dma_wait3A_289 = arith.constant 0 : i32
    %dma_wait3A_290 = tpu.memref_slice %arg7[%dma_wait3A_284, %dma_wait3A_288, %dma_wait3A_289] : memref<4x32x129xf32, #tpu.memory_space<vmem>> -> memref<1x8x128xf32, #tpu.memory_space<vmem>>
    %dma_wait3A_291 = tpu.memref_squeeze %dma_wait3A_290 : memref<1x8x128xf32, #tpu.memory_space<vmem>> -> memref<8x128xf32, #tpu.memory_space<vmem>>
    %dma_wait3A_292 = arith.constant 0 : i32
    %dma_wait3A_293 = arith.constant 0 : i32
    %dma_wait3A_294 = tpu.memref_slice %arg4[%dma_wait3A_285, %dma_wait3A_286, %dma_wait3A_287, %dma_wait3A_292, %dma_wait3A_293] : memref<200x4x128x8x128xf32, #tpu.memory_space<hbm>> -> memref<1x1x1x8x128xf32, #tpu.memory_space<hbm>>
    %dma_wait3A_295 = tpu.memref_squeeze %dma_wait3A_294 : memref<1x1x1x8x128xf32, #tpu.memory_space<hbm>> -> memref<8x128xf32, #tpu.memory_space<hbm>>
    %dma_wait3A_296 = arith.constant 0 : i32
    %dma_wait3A_297 = arith.constant 0 : i32
    %dma_wait3A_298 = tpu.memref_slice %arg4[%dma_wait3A_285, %dma_wait3A_286, %dma_wait3A_287, %dma_wait3A_296, %dma_wait3A_297] : memref<200x4x128x8x128xf32, #tpu.memory_space<hbm>> -> memref<1x1x1x8x128xf32, #tpu.memory_space<hbm>>
    %dma_wait3A_299 = tpu.memref_squeeze %dma_wait3A_298 : memref<1x1x1x8x128xf32, #tpu.memory_space<hbm>> -> memref<8x128xf32, #tpu.memory_space<hbm>>
    %dma_wait3A_300 = arith.constant 8 : i32
    %dma_wait3A_301 = arith.constant 0 : i32
    %dma_wait3A_302 = tpu.memref_slice %arg7[%dma_wait3A_284, %dma_wait3A_300, %dma_wait3A_301] : memref<4x32x129xf32, #tpu.memory_space<vmem>> -> memref<1x8x128xf32, #tpu.memory_space<vmem>>
    %dma_wait3A_303 = tpu.memref_squeeze %dma_wait3A_302 : memref<1x8x128xf32, #tpu.memory_space<vmem>> -> memref<8x128xf32, #tpu.memory_space<vmem>>
    tpu.wait_dma2 semaphore(%arg18 : memref<!tpu.dma_semaphore, #tpu.memory_space<semaphore_mem>>) src(%dma_wait3A_303 : memref<8x128xf32, #tpu.memory_space<vmem>>) dst(%dma_wait3A_299 : memref<8x128xf32, #tpu.memory_space<hbm>>)
    %dma_wait3A_304 = arith.constant 2 : i32
    %dma_wait3A_305 = arith.constant 0 : i32
    %dma_wait3A_306 = arith.constant 0 : i32
    %dma_wait3A_307 = arith.constant 0 : i32
    %dma_wait3A_308 = arith.constant 16 : i32
    %dma_wait3A_309 = arith.constant 0 : i32
    %dma_wait3A_310 = tpu.memref_slice %arg7[%dma_wait3A_304, %dma_wait3A_308, %dma_wait3A_309] : memref<4x32x129xf32, #tpu.memory_space<vmem>> -> memref<1x8x128xf32, #tpu.memory_space<vmem>>
    %dma_wait3A_311 = tpu.memref_squeeze %dma_wait3A_310 : memref<1x8x128xf32, #tpu.memory_space<vmem>> -> memref<8x128xf32, #tpu.memory_space<vmem>>
    %dma_wait3A_312 = arith.constant 0 : i32
    %dma_wait3A_313 = arith.constant 0 : i32
    %dma_wait3A_314 = tpu.memref_slice %arg4[%dma_wait3A_305, %dma_wait3A_306, %dma_wait3A_307, %dma_wait3A_312, %dma_wait3A_313] : memref<200x4x128x8x128xf32, #tpu.memory_space<hbm>> -> memref<1x1x1x8x128xf32, #tpu.memory_space<hbm>>
    %dma_wait3A_315 = tpu.memref_squeeze %dma_wait3A_314 : memref<1x1x1x8x128xf32, #tpu.memory_space<hbm>> -> memref<8x128xf32, #tpu.memory_space<hbm>>
    %dma_wait3A_316 = arith.constant 0 : i32
    %dma_wait3A_317 = arith.constant 0 : i32
    %dma_wait3A_318 = tpu.memref_slice %arg4[%dma_wait3A_305, %dma_wait3A_306, %dma_wait3A_307, %dma_wait3A_316, %dma_wait3A_317] : memref<200x4x128x8x128xf32, #tpu.memory_space<hbm>> -> memref<1x1x1x8x128xf32, #tpu.memory_space<hbm>>
    %dma_wait3A_319 = tpu.memref_squeeze %dma_wait3A_318 : memref<1x1x1x8x128xf32, #tpu.memory_space<hbm>> -> memref<8x128xf32, #tpu.memory_space<hbm>>
    %dma_wait3A_320 = arith.constant 16 : i32
    %dma_wait3A_321 = arith.constant 0 : i32
    %dma_wait3A_322 = tpu.memref_slice %arg7[%dma_wait3A_304, %dma_wait3A_320, %dma_wait3A_321] : memref<4x32x129xf32, #tpu.memory_space<vmem>> -> memref<1x8x128xf32, #tpu.memory_space<vmem>>
    %dma_wait3A_323 = tpu.memref_squeeze %dma_wait3A_322 : memref<1x8x128xf32, #tpu.memory_space<vmem>> -> memref<8x128xf32, #tpu.memory_space<vmem>>
    tpu.wait_dma2 semaphore(%arg18 : memref<!tpu.dma_semaphore, #tpu.memory_space<semaphore_mem>>) src(%dma_wait3A_323 : memref<8x128xf32, #tpu.memory_space<vmem>>) dst(%dma_wait3A_319 : memref<8x128xf32, #tpu.memory_space<hbm>>)
    %dma_wait3A_324 = arith.constant 2 : i32
    %dma_wait3A_325 = arith.constant 0 : i32
    %dma_wait3A_326 = arith.constant 0 : i32
    %dma_wait3A_327 = arith.constant 0 : i32
    %dma_wait3A_328 = arith.constant 24 : i32
    %dma_wait3A_329 = arith.constant 0 : i32
    %dma_wait3A_330 = tpu.memref_slice %arg7[%dma_wait3A_324, %dma_wait3A_328, %dma_wait3A_329] : memref<4x32x129xf32, #tpu.memory_space<vmem>> -> memref<1x8x128xf32, #tpu.memory_space<vmem>>
    %dma_wait3A_331 = tpu.memref_squeeze %dma_wait3A_330 : memref<1x8x128xf32, #tpu.memory_space<vmem>> -> memref<8x128xf32, #tpu.memory_space<vmem>>
    %dma_wait3A_332 = arith.constant 0 : i32
    %dma_wait3A_333 = arith.constant 0 : i32
    %dma_wait3A_334 = tpu.memref_slice %arg4[%dma_wait3A_325, %dma_wait3A_326, %dma_wait3A_327, %dma_wait3A_332, %dma_wait3A_333] : memref<200x4x128x8x128xf32, #tpu.memory_space<hbm>> -> memref<1x1x1x8x128xf32, #tpu.memory_space<hbm>>
    %dma_wait3A_335 = tpu.memref_squeeze %dma_wait3A_334 : memref<1x1x1x8x128xf32, #tpu.memory_space<hbm>> -> memref<8x128xf32, #tpu.memory_space<hbm>>
    %dma_wait3A_336 = arith.constant 0 : i32
    %dma_wait3A_337 = arith.constant 0 : i32
    %dma_wait3A_338 = tpu.memref_slice %arg4[%dma_wait3A_325, %dma_wait3A_326, %dma_wait3A_327, %dma_wait3A_336, %dma_wait3A_337] : memref<200x4x128x8x128xf32, #tpu.memory_space<hbm>> -> memref<1x1x1x8x128xf32, #tpu.memory_space<hbm>>
    %dma_wait3A_339 = tpu.memref_squeeze %dma_wait3A_338 : memref<1x1x1x8x128xf32, #tpu.memory_space<hbm>> -> memref<8x128xf32, #tpu.memory_space<hbm>>
    %dma_wait3A_340 = arith.constant 24 : i32
    %dma_wait3A_341 = arith.constant 0 : i32
    %dma_wait3A_342 = tpu.memref_slice %arg7[%dma_wait3A_324, %dma_wait3A_340, %dma_wait3A_341] : memref<4x32x129xf32, #tpu.memory_space<vmem>> -> memref<1x8x128xf32, #tpu.memory_space<vmem>>
    %dma_wait3A_343 = tpu.memref_squeeze %dma_wait3A_342 : memref<1x8x128xf32, #tpu.memory_space<vmem>> -> memref<8x128xf32, #tpu.memory_space<vmem>>
    tpu.wait_dma2 semaphore(%arg18 : memref<!tpu.dma_semaphore, #tpu.memory_space<semaphore_mem>>) src(%dma_wait3A_343 : memref<8x128xf32, #tpu.memory_space<vmem>>) dst(%dma_wait3A_339 : memref<8x128xf32, #tpu.memory_space<hbm>>)
    %dma_wait3A_344 = arith.constant 3 : i32
    %dma_wait3A_345 = arith.constant 0 : i32
    %dma_wait3A_346 = arith.constant 0 : i32
    %dma_wait3A_347 = arith.constant 0 : i32
    %dma_wait3A_348 = arith.constant 0 : i32
    %dma_wait3A_349 = arith.constant 0 : i32
    %dma_wait3A_350 = tpu.memref_slice %arg7[%dma_wait3A_344, %dma_wait3A_348, %dma_wait3A_349] : memref<4x32x129xf32, #tpu.memory_space<vmem>> -> memref<1x8x128xf32, #tpu.memory_space<vmem>>
    %dma_wait3A_351 = tpu.memref_squeeze %dma_wait3A_350 : memref<1x8x128xf32, #tpu.memory_space<vmem>> -> memref<8x128xf32, #tpu.memory_space<vmem>>
    %dma_wait3A_352 = arith.constant 0 : i32
    %dma_wait3A_353 = arith.constant 0 : i32
    %dma_wait3A_354 = tpu.memref_slice %arg4[%dma_wait3A_345, %dma_wait3A_346, %dma_wait3A_347, %dma_wait3A_352, %dma_wait3A_353] : memref<200x4x128x8x128xf32, #tpu.memory_space<hbm>> -> memref<1x1x1x8x128xf32, #tpu.memory_space<hbm>>
    %dma_wait3A_355 = tpu.memref_squeeze %dma_wait3A_354 : memref<1x1x1x8x128xf32, #tpu.memory_space<hbm>> -> memref<8x128xf32, #tpu.memory_space<hbm>>
    %dma_wait3A_356 = arith.constant 0 : i32
    %dma_wait3A_357 = arith.constant 0 : i32
    %dma_wait3A_358 = tpu.memref_slice %arg4[%dma_wait3A_345, %dma_wait3A_346, %dma_wait3A_347, %dma_wait3A_356, %dma_wait3A_357] : memref<200x4x128x8x128xf32, #tpu.memory_space<hbm>> -> memref<1x1x1x8x128xf32, #tpu.memory_space<hbm>>
    %dma_wait3A_359 = tpu.memref_squeeze %dma_wait3A_358 : memref<1x1x1x8x128xf32, #tpu.memory_space<hbm>> -> memref<8x128xf32, #tpu.memory_space<hbm>>
    %dma_wait3A_360 = arith.constant 0 : i32
    %dma_wait3A_361 = arith.constant 0 : i32
    %dma_wait3A_362 = tpu.memref_slice %arg7[%dma_wait3A_344, %dma_wait3A_360, %dma_wait3A_361] : memref<4x32x129xf32, #tpu.memory_space<vmem>> -> memref<1x8x128xf32, #tpu.memory_space<vmem>>
    %dma_wait3A_363 = tpu.memref_squeeze %dma_wait3A_362 : memref<1x8x128xf32, #tpu.memory_space<vmem>> -> memref<8x128xf32, #tpu.memory_space<vmem>>
    tpu.wait_dma2 semaphore(%arg19 : memref<!tpu.dma_semaphore, #tpu.memory_space<semaphore_mem>>) src(%dma_wait3A_363 : memref<8x128xf32, #tpu.memory_space<vmem>>) dst(%dma_wait3A_359 : memref<8x128xf32, #tpu.memory_space<hbm>>)
    %dma_wait3A_364 = arith.constant 3 : i32
    %dma_wait3A_365 = arith.constant 0 : i32
    %dma_wait3A_366 = arith.constant 0 : i32
    %dma_wait3A_367 = arith.constant 0 : i32
    %dma_wait3A_368 = arith.constant 8 : i32
    %dma_wait3A_369 = arith.constant 0 : i32
    %dma_wait3A_370 = tpu.memref_slice %arg7[%dma_wait3A_364, %dma_wait3A_368, %dma_wait3A_369] : memref<4x32x129xf32, #tpu.memory_space<vmem>> -> memref<1x8x128xf32, #tpu.memory_space<vmem>>
    %dma_wait3A_371 = tpu.memref_squeeze %dma_wait3A_370 : memref<1x8x128xf32, #tpu.memory_space<vmem>> -> memref<8x128xf32, #tpu.memory_space<vmem>>
    %dma_wait3A_372 = arith.constant 0 : i32
    %dma_wait3A_373 = arith.constant 0 : i32
    %dma_wait3A_374 = tpu.memref_slice %arg4[%dma_wait3A_365, %dma_wait3A_366, %dma_wait3A_367, %dma_wait3A_372, %dma_wait3A_373] : memref<200x4x128x8x128xf32, #tpu.memory_space<hbm>> -> memref<1x1x1x8x128xf32, #tpu.memory_space<hbm>>
    %dma_wait3A_375 = tpu.memref_squeeze %dma_wait3A_374 : memref<1x1x1x8x128xf32, #tpu.memory_space<hbm>> -> memref<8x128xf32, #tpu.memory_space<hbm>>
    %dma_wait3A_376 = arith.constant 0 : i32
    %dma_wait3A_377 = arith.constant 0 : i32
    %dma_wait3A_378 = tpu.memref_slice %arg4[%dma_wait3A_365, %dma_wait3A_366, %dma_wait3A_367, %dma_wait3A_376, %dma_wait3A_377] : memref<200x4x128x8x128xf32, #tpu.memory_space<hbm>> -> memref<1x1x1x8x128xf32, #tpu.memory_space<hbm>>
    %dma_wait3A_379 = tpu.memref_squeeze %dma_wait3A_378 : memref<1x1x1x8x128xf32, #tpu.memory_space<hbm>> -> memref<8x128xf32, #tpu.memory_space<hbm>>
    %dma_wait3A_380 = arith.constant 8 : i32
    %dma_wait3A_381 = arith.constant 0 : i32
    %dma_wait3A_382 = tpu.memref_slice %arg7[%dma_wait3A_364, %dma_wait3A_380, %dma_wait3A_381] : memref<4x32x129xf32, #tpu.memory_space<vmem>> -> memref<1x8x128xf32, #tpu.memory_space<vmem>>
    %dma_wait3A_383 = tpu.memref_squeeze %dma_wait3A_382 : memref<1x8x128xf32, #tpu.memory_space<vmem>> -> memref<8x128xf32, #tpu.memory_space<vmem>>
    tpu.wait_dma2 semaphore(%arg19 : memref<!tpu.dma_semaphore, #tpu.memory_space<semaphore_mem>>) src(%dma_wait3A_383 : memref<8x128xf32, #tpu.memory_space<vmem>>) dst(%dma_wait3A_379 : memref<8x128xf32, #tpu.memory_space<hbm>>)
    %dma_wait3A_384 = arith.constant 3 : i32
    %dma_wait3A_385 = arith.constant 0 : i32
    %dma_wait3A_386 = arith.constant 0 : i32
    %dma_wait3A_387 = arith.constant 0 : i32
    %dma_wait3A_388 = arith.constant 16 : i32
    %dma_wait3A_389 = arith.constant 0 : i32
    %dma_wait3A_390 = tpu.memref_slice %arg7[%dma_wait3A_384, %dma_wait3A_388, %dma_wait3A_389] : memref<4x32x129xf32, #tpu.memory_space<vmem>> -> memref<1x8x128xf32, #tpu.memory_space<vmem>>
    %dma_wait3A_391 = tpu.memref_squeeze %dma_wait3A_390 : memref<1x8x128xf32, #tpu.memory_space<vmem>> -> memref<8x128xf32, #tpu.memory_space<vmem>>
    %dma_wait3A_392 = arith.constant 0 : i32
    %dma_wait3A_393 = arith.constant 0 : i32
    %dma_wait3A_394 = tpu.memref_slice %arg4[%dma_wait3A_385, %dma_wait3A_386, %dma_wait3A_387, %dma_wait3A_392, %dma_wait3A_393] : memref<200x4x128x8x128xf32, #tpu.memory_space<hbm>> -> memref<1x1x1x8x128xf32, #tpu.memory_space<hbm>>
    %dma_wait3A_395 = tpu.memref_squeeze %dma_wait3A_394 : memref<1x1x1x8x128xf32, #tpu.memory_space<hbm>> -> memref<8x128xf32, #tpu.memory_space<hbm>>
    %dma_wait3A_396 = arith.constant 0 : i32
    %dma_wait3A_397 = arith.constant 0 : i32
    %dma_wait3A_398 = tpu.memref_slice %arg4[%dma_wait3A_385, %dma_wait3A_386, %dma_wait3A_387, %dma_wait3A_396, %dma_wait3A_397] : memref<200x4x128x8x128xf32, #tpu.memory_space<hbm>> -> memref<1x1x1x8x128xf32, #tpu.memory_space<hbm>>
    %dma_wait3A_399 = tpu.memref_squeeze %dma_wait3A_398 : memref<1x1x1x8x128xf32, #tpu.memory_space<hbm>> -> memref<8x128xf32, #tpu.memory_space<hbm>>
    %dma_wait3A_400 = arith.constant 16 : i32
    %dma_wait3A_401 = arith.constant 0 : i32
    %dma_wait3A_402 = tpu.memref_slice %arg7[%dma_wait3A_384, %dma_wait3A_400, %dma_wait3A_401] : memref<4x32x129xf32, #tpu.memory_space<vmem>> -> memref<1x8x128xf32, #tpu.memory_space<vmem>>
    %dma_wait3A_403 = tpu.memref_squeeze %dma_wait3A_402 : memref<1x8x128xf32, #tpu.memory_space<vmem>> -> memref<8x128xf32, #tpu.memory_space<vmem>>
    tpu.wait_dma2 semaphore(%arg19 : memref<!tpu.dma_semaphore, #tpu.memory_space<semaphore_mem>>) src(%dma_wait3A_403 : memref<8x128xf32, #tpu.memory_space<vmem>>) dst(%dma_wait3A_399 : memref<8x128xf32, #tpu.memory_space<hbm>>)
    %dma_wait3A_404 = arith.constant 3 : i32
    %dma_wait3A_405 = arith.constant 0 : i32
    %dma_wait3A_406 = arith.constant 0 : i32
    %dma_wait3A_407 = arith.constant 0 : i32
    %dma_wait3A_408 = arith.constant 24 : i32
    %dma_wait3A_409 = arith.constant 0 : i32
    %dma_wait3A_410 = tpu.memref_slice %arg7[%dma_wait3A_404, %dma_wait3A_408, %dma_wait3A_409] : memref<4x32x129xf32, #tpu.memory_space<vmem>> -> memref<1x8x128xf32, #tpu.memory_space<vmem>>
    %dma_wait3A_411 = tpu.memref_squeeze %dma_wait3A_410 : memref<1x8x128xf32, #tpu.memory_space<vmem>> -> memref<8x128xf32, #tpu.memory_space<vmem>>
    %dma_wait3A_412 = arith.constant 0 : i32
    %dma_wait3A_413 = arith.constant 0 : i32
    %dma_wait3A_414 = tpu.memref_slice %arg4[%dma_wait3A_405, %dma_wait3A_406, %dma_wait3A_407, %dma_wait3A_412, %dma_wait3A_413] : memref<200x4x128x8x128xf32, #tpu.memory_space<hbm>> -> memref<1x1x1x8x128xf32, #tpu.memory_space<hbm>>
    %dma_wait3A_415 = tpu.memref_squeeze %dma_wait3A_414 : memref<1x1x1x8x128xf32, #tpu.memory_space<hbm>> -> memref<8x128xf32, #tpu.memory_space<hbm>>
    %dma_wait3A_416 = arith.constant 0 : i32
    %dma_wait3A_417 = arith.constant 0 : i32
    %dma_wait3A_418 = tpu.memref_slice %arg4[%dma_wait3A_405, %dma_wait3A_406, %dma_wait3A_407, %dma_wait3A_416, %dma_wait3A_417] : memref<200x4x128x8x128xf32, #tpu.memory_space<hbm>> -> memref<1x1x1x8x128xf32, #tpu.memory_space<hbm>>
    %dma_wait3A_419 = tpu.memref_squeeze %dma_wait3A_418 : memref<1x1x1x8x128xf32, #tpu.memory_space<hbm>> -> memref<8x128xf32, #tpu.memory_space<hbm>>
    %dma_wait3A_420 = arith.constant 24 : i32
    %dma_wait3A_421 = arith.constant 0 : i32
    %dma_wait3A_422 = tpu.memref_slice %arg7[%dma_wait3A_404, %dma_wait3A_420, %dma_wait3A_421] : memref<4x32x129xf32, #tpu.memory_space<vmem>> -> memref<1x8x128xf32, #tpu.memory_space<vmem>>
    %dma_wait3A_423 = tpu.memref_squeeze %dma_wait3A_422 : memref<1x8x128xf32, #tpu.memory_space<vmem>> -> memref<8x128xf32, #tpu.memory_space<vmem>>
    tpu.wait_dma2 semaphore(%arg19 : memref<!tpu.dma_semaphore, #tpu.memory_space<semaphore_mem>>) src(%dma_wait3A_423 : memref<8x128xf32, #tpu.memory_space<vmem>>) dst(%dma_wait3A_419 : memref<8x128xf32, #tpu.memory_space<hbm>>)
    return
  }
}

module attributes {stable_mosaic.version = 14 : i64} {
  func.func @_prescale_body(%arg0: i32, %arg1: memref<5000x32xf32, #tpu.memory_space<vmem>>, %arg2: memref<5000x32xf32, #tpu.memory_space<vmem>>) attributes {dimension_semantics = [#tpu.dimension_semantics<arbitrary>], iteration_bounds = array<i64: 20>, scalar_prefetch = 0 : i64, scratch_operands = 0 : i64, tpu.core_type = #tpu.core_type<tc>, window_params = [{transform_indices = @transform_0, window_bounds = array<i64: 5000, 32>}, {transform_indices = @transform_1, window_bounds = array<i64: 5000, 32>}]} {
    %get3A = arith.constant 0 : index
    %get3A_0 = arith.constant 0 : index
    %get3A_1 = vector.load %arg1[%get3A, %get3A_0] : memref<5000x32xf32, #tpu.memory_space<vmem>>, vector<5000x32xf32>
    %mul3A = arith.constant 5.65685415 : f32
    %mul3A_2 = vector.broadcast %mul3A : f32 to vector<5000x32xf32>
    %mul3A_3 = arith.mulf %get3A_1, %mul3A_2 : vector<5000x32xf32>
    %swap3A = arith.constant 0 : index
    %swap3A_4 = arith.constant 0 : index
    %swap3A_5 = vector.load %arg2[%swap3A, %swap3A_4] : memref<5000x32xf32, #tpu.memory_space<vmem>>, vector<5000x32xf32>
    tpu.vector_store %arg2[%swap3A, %swap3A_4], %mul3A_3 {strides = array<i32>} : memref<5000x32xf32, #tpu.memory_space<vmem>>, vector<5000x32xf32>,
    %eq3A = arith.constant 0 : i32
    %eq3A_6 = arith.cmpi eq, %arg0, %eq3A : i32
    %convert_element_type3A = arith.extui %eq3A_6 : i1 to i32
    %cond3A = arith.constant 0 : i32
    %cond3A_7 = arith.cmpi ne, %convert_element_type3A, %cond3A : i32
    scf.if %cond3A_7 {
      %broadcast_in_dim3A = arith.constant 0.000000e+00 : f32
      %broadcast_in_dim3A_8 = vector.broadcast %broadcast_in_dim3A : f32 to vector<1x32xf32>
      %swap3A_9 = arith.constant 0 : index
      %swap3A_10 = arith.constant 0 : index
      %swap3A_11 = vector.load %arg2[%swap3A_9, %swap3A_10] : memref<5000x32xf32, #tpu.memory_space<vmem>>, vector<1x32xf32>
      tpu.vector_store %arg2[%swap3A_9, %swap3A_10], %broadcast_in_dim3A_8 {strides = array<i32>} : memref<5000x32xf32, #tpu.memory_space<vmem>>, vector<1x32xf32>,
    } else {
    }
    return
  }
  func.func @transform_0(%arg0: i32) -> (i32, i32) {
    %c0_i32 = arith.constant 0 : i32
    %c0_i32_0 = arith.constant 0 : i32
    return %arg0, %c0_i32 : i32, i32
  }
  func.func @transform_1(%arg0: i32) -> (i32, i32) {
    %c0_i32 = arith.constant 0 : i32
    %c0_i32_0 = arith.constant 0 : i32
    return %arg0, %c0_i32 : i32, i32
  }
}

</mosaic_0001>

<sc_bundles>
// kernel: kernel.4.cloned.1.call-start
scs
__scs_entry_jumppad:
0x0: {  	(pc) =	sbr.rel $0x88, $3  }
0x1: {  	(tag) =	ssettag $0x0;
	lr =	simm.s32 $0x1  }
0x2: {  	[smem:$0x3F9F] =	sst lr;
	_ =	strace $0xD0000000  }
0x3: {  	_ = 	snop  }
0x4: {  	_ = 	snop  }
0x5: {  	_ = 	snop  }
0x6: {  	_ = 	snop  }
0x7: {  	_ = 	snop  }
__scs_overlays_trampoline_lowered:
0x8: {  	[smem:$0x3FAE] =	sst s0  }
0x9: {  	[smem:$0x3FAF] =	sst s1  }
0xa: {  	[smem:$0x3FB0] =	sst s2  }
0xb: {  	[smem:$0x3FB1] =	sst s3  }
0xc: {  	[smem:$0x3FB2] =	sst s4  }
0xd: {  	[smem:$0x3FB3] =	sst s5  }
0xe: {  	[smem:$0x3FB4] =	sst s6  }
0xf: {  	[smem:$0x3FB5] =	sst s7  }
0x10: {  	[smem:$0x3FB6] =	sst s8  }
0x11: {  	[smem:$0x3FB7] =	sst s9;
	s0 =	simm.s32 @!p0 $0x0  }
0x12: {  	s1 =	sld [smem:$0x3F9D];
	s0 =	simm.s32 @p0 $0x1  }
0x13: {  	[smem:$0x3FB8] =	sst s0;
	s0 =	simm.s32 @!p1 $0x0  }
0x14: {  	s2 =	sld [smem:$0x3F9C];
	s0 =	simm.s32 @p1 $0x1  }
0x15: {  	[smem:$0x3FB9] =	sst s0;
	s0 =	simm.s32 @!p2 $0x0  }
0x16: {  	s3 =	sld [smem:$0x3FDB];
	s0 =	simm.s32 @p2 $0x1  }
0x17: {  	s4 =	simm.s32 $0x1BF5;
	[smem:$0x3FBB] =	sst s0  }
0x18: {  	s0 =	sld [smem:$0x3F9E];
	_ =	swait.ge [sflag:s4], $0x0  }
0x19: {  	s7 =	sld [smem:$0x3F9F]  }
0x1a: {  	s8 =	sadd.s32 $0xFFFFE003, lr  }
0x1b: {  	s9 =	sadd.s32 $0xFFFFFEF7, lr;
	s5 =	simm.s32 $0xFFFFFFFF;
	p2 =	slt.u32 s8, $0xFFFFF086  }
0x1c: {  	p1 =	slt.u32 s9, $0xF7A;
	s5 =	simm.s32 @!p2 $0x0  }
0x1d: {  	s5 =	simm.s32 @p1 $0x1;
	p0 =	seq.s32 s7, s2  }
0x1e: {  	s7 =	smul.u32 @!p0 $0xF7A, s2;
	p2 =	seq.s32 @!p0 s5, $0x0  }
0x1f: {  	s9 =	smul.u32 $0xF7A, s1;
	s8 =	simm.s32 @!p0 $0x1BF5;
	p2 =	por !p2, p0  }
0x20: {  	[sflag:s8] =	ssyncset.s32 @!p0 $0xFFFFF086;
	s6 =	sadd.s32 @!p0 s3, s7;
	s7 =	simm.s32 @!p0 $0x108  }
0x21: {  	s3 =	sadd.s32 s3, s9;
	s6 =	sadd.s32 @!p0 $0x88, s6;
	s7 =	simm.s32 @p2 $0x1082  }
0x22: {  	[simem:s7], [sflag:s8] =	dma.local @!p0 [hbm:s6], $0xF7A  }
0x23: {  	s9 =	sor.u32 $0xD0000000, s2;
	s6 =	simm.s32 $0x108;
	_ =	swait.ge @!p0 [sflag:s8], $0x0  }
0x24: {  	s3 =	sadd.s32 $0x88, s3;
	s6 =	simm.s32 @!p1 $0x1082;
	[sflag:s4] =	ssyncset.s32 $0xFFFFF086  }
0x25: {  	[simem:s6], [sflag:s4] =	dma.local [hbm:s3], $0xF7A  }
0x26: {  	[smem:$0x3F9F] =	sst s1;
	(tag) =	ssettag s2;
	_ =	strace s9  }
0x27: {  	s1 =	sld [smem:$0x3FAF]  }
0x28: {  	s2 =	sld [smem:$0x3FB0]  }
0x29: {  	s4 =	sld [smem:$0x3FB2]  }
0x2a: {  	p0 =	seq.s32 s5, $0x0;
	s5 =	sld [smem:$0x3FB3]  }
0x2b: {  	s6 =	sld [smem:$0x3FB4]  }
0x2c: {  	s7 =	sld [smem:$0x3FB5]  }
0x2d: {  	s3 =	simm.s32 $0x108;
	s8 =	sld [smem:$0x3FB6]  }
0x2e: {  	s3 =	simm.s32 @!p0 $0x1082;
	s9 =	sld [smem:$0x3FB7]  }
0x2f: {  	lr =	sadd.s32 s0, s3;
	s0 =	sld [smem:$0x3FAE]  }
0x30: {  	s3 =	sld [smem:$0x3FB1]  }
0x31: {  	[smem:$0x3FBA] =	sst s10  }
0x32: {  	s10 =	sld [smem:$0x3FB8];
	_ =	sdelay $0x3  }
0x33: {  	p0 =	seq.s32 s10, $0x1;
	s10 =	sld [smem:$0x3FBA];
	_ =	sdelay $0x3  }
0x34: {  	[smem:$0x3FBA] =	sst s10  }
0x35: {  	s10 =	sld [smem:$0x3FB9];
	_ =	sdelay $0x3  }
0x36: {  	p1 =	seq.s32 s10, $0x1;
	s10 =	sld [smem:$0x3FBA];
	_ =	sdelay $0x3  }
0x37: {  	[smem:$0x3FBA] =	sst s10  }
0x38: {  	s10 =	sld [smem:$0x3FBB]  }
0x39: {  	_ = 	snop;
	(pc) =	sbr.ind lr, $3  }
0x3a: {  	_ = 	snop  }
0x3b: {  	_ = 	snop  }
0x3c: {  	p2 =	seq.s32 s10, $0x1;
	s10 =	sld [smem:$0x3FBA]  }
0x3d: {  	_ =	shalt  }
0x3e: {  	_ =	shalt  }
0x3f: {  	_ =	shalt  }
0x40: {  	_ =	shalt  }
0x41: {  	_ =	shalt  }
0x42: {  	_ =	shalt  }
0x43: {  	_ =	shalt  }
0x44: {  	_ =	shalt  }
0x45: {  	_ =	shalt  }
0x46: {  	_ =	shalt  }
0x47: {  	_ =	shalt  }
0x48: {  	_ =	shalt  }
0x49: {  	_ =	shalt  }
0x4a: {  	_ =	shalt  }
0x4b: {  	_ =	shalt  }
0x4c: {  	_ =	shalt  }
0x4d: {  	_ =	shalt  }
0x4e: {  	_ =	shalt  }
0x4f: {  	_ =	shalt  }
0x50: {  	_ =	shalt  }
0x51: {  	_ =	shalt  }
0x52: {  	_ =	shalt  }
0x53: {  	_ =	shalt  }
0x54: {  	_ =	shalt  }
0x55: {  	_ =	shalt  }
0x56: {  	_ =	shalt  }
0x57: {  	_ =	shalt  }
0x58: {  	_ =	shalt  }
0x59: {  	_ =	shalt  }
0x5a: {  	_ =	shalt  }
0x5b: {  	_ =	shalt  }
0x5c: {  	_ =	shalt  }
0x5d: {  	_ =	shalt  }
0x5e: {  	_ =	shalt  }
0x5f: {  	_ =	shalt  }
0x60: {  	_ =	shalt  }
0x61: {  	_ =	shalt  }
0x62: {  	_ =	shalt  }
0x63: {  	_ =	shalt  }
0x64: {  	_ =	shalt  }
0x65: {  	_ =	shalt  }
0x66: {  	_ =	shalt  }
0x67: {  	_ =	shalt  }
0x68: {  	_ =	shalt  }
0x69: {  	_ =	shalt  }
0x6a: {  	_ =	shalt  }
0x6b: {  	_ =	shalt  }
0x6c: {  	_ =	shalt  }
0x6d: {  	_ =	shalt  }
0x6e: {  	_ =	shalt  }
0x6f: {  	_ =	shalt  }
0x70: {  	_ =	shalt  }
0x71: {  	_ =	shalt  }
0x72: {  	_ =	shalt  }
0x73: {  	_ =	shalt  }
0x74: {  	_ =	shalt  }
0x75: {  	_ =	shalt  }
0x76: {  	_ =	shalt  }
0x77: {  	_ =	shalt  }
0x78: {  	_ =	shalt  }
0x79: {  	_ =	shalt  }
0x7a: {  	_ =	shalt  }
0x7b: {  	_ =	shalt  }
0x7c: {  	_ =	shalt  }
0x7d: {  	_ =	shalt  }
0x7e: {  	_ =	shalt  }
0x7f: {  	_ =	shalt  }
0x80: {  	_ =	shalt  }
0x81: {  	_ =	shalt  }
0x82: {  	_ =	shalt  }
0x83: {  	_ =	shalt  }
0x84: {  	_ =	shalt  }
0x85: {  	_ =	shalt  }
0x86: {  	_ =	shalt  }
0x87: {  	_ =	shalt  }
.Lfunc_end0:
.L_simem_size_0:
called_computation_lowered:
.L_overlay_start_0:
0x88: {  	s2 =	sld [smem:$0x3FD9]  }
0x89: {  	s3 =	sld [smem:$0x3FFE];
	_ =	sdelay $0x1  }
0x8a: {  	s1 =	srdreg.scid  }
0x8b: {  	s0 =	sand.u32 $0x1, s1  }
0x8c: {  	s17 =	sshll.u32 s0, $0xA;
	s2 =	sadd.s32 s3, s2  }
0x8d: {  	s2 =	sadd.s32 s2, s17  }
0x8e: {  	[smem:$0x3FC6] =	sst s2  }
0x8f: {  	_ = 	snop  }
0x90: {  	s2 =	sld [smem:$0x3FD0];
	(tm) =	ssettm $0x1  }
0x91: {  	s18 =	sld [smem:$0x3FFB];
	_ =	sdelay $0x3  }
0x92: {  	_ =	strace s18  }
0x93: {  	s3 =	sld [smem:$0x3FFC];
	_ =	sdelay $0x3  }
0x94: {  	_ =	strace s3  }
0x95: {  	s3 =	sld [smem:$0x3FFD];
	_ =	sdelay $0x3  }
0x96: {  	_ =	strace s3  }
0x97: {  	_ =	strace $0x8FFFFFFF  }
0x98: {  	s19 =	sld [smem:$0x3FDB];
	_ =	sdelay $0x1  }
0x99: {  	s4 =	simm.s32 $_scs_section_size  }
0x9a: {  	s5 =	simm.s32 $_size__tile_overlayer_lowered;
	s6 =	simm.s32 $_tile_overlayer_lowered  }
0x9b: {  	s22 =	simm.s32 $0x1BFF;
	s21 =	sshll.u32 s6, $0x1;
	s3 =	sadd.s32 s4, s19  }
0x9c: {  	s7 =	simm.s32 $0x0;
	s20 =	sshll.u32 s5, $0x1;
	s5 =	sadd.s32 s21, s3  }
0x9d: {  	[timem:s7], [sflag:s22] =	dma.local [hbm:s5], s20  }
0x9e: {  	_ =	swait.ge [sflag:s22], s20  }
0x9f: {  	s4 =	ssub.s32 $0x0, s20;
	[sflag:s22] =	ssyncset.done $0x0  }
0xa0: {  	[sflag:s22] =	ssyncadd.s32 s4;
	_ =	sdelay $0x1  }
0xa1: {  	s23 =	simm.s32 $0x1B8B  }
0xa2: {  	_ =	swait.ge [sflag:s23], $0x1  }
0xa3: {  	[sflag:s23] =	ssyncset.done $0x0  }
0xa4: {  	s25 =	simm.s32 $0x1B8E;
	s24 =	sld [smem:$0x3FFE];
	[sflag:s23] =	ssyncadd.s32 $0xFFFFFFFF  }
0xa5: {  	s26 =	simm.s32 $execute0_lowered;
	[smem:$0x3FD2] =	sst s25  }
0xa6: {  	s5 =	sshll.u32 s26, $0x1;
	_ =	strace $0x80000046;
	[dreg:$0x1] =	wrdreg $0xFFFFFFFF  }
0xa7: {  	s28 =	simm.s32 $_size_execute0_lowered;
	s3 =	sadd.s32 s3, s5;
	[dreg:$0x0] =	wrdreg $0x0  }
0xa8: {  	s5 =	sshll.u32 s28, $0x1;
	[dreg:$0x2] =	wrdreg s3  }
0xa9: {  	[dreg:$0x3] =	wrdreg s5  }
0xaa: {  	[dreg:$0x4] =	wrdreg $0xC0  }
0xab: {  	_ =	task [dreg:s7], $0x5FFFF  }
0xac: {  	[dreg:$0x1] =	wrdreg $0xFFFFFFFF  }
0xad: {  	[dreg:$0x0] =	wrdreg $0x60  }
0xae: {  	[dreg:$0x2] =	wrdreg s24  }
0xaf: {  	[dreg:$0x3] =	wrdreg s2  }
0xb0: {  	[dreg:$0x4] =	wrdreg $0x9  }
0xb1: {  	_ =	task.clear_ibuf [dreg:s7], $0x5FFFF;
	_ =	strace $0x90000046  }
0xb2: {  	s29 =	simm.s32 $0x9;
	_ =	strace $0x80000048  }
0xb3: {  	_ =	swait.ge [sflag:s29], $0x1  }
0xb4: {  	[sflag:s29] =	ssyncadd.s32 $0xFFFFFFFF  }
0xb5: {  	_ =	strace $0x90000048  }
0xb6: {  	_ =	sfence  }
0xb7: {  	s30 =	sld [smem:$0x0];
	_ =	sdelay $0x2  }
0xb8: {  	s31 =	sshll.u32 s1, $0xD;
	s1 =	sshrl.u32 s1, $0x2  }
0xb9: {  	s3 =	sand.u32 $0x4000, s31;
	s1 =	sadd.s32 s1, s30  }
0xba: {  	s0 =	sor.u32 s3, s0;
	s1 =	sshll.u32 s1, $0x11  }
0xbb: {  	s0 =	sor.u32 s1, s0  }
0xbc: {  	s0 =	sadd.s32 $0x8F2B, s0  }
0xbd: {  	[sflag:s0] =	ssyncadd.remote.s32 $0x1  }
0xbe: {  	_ =	sfence.sel $0xFFFF  }
0xbf: {  	[dreg:$0x0] =	wrdreg $0xFFFFFFFF;
	(pc) =	sbr.abs _section_cstart, $3  }
0xc0: {  	[dreg:$0x1] =	wrdreg $0xFFFFFFFF  }
0xc1: {  	_ =	task.clear_ibuf [dreg:s7], $0x2FFFF;
	_ =	strace $0x9FFFFFFF  }
0xc2: {  	(tm) =	ssettm $0x7FFFFFFF  }
0xc3: {  	_ =	shalt  }
tec
execute0_lowered:
.L_overlay_start_1:
0x0: {  	(tag) =	ssettag $0x1  }
0x1: {  	s0 =	rddreg [dreg:$0x0]  }
0x2: {  	s2 =	rddreg [dreg:$0x1]  }
0x3: {  	s1 =	srdreg.scid;
	s4 =	stileid.u32  }
0x4: {  	s3 =	simm.s32 $0x0;
	s19 =	simm.s32 $0x80;
	s28 =	simm.s32 $0x3  }
0x5: {  	s30 =	simm.s32 $0x4200;
	s8 =	simm.s32 $0x6;
	s9 =	simm.s32 $0x4  }
0x6: {  	s18 =	simm.s32 $0x5300;
	s23 =	simm.s32 $0x7;
	s20 =	simm.s32 $0x6400  }
0x7: {  	s21 =	simm.s32 $0x8;
	s1 =	sand.u32 $0x1, s1;
	s4 =	sshll.u32 s4, $0x1  }
0x8: {  	s10 =	simm.s32 $0x7500;
	[smem:$0x7FF] =	sst s3;
	s6 =	sor.u32 s1, s4  }
0x9: {  	s5 =	sadd.s32 $0x600, s0;
	s12 =	sadd.s32 $0x4000, s2;
	s7 =	smul.u32 $0x3200, s6  }
0xa: {  	s13 =	sadd.s32 $0x8000, s2;
	_ =	strace $0x80000047;
	s6 =	smul.u32 $0x320, s6  }
0xb: {  	s1 =	ssub.s32 $0x2, s1;
	s4 =	sadd.s32 $0x1EB000, s0;
	s25 =	sadd.s32 s5, s7  }
0xc: {  	s24 =	sshrl.u32 s1, $0x1;
	s29 =	sor.u32 $0x4, s6;
	[dreg:$0x3] =	wrdreg s25  }
0xd: {  	s0 =	ssub.s32 s1, s24;
	s31 =	sor.u32 $0x5, s6;
	[dreg:$0x7] =	wrdreg s29  }
0xe: {  	s14 =	sadd.s32 $0xC000, s2;
	s0 =	smax.u32 s0, $0x1;
	[dreg:$0x8] =	wrdreg s31  }
0xf: {  	v0 =	vlaneseq.u32;
	s16 =	sor.u32 $0x6, s6;
	s7 =	sadd.s32 $0x10, s25;
	[dreg:$0x9] =	wrdreg s0  }
0x10: {  	v0 =	vmul.u32 $0x88, v0;
	s17 =	sor.u32 $0x7, s6;
	s26 =	sadd.s32 $0x20, s25;
	[dreg:$0x4] =	wrdreg s7  }
0x11: {  	s1 =	sadd.s32 $0x30, s25;
	s25 =	simm.s32 $0xB;
	[dreg:$0x5] =	wrdreg s26  }
0x12: {  	v1 =	vadd.s32 $0x880, v0;
	[dreg:$0x6] =	wrdreg s1;
	s26 =	simm.s32 $0x5;
	s7 =	simm.s32 $0x0  }
.LBB2_1:
0x13: {  	[dreg:$0xa] =	wrdreg s7  }
0x14: {  	s0 =	rddreg [dreg:$0x3]  }
0x15: {  	[tilespmem:s3], [sflag:$0x1] =	stream.linear.gather [hbm4b:s0+s3], $0x80, $0x38;
	[tilespmem:$0x8600] =	vst v63  }
0x16: {  	s1 =	rddreg [dreg:$0x4]  }
0x17: {  	[tilespmem:s19], [sflag:$0x2] =	stream.linear.gather [hbm4b:s1+s3], $0x80, $0x38;
	[tilespmem:$0x8600] =	vst v63  }
0x18: {  	s7 =	rddreg [dreg:$0x5];
	s1 =	simm.s32 $0x100  }
0x19: {  	[tilespmem:s1], [sflag:$0x3] =	stream.linear.gather [hbm4b:s7+s3], $0x80, $0x38;
	[tilespmem:$0x8600] =	vst v63  }
0x1a: {  	s11 =	rddreg [dreg:$0x6];
	s15 =	simm.s32 $0x180;
	s22 =	simm.s32 $0x1  }
0x1b: {  	[tilespmem:s15], [sflag:$0x4] =	stream.linear.gather [hbm4b:s11+s3], $0x80, $0x38;
	[tilespmem:$0x8600] =	vst v63  }
0x1c: {  	_ =	swait.ge [sflag:s22], $0x80  }
0x1d: {  	[sflag:s22] =	ssyncset.done $0x0  }
0x1e: {  	s24 =	simm.s32 $0x200;
	s29 =	simm.s32 $0x2;
	[sflag:s22] =	ssyncadd.s32 $0xFFFFFF80  }
0x1f: {  	[tilespmem:s24], [sflag:$0x5] =	stream.indirect.gather [hbm4b:s4+s19], $0x20, s3, s19, $0xb8;
	[tilespmem:$0x8600] =	vst v63  }
0x20: {  	_ =	swait.ge [sflag:s29], $0x80  }
0x21: {  	[sflag:s29] =	ssyncset.done $0x0  }
0x22: {  	s31 =	simm.s32 $0x1200;
	s7 =	simm.s32 $0x0;
	[sflag:s29] =	ssyncadd.s32 $0xFFFFFF80  }
0x23: {  	[tilespmem:s31], [sflag:$0x6] =	stream.indirect.gather [hbm4b:s4+s19], $0x20, s19, s19, $0xb8;
	[tilespmem:$0x8600] =	vst v63  }
.LBB2_2:
0x24: {  	p0 =	seq.s32 s7, $0xC7  }
0x25: {  	p1 =	seq.s32 @!p0 s7, $0x0  }
0x26: {  	s22 =	sshll.u32 s7, $0x2;
	s0 =	rddreg [dreg:$0x7];
	p1 =	por p0, !p1  }
.Ltmp0:
0x27: {  	s0 =	sadd.s32 @!p0 s22, s0;
	(pc) =	sbr.rel @!p1 .LBB2_3-.Ltmp0, $4  }
0x28: {  	_ =	swait.ge [sflag:s26], $0x1000;
	s0 =	sshll.u32 @!p0 s0, $0x4  }
0x29: {  	[sflag:s26] =	ssyncset.done $0x0;
	s1 =	simm.s32 @!p0 $0x0;
	s0 =	sand.u32 @!p0 $0x1FFFFFC0, s0  }
0x2a: {  	s24 =	sor.u32 @!p0 $0x2, s22;
	[sflag:s26] =	ssyncadd.s32 $0xFFFFF000;
	s0 =	sadd.s32 @!p0 s5, s0  }
0x2b: {  	[tilespmem:s1], [sflag:$0x1] =	stream.linear.gather @!p0 [hbm4b:s0+s1], $0x80, $0x38;
	[tilespmem:$0x8600] =	vst v63  }
0x2c: {  	_ =	swait.ge [sflag:s25], $0x400  }
0x2d: {  	[sflag:s25] =	ssyncset.done $0x0  }
0x2e: {  	[sflag:s25] =	ssyncadd.s32 $0xFFFFFC00  }
0x2f: {  	_ =	swait.ge [sflag:s25], $0x400  }
0x30: {  	[sflag:s25] =	ssyncset.done $0x0  }
0x31: {  	[sflag:s25] =	ssyncadd.s32 $0xFFFFFC00  }
0x32: {  	_ =	swait.ge [sflag:s25], $0x400  }
.Ltmp1:
0x33: {  	[sflag:s25] =	ssyncset.done $0x0;
	(pc) =	sbr.rel .LBB2_5-.Ltmp1, $4  }
0x34: {  	[sflag:s25] =	ssyncadd.s32 $0xFFFFFC00  }
0x35: {  	_ =	swait.ge [sflag:s25], $0x400  }
0x36: {  	[sflag:s25] =	ssyncset.done $0x0  }
0x37: {  	s24 =	simm.s32 @p0 $0x31E;
	p1 =	por $0x0, $0x0;
	[sflag:s25] =	ssyncadd.s32 $0xFFFFFC00  }
.LBB2_3:
0x38: {  	p1 =	por @!p0 $0x1, $0x1  }
.LBB2_5:
0x39: {  	_ =	swait.ge [sflag:s28], $0x80  }
0x3a: {  	s0 =	simm.s32 $0x0;
	s1 =	simm.s32 $0x100;
	[sflag:s28] =	ssyncset.done $0x0  }
0x3b: {  	s11 =	simm.s32 $0x2200;
	v2 =	vmov s0;
	s0 =	simm.s32 $0x240;
	[sflag:s28] =	ssyncadd.s32 $0xFFFFFF80  }
0x3c: {  	v2 =	vand.u32 $0x7C, v2;
	[tilespmem:s11], [sflag:$0x7] =	stream.indirect.gather [hbm4b:s4+s19], $0x20, s1, s19, $0xb8;
	[tilespmem:$0x8600] =	vst v63  }
0x3d: {  	v4 =	vadd.s32 v0, v2;
	v3 =	vld [tilespmem:s0+$0xFFFFFFC0];
	_ =	sdelay $0x4  }
0x3e: {  	[tilespmem:v4+s30+$0x0] =	vst.idx.msk $0xffff, v3  }
0x3f: {  	v2 =	vadd.s32 v1, v2;
	v3 =	vld [tilespmem:s0+$0xFFFFFFD0];
	_ =	sdelay $0x2  }
0x40: {  	s11 =	simm.s32 $0x1  }
0x41: {  	v4 =	vmov s11  }
0x42: {  	[tilespmem:v2+s30+$0x0] =	vst.idx.msk $0xffff, v3;
	v2 =	vand.u32 $0x7D, v4  }
0x43: {  	v3 =	vld [tilespmem:s0+$0xFFFFFFE0];
	v4 =	vadd.s32 v0, v2;
	_ =	sdelay $0x4  }
0x44: {  	[tilespmem:v4+s30+$0x0] =	vst.idx.msk $0xffff, v3  }
0x45: {  	v2 =	vadd.s32 v1, v2;
	v3 =	vld [tilespmem:s0+$0xFFFFFFF0];
	_ =	sdelay $0x2  }
0x46: {  	s15 =	simm.s32 $0x2  }
0x47: {  	v4 =	vmov s15  }
0x48: {  	[tilespmem:v2+s30+$0x0] =	vst.idx.msk $0xffff, v3;
	v2 =	vand.u32 $0x7E, v4  }
0x49: {  	v3 =	vld [tilespmem:s0+$0x0];
	v4 =	vadd.s32 v0, v2;
	_ =	sdelay $0x4  }
0x4a: {  	[tilespmem:v4+s30+$0x0] =	vst.idx.msk $0xffff, v3  }
0x4b: {  	v2 =	vadd.s32 v1, v2;
	v3 =	vld [tilespmem:s0+$0x10];
	_ =	sdelay $0x2  }
0x4c: {  	s31 =	simm.s32 $0x3  }
0x4d: {  	v4 =	vmov s31  }
0x4e: {  	[tilespmem:v2+s30+$0x0] =	vst.idx.msk $0xffff, v3;
	v3 =	vand.u32 $0x7F, v4  }
0x4f: {  	v2 =	vld [tilespmem:s0+$0x20];
	v4 =	vadd.s32 v0, v3;
	_ =	sdelay $0x4  }
0x50: {  	[tilespmem:v4+s30+$0x0] =	vst.idx.msk $0xffff, v2  }
0x51: {  	v3 =	vadd.s32 v1, v3;
	v2 =	vld [tilespmem:s0+$0x30];
	_ =	sdelay $0x2  }
0x52: {  	s1 =	simm.s32 $0x4  }
0x53: {  	s29 =	simm.s32 $0x8;
	v4 =	vmov s1  }
.LBB2_6:
0x54: {  	p2 =	sne.s32 s29, $0x7C;
	v4 =	vand.u32 $0x7C, v4;
	[tilespmem:v3+s30+$0x0] =	vst.idx.msk $0xffff, v2;
	s0 =	sadd.s32 $0x80, s0  }
0x55: {  	v2 =	vld [tilespmem:s0+$0xFFFFFFC0];
	v3 =	vadd.s32 v0, v4;
	_ =	sdelay $0x4  }
0x56: {  	[tilespmem:v3+s30+$0x0] =	vst.idx.msk $0xffff, v2  }
0x57: {  	v3 =	vadd.s32 v1, v4;
	v2 =	vld [tilespmem:s0+$0xFFFFFFD0];
	_ =	sdelay $0x2  }
0x58: {  	s11 =	sadd.s32 $0x1, s1  }
0x59: {  	v4 =	vmov s11  }
0x5a: {  	[tilespmem:v3+s30+$0x0] =	vst.idx.msk $0xffff, v2;
	v2 =	vand.u32 $0x7D, v4  }
0x5b: {  	v3 =	vld [tilespmem:s0+$0xFFFFFFE0];
	v4 =	vadd.s32 v0, v2;
	_ =	sdelay $0x4  }
0x5c: {  	[tilespmem:v4+s30+$0x0] =	vst.idx.msk $0xffff, v3  }
0x5d: {  	v2 =	vadd.s32 v1, v2;
	v3 =	vld [tilespmem:s0+$0xFFFFFFF0];
	_ =	sdelay $0x2  }
0x5e: {  	s11 =	sadd.s32 $0x2, s1  }
0x5f: {  	v4 =	vmov s11  }
0x60: {  	[tilespmem:v2+s30+$0x0] =	vst.idx.msk $0xffff, v3;
	v2 =	vand.u32 $0x7E, v4  }
0x61: {  	v3 =	vld [tilespmem:s0+$0x0];
	v4 =	vadd.s32 v0, v2;
	_ =	sdelay $0x4  }
0x62: {  	[tilespmem:v4+s30+$0x0] =	vst.idx.msk $0xffff, v3  }
0x63: {  	v2 =	vadd.s32 v1, v2;
	v3 =	vld [tilespmem:s0+$0x10];
	_ =	sdelay $0x2  }
0x64: {  	s11 =	sadd.s32 $0x3, s1;
	s1 =	smov.u32 s29  }
0x65: {  	v4 =	vmov s11  }
0x66: {  	[tilespmem:v2+s30+$0x0] =	vst.idx.msk $0xffff, v3;
	v3 =	vand.u32 $0x7F, v4  }
0x67: {  	v2 =	vld [tilespmem:s0+$0x20];
	v4 =	vadd.s32 v0, v3;
	_ =	sdelay $0x4  }
0x68: {  	[tilespmem:v4+s30+$0x0] =	vst.idx.msk $0xffff, v2  }
.Ltmp2:
0x69: {  	v3 =	vadd.s32 v1, v3;
	v2 =	vld [tilespmem:s0+$0x30];
	(pc) =	sbr.rel @p2 .LBB2_6-.Ltmp2, $2  }
0x6a: {  	_ =	sdelay $0x2  }
0x6b: {  	s29 =	sadd.s32 $0x4, s29;
	v4 =	vmov s1  }
0x6c: {  	_ =	sdelay $0x3  }
0x6d: {  	v4 =	vand.u32 $0x7C, v4;
	[tilespmem:v3+s30+$0x0] =	vst.idx.msk $0xffff, v2;
	s0 =	sadd.s32 $0x80, s0  }
0x6e: {  	v2 =	vld [tilespmem:s0+$0xFFFFFFC0];
	v3 =	vadd.s32 v0, v4;
	_ =	sdelay $0x4  }
0x6f: {  	[tilespmem:v3+s30+$0x0] =	vst.idx.msk $0xffff, v2  }
0x70: {  	v3 =	vadd.s32 v1, v4;
	v2 =	vld [tilespmem:s0+$0xFFFFFFD0];
	_ =	sdelay $0x2  }
0x71: {  	s11 =	sadd.s32 $0x1, s1  }
0x72: {  	v4 =	vmov s11  }
0x73: {  	[tilespmem:v3+s30+$0x0] =	vst.idx.msk $0xffff, v2;
	v2 =	vand.u32 $0x7D, v4  }
0x74: {  	v3 =	vld [tilespmem:s0+$0xFFFFFFE0];
	v4 =	vadd.s32 v0, v2;
	_ =	sdelay $0x4  }
0x75: {  	[tilespmem:v4+s30+$0x0] =	vst.idx.msk $0xffff, v3  }
0x76: {  	v2 =	vadd.s32 v1, v2;
	v3 =	vld [tilespmem:s0+$0xFFFFFFF0];
	_ =	sdelay $0x2  }
0x77: {  	s15 =	sadd.s32 $0x2, s1  }
0x78: {  	v4 =	vmov s15  }
0x79: {  	[tilespmem:v2+s30+$0x0] =	vst.idx.msk $0xffff, v3;
	v2 =	vand.u32 $0x7E, v4  }
0x7a: {  	v3 =	vld [tilespmem:s0+$0x0];
	v4 =	vadd.s32 v0, v2;
	_ =	sdelay $0x4  }
0x7b: {  	[tilespmem:v4+s30+$0x0] =	vst.idx.msk $0xffff, v3  }
0x7c: {  	v2 =	vadd.s32 v1, v2;
	v3 =	vld [tilespmem:s0+$0x10];
	_ =	sdelay $0x2  }
0x7d: {  	s15 =	sadd.s32 $0x3, s1  }
0x7e: {  	v4 =	vmov s15  }
0x7f: {  	[tilespmem:v2+s30+$0x0] =	vst.idx.msk $0xffff, v3;
	v2 =	vand.u32 $0x7F, v4  }
0x80: {  	v3 =	vld [tilespmem:s0+$0x20];
	v4 =	vadd.s32 v0, v2;
	_ =	sdelay $0x4  }
0x81: {  	[tilespmem:v4+s30+$0x0] =	vst.idx.msk $0xffff, v3  }
0x82: {  	v2 =	vadd.s32 v1, v2;
	v3 =	vld [tilespmem:s0+$0x30]  }
0x83: {  	s1 =	sadd.s32 s6, s22  }
0x84: {  	s11 =	sshll.u32 s1, $0x9;
	s0 =	sshll.u32 s1, $0x7  }
0x85: {  	s1 =	sand.u32 $0xFFF0000, s11;
	s0 =	sand.u32 $0x3E00, s0  }
0x86: {  	s0 =	sor.u32 s0, s1  }
0x87: {  	s1 =	sadd.s32 s2, s0;
	[tilespmem:v2+s30+$0x0] =	vst.idx.msk $0xffff, v3  }
0x88: {  	[hbm4b:s1+s3] =	stream.linear.scatter [tilespmem:s30], [sflag:$0x9], $0x80, $0x38;
	[tilespmem:$0x8600] =	vst v63  }
0x89: {  	s15 =	simm.s32 $0x4288;
	s11 =	sadd.s32 $0x10, s1  }
0x8a: {  	[hbm4b:s11+s3] =	stream.linear.scatter [tilespmem:s15], [sflag:$0x9], $0x80, $0x38;
	[tilespmem:$0x8600] =	vst v63  }
0x8b: {  	s11 =	sadd.s32 $0x20, s1;
	s15 =	simm.s32 $0x4310  }
0x8c: {  	[hbm4b:s11+s3] =	stream.linear.scatter [tilespmem:s15], [sflag:$0x9], $0x80, $0x38;
	[tilespmem:$0x8600] =	vst v63  }
0x8d: {  	s11 =	sadd.s32 $0x30, s1;
	s15 =	simm.s32 $0x4398  }
0x8e: {  	[hbm4b:s11+s3] =	stream.linear.scatter [tilespmem:s15], [sflag:$0x9], $0x80, $0x38;
	[tilespmem:$0x8600] =	vst v63  }
0x8f: {  	s11 =	sadd.s32 $0x40, s1;
	s15 =	simm.s32 $0x4420  }
0x90: {  	[hbm4b:s11+s3] =	stream.linear.scatter [tilespmem:s15], [sflag:$0x9], $0x80, $0x38;
	[tilespmem:$0x8600] =	vst v63  }
0x91: {  	s11 =	sadd.s32 $0x50, s1;
	s15 =	simm.s32 $0x44A8  }
0x92: {  	[hbm4b:s11+s3] =	stream.linear.scatter [tilespmem:s15], [sflag:$0x9], $0x80, $0x38;
	[tilespmem:$0x8600] =	vst v63  }
0x93: {  	s11 =	sadd.s32 $0x60, s1;
	s15 =	simm.s32 $0x4530  }
0x94: {  	[hbm4b:s11+s3] =	stream.linear.scatter [tilespmem:s15], [sflag:$0x9], $0x80, $0x38;
	[tilespmem:$0x8600] =	vst v63  }
0x95: {  	s1 =	sadd.s32 $0x70, s1;
	s15 =	simm.s32 $0x45B8  }
0x96: {  	[hbm4b:s1+s3] =	stream.linear.scatter [tilespmem:s15], [sflag:$0x9], $0x80, $0x38;
	[tilespmem:$0x8600] =	vst v63  }
0x97: {  	s1 =	sadd.s32 s0, s12;
	s15 =	simm.s32 $0x4640  }
0x98: {  	[hbm4b:s1+s3] =	stream.linear.scatter [tilespmem:s15], [sflag:$0x9], $0x80, $0x38;
	[tilespmem:$0x8600] =	vst v63  }
0x99: {  	s11 =	sadd.s32 $0x10, s1;
	s15 =	simm.s32 $0x46C8  }
0x9a: {  	[hbm4b:s11+s3] =	stream.linear.scatter [tilespmem:s15], [sflag:$0x9], $0x80, $0x38;
	[tilespmem:$0x8600] =	vst v63  }
0x9b: {  	s11 =	sadd.s32 $0x20, s1;
	s15 =	simm.s32 $0x4750  }
0x9c: {  	[hbm4b:s11+s3] =	stream.linear.scatter [tilespmem:s15], [sflag:$0x9], $0x80, $0x38;
	[tilespmem:$0x8600] =	vst v63  }
0x9d: {  	s11 =	sadd.s32 $0x30, s1;
	s15 =	simm.s32 $0x47D8  }
0x9e: {  	[hbm4b:s11+s3] =	stream.linear.scatter [tilespmem:s15], [sflag:$0x9], $0x80, $0x38;
	[tilespmem:$0x8600] =	vst v63  }
0x9f: {  	s11 =	sadd.s32 $0x40, s1;
	s15 =	simm.s32 $0x4860  }
0xa0: {  	[hbm4b:s11+s3] =	stream.linear.scatter [tilespmem:s15], [sflag:$0x9], $0x80, $0x38;
	[tilespmem:$0x8600] =	vst v63  }
0xa1: {  	s11 =	sadd.s32 $0x50, s1;
	s15 =	simm.s32 $0x48E8  }
0xa2: {  	[hbm4b:s11+s3] =	stream.linear.scatter [tilespmem:s15], [sflag:$0x9], $0x80, $0x38;
	[tilespmem:$0x8600] =	vst v63  }
0xa3: {  	s11 =	sadd.s32 $0x60, s1;
	s15 =	simm.s32 $0x4970  }
0xa4: {  	[hbm4b:s11+s3] =	stream.linear.scatter [tilespmem:s15], [sflag:$0x9], $0x80, $0x38;
	[tilespmem:$0x8600] =	vst v63  }
0xa5: {  	s1 =	sadd.s32 $0x70, s1;
	s15 =	simm.s32 $0x49F8  }
0xa6: {  	[hbm4b:s1+s3] =	stream.linear.scatter [tilespmem:s15], [sflag:$0x9], $0x80, $0x38;
	[tilespmem:$0x8600] =	vst v63  }
0xa7: {  	s1 =	sadd.s32 s0, s13;
	s15 =	simm.s32 $0x4A80  }
0xa8: {  	[hbm4b:s1+s3] =	stream.linear.scatter [tilespmem:s15], [sflag:$0x9], $0x80, $0x38;
	[tilespmem:$0x8600] =	vst v63  }
0xa9: {  	s11 =	sadd.s32 $0x10, s1;
	s15 =	simm.s32 $0x4B08  }
0xaa: {  	[hbm4b:s11+s3] =	stream.linear.scatter [tilespmem:s15], [sflag:$0x9], $0x80, $0x38;
	[tilespmem:$0x8600] =	vst v63  }
0xab: {  	s11 =	sadd.s32 $0x20, s1;
	s15 =	simm.s32 $0x4B90  }
0xac: {  	[hbm4b:s11+s3] =	stream.linear.scatter [tilespmem:s15], [sflag:$0x9], $0x80, $0x38;
	[tilespmem:$0x8600] =	vst v63  }
0xad: {  	s11 =	sadd.s32 $0x30, s1;
	s15 =	simm.s32 $0x4C18  }
0xae: {  	[hbm4b:s11+s3] =	stream.linear.scatter [tilespmem:s15], [sflag:$0x9], $0x80, $0x38;
	[tilespmem:$0x8600] =	vst v63  }
0xaf: {  	s11 =	sadd.s32 $0x40, s1;
	s15 =	simm.s32 $0x4CA0  }
0xb0: {  	[hbm4b:s11+s3] =	stream.linear.scatter [tilespmem:s15], [sflag:$0x9], $0x80, $0x38;
	[tilespmem:$0x8600] =	vst v63  }
0xb1: {  	s11 =	sadd.s32 $0x50, s1;
	s15 =	simm.s32 $0x4D28  }
0xb2: {  	[hbm4b:s11+s3] =	stream.linear.scatter [tilespmem:s15], [sflag:$0x9], $0x80, $0x38;
	[tilespmem:$0x8600] =	vst v63  }
0xb3: {  	s11 =	sadd.s32 $0x60, s1;
	s15 =	simm.s32 $0x4DB0  }
0xb4: {  	[hbm4b:s11+s3] =	stream.linear.scatter [tilespmem:s15], [sflag:$0x9], $0x80, $0x38;
	[tilespmem:$0x8600] =	vst v63  }
0xb5: {  	s1 =	sadd.s32 $0x70, s1;
	s15 =	simm.s32 $0x4E38  }
0xb6: {  	[hbm4b:s1+s3] =	stream.linear.scatter [tilespmem:s15], [sflag:$0x9], $0x80, $0x38;
	[tilespmem:$0x8600] =	vst v63  }
0xb7: {  	s0 =	sadd.s32 s0, s14;
	s15 =	simm.s32 $0x4EC0  }
0xb8: {  	[hbm4b:s0+s3] =	stream.linear.scatter [tilespmem:s15], [sflag:$0x9], $0x80, $0x38;
	[tilespmem:$0x8600] =	vst v63  }
0xb9: {  	s11 =	sadd.s32 $0x10, s0;
	s15 =	simm.s32 $0x4F48  }
0xba: {  	[hbm4b:s11+s3] =	stream.linear.scatter [tilespmem:s15], [sflag:$0x9], $0x80, $0x38;
	[tilespmem:$0x8600] =	vst v63  }
0xbb: {  	s11 =	sadd.s32 $0x20, s0;
	s15 =	simm.s32 $0x4FD0  }
0xbc: {  	[hbm4b:s11+s3] =	stream.linear.scatter [tilespmem:s15], [sflag:$0x9], $0x80, $0x38;
	[tilespmem:$0x8600] =	vst v63  }
0xbd: {  	s11 =	sadd.s32 $0x30, s0;
	s15 =	simm.s32 $0x5058  }
0xbe: {  	[hbm4b:s11+s3] =	stream.linear.scatter [tilespmem:s15], [sflag:$0x9], $0x80, $0x38;
	[tilespmem:$0x8600] =	vst v63  }
0xbf: {  	s11 =	sadd.s32 $0x40, s0;
	s15 =	simm.s32 $0x50E0  }
0xc0: {  	[hbm4b:s11+s3] =	stream.linear.scatter [tilespmem:s15], [sflag:$0x9], $0x80, $0x38;
	[tilespmem:$0x8600] =	vst v63  }
0xc1: {  	s11 =	sadd.s32 $0x50, s0;
	s15 =	simm.s32 $0x5168  }
0xc2: {  	[hbm4b:s11+s3] =	stream.linear.scatter [tilespmem:s15], [sflag:$0x9], $0x80, $0x38;
	[tilespmem:$0x8600] =	vst v63  }
0xc3: {  	s11 =	sadd.s32 $0x60, s0;
	s15 =	simm.s32 $0x51F0  }
0xc4: {  	[hbm4b:s11+s3] =	stream.linear.scatter [tilespmem:s15], [sflag:$0x9], $0x80, $0x38;
	[tilespmem:$0x8600] =	vst v63  }
0xc5: {  	s0 =	sadd.s32 $0x70, s0;
	s15 =	simm.s32 $0x5278  }
0xc6: {  	[hbm4b:s0+s3] =	stream.linear.scatter [tilespmem:s15], [sflag:$0x9], $0x80, $0x38;
	[tilespmem:$0x8600] =	vst v63  }
0xc7: {  	_ =	swait.ge [sflag:s8], $0x1000  }
0xc8: {  	s0 =	rddreg [dreg:$0x8]  }
0xc9: {  	s0 =	sadd.s32 @!p0 s22, s0  }
0xca: {  	s0 =	sshll.u32 @!p0 s0, $0x4  }
0xcb: {  	s1 =	simm.s32 @!p0 $0x0;
	[sflag:s8] =	ssyncset.done $0x0;
	s0 =	sand.u32 @!p0 $0x1FFFFFD0, s0  }
0xcc: {  	s11 =	simm.s32 @!p0 $0x80;
	[sflag:s8] =	ssyncadd.s32 $0xFFFFF000;
	s0 =	sadd.s32 @!p0 s5, s0  }
0xcd: {  	[tilespmem:s11], [sflag:$0x2] =	stream.linear.gather @!p0 [hbm4b:s0+s1], $0x80, $0x38;
	[tilespmem:$0x8600] =	vst v63  }
0xce: {  	s0 =	simm.s32 @!p1 $0xC  }
0xcf: {  	_ =	swait.ge @!p1 [sflag:s0], $0x400  }
0xd0: {  	[sflag:s0] =	ssyncset.done @!p1 $0x0  }
0xd1: {  	[sflag:s0] =	ssyncadd.s32 @!p1 $0xFFFFFC00  }
0xd2: {  	_ =	swait.ge @!p1 [sflag:s0], $0x400  }
0xd3: {  	[sflag:s0] =	ssyncset.done @!p1 $0x0  }
0xd4: {  	[sflag:s0] =	ssyncadd.s32 @!p1 $0xFFFFFC00  }
0xd5: {  	_ =	swait.ge @!p1 [sflag:s0], $0x400  }
0xd6: {  	[sflag:s0] =	ssyncset.done @!p1 $0x0  }
0xd7: {  	[sflag:s0] =	ssyncadd.s32 @!p1 $0xFFFFFC00  }
0xd8: {  	_ =	swait.ge @!p1 [sflag:s0], $0x400  }
0xd9: {  	[sflag:s0] =	ssyncset.done @!p1 $0x0  }
0xda: {  	[sflag:s0] =	ssyncadd.s32 @!p1 $0xFFFFFC00  }
0xdb: {  	_ =	swait.ge [sflag:s9], $0x80  }
0xdc: {  	s15 =	simm.s32 $0x3200;
	s0 =	simm.s32 $0x0;
	[sflag:s9] =	ssyncset.done $0x0  }
0xdd: {  	s11 =	simm.s32 $0x180;
	v2 =	vmov s0;
	s0 =	simm.s32 $0x1270;
	[sflag:s9] =	ssyncadd.s32 $0xFFFFFF80  }
0xde: {  	v2 =	vand.u32 $0x7C, v2;
	[tilespmem:s15], [sflag:$0x8] =	stream.indirect.gather [hbm4b:s4+s19], $0x20, s11, s19, $0xb8;
	[tilespmem:$0x8600] =	vst v63  }
0xdf: {  	v4 =	vadd.s32 v0, v2;
	v3 =	vld [tilespmem:s0+$0xFFFFFF90];
	_ =	sdelay $0x4  }
0xe0: {  	[tilespmem:v4+s18+$0x0] =	vst.idx.msk $0xffff, v3  }
0xe1: {  	v2 =	vadd.s32 v1, v2;
	v3 =	vld [tilespmem:s0+$0xFFFFFFA0];
	_ =	sdelay $0x2  }
0xe2: {  	s15 =	simm.s32 $0x1  }
0xe3: {  	v4 =	vmov s15  }
0xe4: {  	[tilespmem:v2+s18+$0x0] =	vst.idx.msk $0xffff, v3;
	v2 =	vand.u32 $0x7D, v4  }
0xe5: {  	v3 =	vld [tilespmem:s0+$0xFFFFFFB0];
	v4 =	vadd.s32 v0, v2;
	_ =	sdelay $0x4  }
0xe6: {  	[tilespmem:v4+s18+$0x0] =	vst.idx.msk $0xffff, v3  }
0xe7: {  	v2 =	vadd.s32 v1, v2;
	v3 =	vld [tilespmem:s0+$0xFFFFFFC0];
	_ =	sdelay $0x2  }
0xe8: {  	s11 =	simm.s32 $0x2  }
0xe9: {  	v4 =	vmov s11  }
0xea: {  	[tilespmem:v2+s18+$0x0] =	vst.idx.msk $0xffff, v3;
	v2 =	vand.u32 $0x7E, v4  }
0xeb: {  	v3 =	vld [tilespmem:s0+$0xFFFFFFD0];
	v4 =	vadd.s32 v0, v2;
	_ =	sdelay $0x4  }
0xec: {  	[tilespmem:v4+s18+$0x0] =	vst.idx.msk $0xffff, v3  }
0xed: {  	v2 =	vadd.s32 v1, v2;
	v3 =	vld [tilespmem:s0+$0xFFFFFFE0];
	_ =	sdelay $0x2  }
0xee: {  	s15 =	simm.s32 $0x3  }
0xef: {  	v4 =	vmov s15  }
0xf0: {  	[tilespmem:v2+s18+$0x0] =	vst.idx.msk $0xffff, v3;
	v3 =	vand.u32 $0x7F, v4  }
0xf1: {  	v2 =	vld [tilespmem:s0+$0xFFFFFFF0];
	v4 =	vadd.s32 v0, v3;
	_ =	sdelay $0x4  }
0xf2: {  	[tilespmem:v4+s18+$0x0] =	vst.idx.msk $0xffff, v2  }
0xf3: {  	v3 =	vadd.s32 v1, v3;
	v2 =	vld [tilespmem:s0+$0x0];
	_ =	sdelay $0x2  }
0xf4: {  	s1 =	simm.s32 $0x4  }
0xf5: {  	s31 =	sor.u32 $0x1, s22;
	s29 =	sor.u32 $0x3, s22;
	s11 =	simm.s32 $0x8;
	v4 =	vmov s1  }
.LBB2_8:
0xf6: {  	p1 =	sne.s32 s11, $0x7C;
	v4 =	vand.u32 $0x7C, v4;
	[tilespmem:v3+s18+$0x0] =	vst.idx.msk $0xffff, v2;
	s0 =	sadd.s32 $0x80, s0  }
0xf7: {  	v2 =	vld [tilespmem:s0+$0xFFFFFF90];
	v3 =	vadd.s32 v0, v4;
	_ =	sdelay $0x4  }
0xf8: {  	[tilespmem:v3+s18+$0x0] =	vst.idx.msk $0xffff, v2  }
0xf9: {  	v3 =	vadd.s32 v1, v4;
	v2 =	vld [tilespmem:s0+$0xFFFFFFA0];
	_ =	sdelay $0x2  }
0xfa: {  	s15 =	sadd.s32 $0x1, s1  }
0xfb: {  	v4 =	vmov s15  }
0xfc: {  	[tilespmem:v3+s18+$0x0] =	vst.idx.msk $0xffff, v2;
	v2 =	vand.u32 $0x7D, v4  }
0xfd: {  	v3 =	vld [tilespmem:s0+$0xFFFFFFB0];
	v4 =	vadd.s32 v0, v2;
	_ =	sdelay $0x4  }
0xfe: {  	[tilespmem:v4+s18+$0x0] =	vst.idx.msk $0xffff, v3  }
0xff: {  	v2 =	vadd.s32 v1, v2;
	v3 =	vld [tilespmem:s0+$0xFFFFFFC0];
	_ =	sdelay $0x2  }
0x100: {  	s15 =	sadd.s32 $0x2, s1  }
0x101: {  	v4 =	vmov s15  }
0x102: {  	[tilespmem:v2+s18+$0x0] =	vst.idx.msk $0xffff, v3;
	v2 =	vand.u32 $0x7E, v4  }
0x103: {  	v3 =	vld [tilespmem:s0+$0xFFFFFFD0];
	v4 =	vadd.s32 v0, v2;
	_ =	sdelay $0x4  }
0x104: {  	[tilespmem:v4+s18+$0x0] =	vst.idx.msk $0xffff, v3  }
0x105: {  	v2 =	vadd.s32 v1, v2;
	v3 =	vld [tilespmem:s0+$0xFFFFFFE0];
	_ =	sdelay $0x2  }
0x106: {  	s15 =	sadd.s32 $0x3, s1;
	s1 =	smov.u32 s11  }
0x107: {  	v4 =	vmov s15  }
0x108: {  	[tilespmem:v2+s18+$0x0] =	vst.idx.msk $0xffff, v3;
	v3 =	vand.u32 $0x7F, v4  }
0x109: {  	v2 =	vld [tilespmem:s0+$0xFFFFFFF0];
	v4 =	vadd.s32 v0, v3;
	_ =	sdelay $0x4  }
0x10a: {  	[tilespmem:v4+s18+$0x0] =	vst.idx.msk $0xffff, v2  }
.Ltmp3:
0x10b: {  	v3 =	vadd.s32 v1, v3;
	v2 =	vld [tilespmem:s0+$0x0];
	(pc) =	sbr.rel @p1 .LBB2_8-.Ltmp3, $2  }
0x10c: {  	_ =	sdelay $0x2  }
0x10d: {  	s11 =	sadd.s32 $0x4, s11;
	v4 =	vmov s1  }
0x10e: {  	_ =	sdelay $0x3  }
0x10f: {  	v4 =	vand.u32 $0x7C, v4;
	[tilespmem:v3+s18+$0x0] =	vst.idx.msk $0xffff, v2;
	s0 =	sadd.s32 $0x80, s0  }
0x110: {  	v2 =	vld [tilespmem:s0+$0xFFFFFF90];
	v3 =	vadd.s32 v0, v4;
	_ =	sdelay $0x4  }
0x111: {  	[tilespmem:v3+s18+$0x0] =	vst.idx.msk $0xffff, v2  }
0x112: {  	v3 =	vadd.s32 v1, v4;
	v2 =	vld [tilespmem:s0+$0xFFFFFFA0];
	_ =	sdelay $0x2  }
0x113: {  	s11 =	sadd.s32 $0x1, s1  }
0x114: {  	v4 =	vmov s11  }
0x115: {  	[tilespmem:v3+s18+$0x0] =	vst.idx.msk $0xffff, v2;
	v2 =	vand.u32 $0x7D, v4  }
0x116: {  	v3 =	vld [tilespmem:s0+$0xFFFFFFB0];
	v4 =	vadd.s32 v0, v2;
	_ =	sdelay $0x4  }
0x117: {  	[tilespmem:v4+s18+$0x0] =	vst.idx.msk $0xffff, v3  }
0x118: {  	v2 =	vadd.s32 v1, v2;
	v3 =	vld [tilespmem:s0+$0xFFFFFFC0];
	_ =	sdelay $0x2  }
0x119: {  	s15 =	sadd.s32 $0x2, s1  }
0x11a: {  	v4 =	vmov s15  }
0x11b: {  	[tilespmem:v2+s18+$0x0] =	vst.idx.msk $0xffff, v3;
	v2 =	vand.u32 $0x7E, v4  }
0x11c: {  	v3 =	vld [tilespmem:s0+$0xFFFFFFD0];
	v4 =	vadd.s32 v0, v2;
	_ =	sdelay $0x4  }
0x11d: {  	[tilespmem:v4+s18+$0x0] =	vst.idx.msk $0xffff, v3  }
0x11e: {  	v2 =	vadd.s32 v1, v2;
	v3 =	vld [tilespmem:s0+$0xFFFFFFE0];
	_ =	sdelay $0x2  }
0x11f: {  	s15 =	sadd.s32 $0x3, s1  }
0x120: {  	v4 =	vmov s15  }
0x121: {  	[tilespmem:v2+s18+$0x0] =	vst.idx.msk $0xffff, v3;
	v2 =	vand.u32 $0x7F, v4  }
0x122: {  	v3 =	vld [tilespmem:s0+$0xFFFFFFF0];
	v4 =	vadd.s32 v0, v2;
	_ =	sdelay $0x4  }
0x123: {  	[tilespmem:v4+s18+$0x0] =	vst.idx.msk $0xffff, v3  }
0x124: {  	v2 =	vadd.s32 v1, v2;
	v3 =	vld [tilespmem:s0+$0x0]  }
0x125: {  	s11 =	sadd.s32 s6, s31  }
0x126: {  	s15 =	sshll.u32 s11, $0x9;
	s0 =	sshll.u32 s11, $0x7  }
0x127: {  	s1 =	sand.u32 $0xFFF0000, s15;
	s0 =	sand.u32 $0x3E80, s0  }
0x128: {  	s0 =	sor.u32 s0, s1  }
0x129: {  	s1 =	sadd.s32 s2, s0;
	[tilespmem:v2+s18+$0x0] =	vst.idx.msk $0xffff, v3  }
0x12a: {  	[hbm4b:s1+s3] =	stream.linear.scatter [tilespmem:s18], [sflag:$0xA], $0x80, $0x38;
	[tilespmem:$0x8600] =	vst v63  }
0x12b: {  	s15 =	simm.s32 $0x5388;
	s31 =	sadd.s32 $0x10, s1  }
0x12c: {  	[hbm4b:s31+s3] =	stream.linear.scatter [tilespmem:s15], [sflag:$0xA], $0x80, $0x38;
	[tilespmem:$0x8600] =	vst v63  }
0x12d: {  	s15 =	sadd.s32 $0x20, s1;
	s31 =	simm.s32 $0x5410  }
0x12e: {  	[hbm4b:s15+s3] =	stream.linear.scatter [tilespmem:s31], [sflag:$0xA], $0x80, $0x38;
	[tilespmem:$0x8600] =	vst v63  }
0x12f: {  	s15 =	sadd.s32 $0x30, s1;
	s31 =	simm.s32 $0x5498  }
0x130: {  	[hbm4b:s15+s3] =	stream.linear.scatter [tilespmem:s31], [sflag:$0xA], $0x80, $0x38;
	[tilespmem:$0x8600] =	vst v63  }
0x131: {  	s15 =	sadd.s32 $0x40, s1;
	s31 =	simm.s32 $0x5520  }
0x132: {  	[hbm4b:s15+s3] =	stream.linear.scatter [tilespmem:s31], [sflag:$0xA], $0x80, $0x38;
	[tilespmem:$0x8600] =	vst v63  }
0x133: {  	s15 =	sadd.s32 $0x50, s1;
	s31 =	simm.s32 $0x55A8  }
0x134: {  	[hbm4b:s15+s3] =	stream.linear.scatter [tilespmem:s31], [sflag:$0xA], $0x80, $0x38;
	[tilespmem:$0x8600] =	vst v63  }
0x135: {  	s15 =	sadd.s32 $0x60, s1;
	s31 =	simm.s32 $0x5630  }
0x136: {  	[hbm4b:s15+s3] =	stream.linear.scatter [tilespmem:s31], [sflag:$0xA], $0x80, $0x38;
	[tilespmem:$0x8600] =	vst v63  }
0x137: {  	s1 =	sadd.s32 $0x70, s1;
	s15 =	simm.s32 $0x56B8  }
0x138: {  	[hbm4b:s1+s3] =	stream.linear.scatter [tilespmem:s15], [sflag:$0xA], $0x80, $0x38;
	[tilespmem:$0x8600] =	vst v63  }
0x139: {  	s31 =	simm.s32 $0x5740;
	s1 =	sadd.s32 s0, s12  }
0x13a: {  	[hbm4b:s1+s3] =	stream.linear.scatter [tilespmem:s31], [sflag:$0xA], $0x80, $0x38;
	[tilespmem:$0x8600] =	vst v63  }
0x13b: {  	s15 =	sadd.s32 $0x10, s1;
	s31 =	simm.s32 $0x57C8  }
0x13c: {  	[hbm4b:s15+s3] =	stream.linear.scatter [tilespmem:s31], [sflag:$0xA], $0x80, $0x38;
	[tilespmem:$0x8600] =	vst v63  }
0x13d: {  	s15 =	sadd.s32 $0x20, s1;
	s31 =	simm.s32 $0x5850  }
0x13e: {  	[hbm4b:s15+s3] =	stream.linear.scatter [tilespmem:s31], [sflag:$0xA], $0x80, $0x38;
	[tilespmem:$0x8600] =	vst v63  }
0x13f: {  	s15 =	sadd.s32 $0x30, s1;
	s31 =	simm.s32 $0x58D8  }
0x140: {  	[hbm4b:s15+s3] =	stream.linear.scatter [tilespmem:s31], [sflag:$0xA], $0x80, $0x38;
	[tilespmem:$0x8600] =	vst v63  }
0x141: {  	s15 =	sadd.s32 $0x40, s1;
	s31 =	simm.s32 $0x5960  }
0x142: {  	[hbm4b:s15+s3] =	stream.linear.scatter [tilespmem:s31], [sflag:$0xA], $0x80, $0x38;
	[tilespmem:$0x8600] =	vst v63  }
0x143: {  	s15 =	sadd.s32 $0x50, s1;
	s31 =	simm.s32 $0x59E8  }
0x144: {  	[hbm4b:s15+s3] =	stream.linear.scatter [tilespmem:s31], [sflag:$0xA], $0x80, $0x38;
	[tilespmem:$0x8600] =	vst v63  }
0x145: {  	s15 =	sadd.s32 $0x60, s1;
	s31 =	simm.s32 $0x5A70  }
0x146: {  	[hbm4b:s15+s3] =	stream.linear.scatter [tilespmem:s31], [sflag:$0xA], $0x80, $0x38;
	[tilespmem:$0x8600] =	vst v63  }
0x147: {  	s1 =	sadd.s32 $0x70, s1;
	s15 =	simm.s32 $0x5AF8  }
0x148: {  	[hbm4b:s1+s3] =	stream.linear.scatter [tilespmem:s15], [sflag:$0xA], $0x80, $0x38;
	[tilespmem:$0x8600] =	vst v63  }
0x149: {  	s31 =	simm.s32 $0x5B80;
	s1 =	sadd.s32 s0, s13  }
0x14a: {  	[hbm4b:s1+s3] =	stream.linear.scatter [tilespmem:s31], [sflag:$0xA], $0x80, $0x38;
	[tilespmem:$0x8600] =	vst v63  }
0x14b: {  	s15 =	sadd.s32 $0x10, s1;
	s31 =	simm.s32 $0x5C08  }
0x14c: {  	[hbm4b:s15+s3] =	stream.linear.scatter [tilespmem:s31], [sflag:$0xA], $0x80, $0x38;
	[tilespmem:$0x8600] =	vst v63  }
0x14d: {  	s15 =	sadd.s32 $0x20, s1;
	s31 =	simm.s32 $0x5C90  }
0x14e: {  	[hbm4b:s15+s3] =	stream.linear.scatter [tilespmem:s31], [sflag:$0xA], $0x80, $0x38;
	[tilespmem:$0x8600] =	vst v63  }
0x14f: {  	s15 =	sadd.s32 $0x30, s1;
	s31 =	simm.s32 $0x5D18  }
0x150: {  	[hbm4b:s15+s3] =	stream.linear.scatter [tilespmem:s31], [sflag:$0xA], $0x80, $0x38;
	[tilespmem:$0x8600] =	vst v63  }
0x151: {  	s15 =	sadd.s32 $0x40, s1;
	s31 =	simm.s32 $0x5DA0  }
0x152: {  	[hbm4b:s15+s3] =	stream.linear.scatter [tilespmem:s31], [sflag:$0xA], $0x80, $0x38;
	[tilespmem:$0x8600] =	vst v63  }
0x153: {  	s15 =	sadd.s32 $0x50, s1;
	s31 =	simm.s32 $0x5E28  }
0x154: {  	[hbm4b:s15+s3] =	stream.linear.scatter [tilespmem:s31], [sflag:$0xA], $0x80, $0x38;
	[tilespmem:$0x8600] =	vst v63  }
0x155: {  	s15 =	sadd.s32 $0x60, s1;
	s31 =	simm.s32 $0x5EB0  }
0x156: {  	[hbm4b:s15+s3] =	stream.linear.scatter [tilespmem:s31], [sflag:$0xA], $0x80, $0x38;
	[tilespmem:$0x8600] =	vst v63  }
0x157: {  	s1 =	sadd.s32 $0x70, s1;
	s31 =	simm.s32 $0x5F38  }
0x158: {  	[hbm4b:s1+s3] =	stream.linear.scatter [tilespmem:s31], [sflag:$0xA], $0x80, $0x38;
	[tilespmem:$0x8600] =	vst v63  }
0x159: {  	s11 =	simm.s32 $0x5FC0;
	s0 =	sadd.s32 s0, s14  }
0x15a: {  	[hbm4b:s0+s3] =	stream.linear.scatter [tilespmem:s11], [sflag:$0xA], $0x80, $0x38;
	[tilespmem:$0x8600] =	vst v63  }
0x15b: {  	s15 =	sadd.s32 $0x10, s0;
	s31 =	simm.s32 $0x6048  }
0x15c: {  	[hbm4b:s15+s3] =	stream.linear.scatter [tilespmem:s31], [sflag:$0xA], $0x80, $0x38;
	[tilespmem:$0x8600] =	vst v63  }
0x15d: {  	s15 =	sadd.s32 $0x20, s0;
	s31 =	simm.s32 $0x60D0  }
0x15e: {  	[hbm4b:s15+s3] =	stream.linear.scatter [tilespmem:s31], [sflag:$0xA], $0x80, $0x38;
	[tilespmem:$0x8600] =	vst v63  }
0x15f: {  	s15 =	sadd.s32 $0x30, s0;
	s31 =	simm.s32 $0x6158  }
0x160: {  	[hbm4b:s15+s3] =	stream.linear.scatter [tilespmem:s31], [sflag:$0xA], $0x80, $0x38;
	[tilespmem:$0x8600] =	vst v63  }
0x161: {  	s15 =	sadd.s32 $0x40, s0;
	s31 =	simm.s32 $0x61E0  }
0x162: {  	[hbm4b:s15+s3] =	stream.linear.scatter [tilespmem:s31], [sflag:$0xA], $0x80, $0x38;
	[tilespmem:$0x8600] =	vst v63  }
0x163: {  	s15 =	sadd.s32 $0x50, s0;
	s31 =	simm.s32 $0x6268  }
0x164: {  	[hbm4b:s15+s3] =	stream.linear.scatter [tilespmem:s31], [sflag:$0xA], $0x80, $0x38;
	[tilespmem:$0x8600] =	vst v63  }
0x165: {  	s15 =	sadd.s32 $0x60, s0;
	s31 =	simm.s32 $0x62F0  }
0x166: {  	[hbm4b:s15+s3] =	stream.linear.scatter [tilespmem:s31], [sflag:$0xA], $0x80, $0x38;
	[tilespmem:$0x8600] =	vst v63  }
0x167: {  	s0 =	sadd.s32 $0x70, s0;
	s15 =	simm.s32 $0x6378  }
0x168: {  	[hbm4b:s0+s3] =	stream.linear.scatter [tilespmem:s15], [sflag:$0xA], $0x80, $0x38;
	[tilespmem:$0x8600] =	vst v63  }
0x169: {  	s0 =	sadd.s32 @!p0 s22, s16  }
0x16a: {  	_ =	swait.ge [sflag:s23], $0x1000;
	s0 =	sshll.u32 @!p0 s0, $0x4  }
0x16b: {  	s1 =	simm.s32 @!p0 $0x0;
	[sflag:s23] =	ssyncset.done $0x0;
	s0 =	sand.u32 @!p0 $0x1FFFFFE0, s0  }
0x16c: {  	s11 =	simm.s32 @!p0 $0x100;
	[sflag:s23] =	ssyncadd.s32 $0xFFFFF000;
	s0 =	sadd.s32 @!p0 s5, s0  }
0x16d: {  	[tilespmem:s11], [sflag:$0x3] =	stream.linear.gather @!p0 [hbm4b:s0+s1], $0x80, $0x38;
	[tilespmem:$0x8600] =	vst v63  }
0x16e: {  	s0 =	simm.s32 @!p0 $0x9  }
0x16f: {  	_ =	swait.ge @!p0 [sflag:s0], $0x400  }
0x170: {  	[sflag:s0] =	ssyncset.done @!p0 $0x0  }
0x171: {  	[sflag:s0] =	ssyncadd.s32 @!p0 $0xFFFFFC00  }
0x172: {  	_ =	swait.ge @!p0 [sflag:s0], $0x400  }
0x173: {  	[sflag:s0] =	ssyncset.done @!p0 $0x0  }
0x174: {  	[sflag:s0] =	ssyncadd.s32 @!p0 $0xFFFFFC00  }
0x175: {  	_ =	swait.ge @!p0 [sflag:s0], $0x400  }
0x176: {  	[sflag:s0] =	ssyncset.done @!p0 $0x0  }
0x177: {  	[sflag:s0] =	ssyncadd.s32 @!p0 $0xFFFFFC00  }
0x178: {  	_ =	swait.ge @!p0 [sflag:s0], $0x400  }
0x179: {  	[sflag:s0] =	ssyncset.done @!p0 $0x0  }
0x17a: {  	[sflag:s0] =	ssyncadd.s32 @!p0 $0xFFFFFC00;
	s0 =	simm.s32 @!p0 $0x1  }
0x17b: {  	_ =	swait.ge @!p0 [sflag:s0], $0x80  }
0x17c: {  	s31 =	simm.s32 $0x0;
	[sflag:s0] =	ssyncset.done @!p0 $0x0  }
0x17d: {  	s11 =	simm.s32 @!p0 $0x200;
	[sflag:s0] =	ssyncadd.s32 @!p0 $0xFFFFFF80;
	s0 =	simm.s32 @!p0 $0x80  }
0x17e: {  	v2 =	vmov s31;
	[tilespmem:s11], [sflag:$0x5] =	stream.indirect.gather @!p0 [hbm4b:s4+s0], $0x20, s1, s0, $0xb8;
	[tilespmem:$0x8600] =	vst v63  }
0x17f: {  	v2 =	vand.u32 $0x7C, v2;
	s0 =	simm.s32 $0x2270  }
0x180: {  	v4 =	vadd.s32 v0, v2;
	v3 =	vld [tilespmem:s0+$0xFFFFFF90];
	_ =	sdelay $0x4  }
0x181: {  	[tilespmem:v4+s20+$0x0] =	vst.idx.msk $0xffff, v3  }
0x182: {  	v2 =	vadd.s32 v1, v2;
	v3 =	vld [tilespmem:s0+$0xFFFFFFA0];
	_ =	sdelay $0x2  }
0x183: {  	s11 =	simm.s32 $0x1  }
0x184: {  	v4 =	vmov s11  }
0x185: {  	[tilespmem:v2+s20+$0x0] =	vst.idx.msk $0xffff, v3;
	v2 =	vand.u32 $0x7D, v4  }
0x186: {  	v3 =	vld [tilespmem:s0+$0xFFFFFFB0];
	v4 =	vadd.s32 v0, v2;
	_ =	sdelay $0x4  }
0x187: {  	[tilespmem:v4+s20+$0x0] =	vst.idx.msk $0xffff, v3  }
0x188: {  	v2 =	vadd.s32 v1, v2;
	v3 =	vld [tilespmem:s0+$0xFFFFFFC0];
	_ =	sdelay $0x2  }
0x189: {  	s15 =	simm.s32 $0x2  }
0x18a: {  	v4 =	vmov s15  }
0x18b: {  	[tilespmem:v2+s20+$0x0] =	vst.idx.msk $0xffff, v3;
	v2 =	vand.u32 $0x7E, v4  }
0x18c: {  	v3 =	vld [tilespmem:s0+$0xFFFFFFD0];
	v4 =	vadd.s32 v0, v2;
	_ =	sdelay $0x4  }
0x18d: {  	[tilespmem:v4+s20+$0x0] =	vst.idx.msk $0xffff, v3  }
0x18e: {  	v2 =	vadd.s32 v1, v2;
	v3 =	vld [tilespmem:s0+$0xFFFFFFE0];
	_ =	sdelay $0x2  }
0x18f: {  	s31 =	simm.s32 $0x3  }
0x190: {  	v4 =	vmov s31  }
0x191: {  	[tilespmem:v2+s20+$0x0] =	vst.idx.msk $0xffff, v3;
	v3 =	vand.u32 $0x7F, v4  }
0x192: {  	v2 =	vld [tilespmem:s0+$0xFFFFFFF0];
	v4 =	vadd.s32 v0, v3;
	_ =	sdelay $0x4  }
0x193: {  	[tilespmem:v4+s20+$0x0] =	vst.idx.msk $0xffff, v2  }
0x194: {  	v3 =	vadd.s32 v1, v3;
	v2 =	vld [tilespmem:s0+$0x0];
	_ =	sdelay $0x2  }
0x195: {  	s1 =	simm.s32 $0x4  }
0x196: {  	s11 =	simm.s32 $0x8;
	v4 =	vmov s1  }
.LBB2_10:
0x197: {  	p1 =	sne.s32 s11, $0x7C;
	v4 =	vand.u32 $0x7C, v4;
	[tilespmem:v3+s20+$0x0] =	vst.idx.msk $0xffff, v2;
	s0 =	sadd.s32 $0x80, s0  }
0x198: {  	v2 =	vld [tilespmem:s0+$0xFFFFFF90];
	v3 =	vadd.s32 v0, v4;
	_ =	sdelay $0x4  }
0x199: {  	[tilespmem:v3+s20+$0x0] =	vst.idx.msk $0xffff, v2  }
0x19a: {  	v3 =	vadd.s32 v1, v4;
	v2 =	vld [tilespmem:s0+$0xFFFFFFA0];
	_ =	sdelay $0x2  }
0x19b: {  	s15 =	sadd.s32 $0x1, s1  }
0x19c: {  	v4 =	vmov s15  }
0x19d: {  	[tilespmem:v3+s20+$0x0] =	vst.idx.msk $0xffff, v2;
	v2 =	vand.u32 $0x7D, v4  }
0x19e: {  	v3 =	vld [tilespmem:s0+$0xFFFFFFB0];
	v4 =	vadd.s32 v0, v2;
	_ =	sdelay $0x4  }
0x19f: {  	[tilespmem:v4+s20+$0x0] =	vst.idx.msk $0xffff, v3  }
0x1a0: {  	v2 =	vadd.s32 v1, v2;
	v3 =	vld [tilespmem:s0+$0xFFFFFFC0];
	_ =	sdelay $0x2  }
0x1a1: {  	s15 =	sadd.s32 $0x2, s1  }
0x1a2: {  	v4 =	vmov s15  }
0x1a3: {  	[tilespmem:v2+s20+$0x0] =	vst.idx.msk $0xffff, v3;
	v2 =	vand.u32 $0x7E, v4  }
0x1a4: {  	v3 =	vld [tilespmem:s0+$0xFFFFFFD0];
	v4 =	vadd.s32 v0, v2;
	_ =	sdelay $0x4  }
0x1a5: {  	[tilespmem:v4+s20+$0x0] =	vst.idx.msk $0xffff, v3  }
0x1a6: {  	v2 =	vadd.s32 v1, v2;
	v3 =	vld [tilespmem:s0+$0xFFFFFFE0];
	_ =	sdelay $0x2  }
0x1a7: {  	s15 =	sadd.s32 $0x3, s1;
	s1 =	smov.u32 s11  }
0x1a8: {  	v4 =	vmov s15  }
0x1a9: {  	[tilespmem:v2+s20+$0x0] =	vst.idx.msk $0xffff, v3;
	v3 =	vand.u32 $0x7F, v4  }
0x1aa: {  	v2 =	vld [tilespmem:s0+$0xFFFFFFF0];
	v4 =	vadd.s32 v0, v3;
	_ =	sdelay $0x4  }
0x1ab: {  	[tilespmem:v4+s20+$0x0] =	vst.idx.msk $0xffff, v2  }
.Ltmp4:
0x1ac: {  	v3 =	vadd.s32 v1, v3;
	v2 =	vld [tilespmem:s0+$0x0];
	(pc) =	sbr.rel @p1 .LBB2_10-.Ltmp4, $2  }
0x1ad: {  	_ =	sdelay $0x2  }
0x1ae: {  	s11 =	sadd.s32 $0x4, s11;
	v4 =	vmov s1  }
0x1af: {  	_ =	sdelay $0x3  }
0x1b0: {  	v4 =	vand.u32 $0x7C, v4;
	[tilespmem:v3+s20+$0x0] =	vst.idx.msk $0xffff, v2;
	s0 =	sadd.s32 $0x80, s0  }
0x1b1: {  	v2 =	vld [tilespmem:s0+$0xFFFFFF90];
	v3 =	vadd.s32 v0, v4;
	_ =	sdelay $0x4  }
0x1b2: {  	[tilespmem:v3+s20+$0x0] =	vst.idx.msk $0xffff, v2  }
0x1b3: {  	v3 =	vadd.s32 v1, v4;
	v2 =	vld [tilespmem:s0+$0xFFFFFFA0];
	_ =	sdelay $0x2  }
0x1b4: {  	s11 =	sadd.s32 $0x1, s1  }
0x1b5: {  	v4 =	vmov s11  }
0x1b6: {  	[tilespmem:v3+s20+$0x0] =	vst.idx.msk $0xffff, v2;
	v2 =	vand.u32 $0x7D, v4  }
0x1b7: {  	v3 =	vld [tilespmem:s0+$0xFFFFFFB0];
	v4 =	vadd.s32 v0, v2;
	_ =	sdelay $0x4  }
0x1b8: {  	[tilespmem:v4+s20+$0x0] =	vst.idx.msk $0xffff, v3  }
0x1b9: {  	v2 =	vadd.s32 v1, v2;
	v3 =	vld [tilespmem:s0+$0xFFFFFFC0];
	_ =	sdelay $0x2  }
0x1ba: {  	s31 =	sadd.s32 $0x2, s1  }
0x1bb: {  	v4 =	vmov s31  }
0x1bc: {  	[tilespmem:v2+s20+$0x0] =	vst.idx.msk $0xffff, v3;
	v2 =	vand.u32 $0x7E, v4  }
0x1bd: {  	v3 =	vld [tilespmem:s0+$0xFFFFFFD0];
	v4 =	vadd.s32 v0, v2;
	_ =	sdelay $0x4  }
0x1be: {  	[tilespmem:v4+s20+$0x0] =	vst.idx.msk $0xffff, v3  }
0x1bf: {  	v2 =	vadd.s32 v1, v2;
	v3 =	vld [tilespmem:s0+$0xFFFFFFE0];
	_ =	sdelay $0x2  }
0x1c0: {  	s11 =	sadd.s32 $0x3, s1  }
0x1c1: {  	v4 =	vmov s11  }
0x1c2: {  	[tilespmem:v2+s20+$0x0] =	vst.idx.msk $0xffff, v3;
	v2 =	vand.u32 $0x7F, v4  }
0x1c3: {  	v3 =	vld [tilespmem:s0+$0xFFFFFFF0];
	v4 =	vadd.s32 v0, v2;
	_ =	sdelay $0x4  }
0x1c4: {  	[tilespmem:v4+s20+$0x0] =	vst.idx.msk $0xffff, v3  }
0x1c5: {  	s15 =	sadd.s32 s6, s24;
	v2 =	vadd.s32 v1, v2;
	v3 =	vld [tilespmem:s0+$0x0]  }
0x1c6: {  	s24 =	sshll.u32 s15, $0xC;
	s0 =	sshll.u32 s15, $0xA  }
0x1c7: {  	s1 =	sand.u32 $0x7FF80000, s24;
	s0 =	sand.u32 $0x1F800, s0  }
0x1c8: {  	s0 =	sor.u32 s0, s1  }
0x1c9: {  	s0 =	sshrl.u32 s0, $0x3  }
0x1ca: {  	s1 =	sadd.s32 s2, s0;
	[tilespmem:v2+s20+$0x0] =	vst.idx.msk $0xffff, v3  }
0x1cb: {  	[hbm4b:s1+s3] =	stream.linear.scatter [tilespmem:s20], [sflag:$0xB], $0x80, $0x38;
	[tilespmem:$0x8600] =	vst v63  }
0x1cc: {  	s15 =	simm.s32 $0x6488;
	s31 =	sadd.s32 $0x10, s1  }
0x1cd: {  	[hbm4b:s31+s3] =	stream.linear.scatter [tilespmem:s15], [sflag:$0xB], $0x80, $0x38;
	[tilespmem:$0x8600] =	vst v63  }
0x1ce: {  	s24 =	sadd.s32 $0x20, s1;
	s31 =	simm.s32 $0x6510  }
0x1cf: {  	[hbm4b:s24+s3] =	stream.linear.scatter [tilespmem:s31], [sflag:$0xB], $0x80, $0x38;
	[tilespmem:$0x8600] =	vst v63  }
0x1d0: {  	s24 =	sadd.s32 $0x30, s1;
	s31 =	simm.s32 $0x6598  }
0x1d1: {  	[hbm4b:s24+s3] =	stream.linear.scatter [tilespmem:s31], [sflag:$0xB], $0x80, $0x38;
	[tilespmem:$0x8600] =	vst v63  }
0x1d2: {  	s24 =	sadd.s32 $0x40, s1;
	s31 =	simm.s32 $0x6620  }
0x1d3: {  	[hbm4b:s24+s3] =	stream.linear.scatter [tilespmem:s31], [sflag:$0xB], $0x80, $0x38;
	[tilespmem:$0x8600] =	vst v63  }
0x1d4: {  	s24 =	sadd.s32 $0x50, s1;
	s31 =	simm.s32 $0x66A8  }
0x1d5: {  	[hbm4b:s24+s3] =	stream.linear.scatter [tilespmem:s31], [sflag:$0xB], $0x80, $0x38;
	[tilespmem:$0x8600] =	vst v63  }
0x1d6: {  	s15 =	sadd.s32 $0x60, s1;
	s24 =	simm.s32 $0x6730  }
0x1d7: {  	[hbm4b:s15+s3] =	stream.linear.scatter [tilespmem:s24], [sflag:$0xB], $0x80, $0x38;
	[tilespmem:$0x8600] =	vst v63  }
0x1d8: {  	s1 =	sadd.s32 $0x70, s1;
	s31 =	simm.s32 $0x67B8  }
0x1d9: {  	[hbm4b:s1+s3] =	stream.linear.scatter [tilespmem:s31], [sflag:$0xB], $0x80, $0x38;
	[tilespmem:$0x8600] =	vst v63  }
0x1da: {  	s15 =	simm.s32 $0x6840;
	s1 =	sadd.s32 s0, s12  }
0x1db: {  	[hbm4b:s1+s3] =	stream.linear.scatter [tilespmem:s15], [sflag:$0xB], $0x80, $0x38;
	[tilespmem:$0x8600] =	vst v63  }
0x1dc: {  	s31 =	simm.s32 $0x68C8;
	s24 =	sadd.s32 $0x10, s1  }
0x1dd: {  	[hbm4b:s24+s3] =	stream.linear.scatter [tilespmem:s31], [sflag:$0xB], $0x80, $0x38;
	[tilespmem:$0x8600] =	vst v63  }
0x1de: {  	s24 =	sadd.s32 $0x20, s1;
	s31 =	simm.s32 $0x6950  }
0x1df: {  	[hbm4b:s24+s3] =	stream.linear.scatter [tilespmem:s31], [sflag:$0xB], $0x80, $0x38;
	[tilespmem:$0x8600] =	vst v63  }
0x1e0: {  	s24 =	sadd.s32 $0x30, s1;
	s31 =	simm.s32 $0x69D8  }
0x1e1: {  	[hbm4b:s24+s3] =	stream.linear.scatter [tilespmem:s31], [sflag:$0xB], $0x80, $0x38;
	[tilespmem:$0x8600] =	vst v63  }
0x1e2: {  	s24 =	sadd.s32 $0x40, s1;
	s31 =	simm.s32 $0x6A60  }
0x1e3: {  	[hbm4b:s24+s3] =	stream.linear.scatter [tilespmem:s31], [sflag:$0xB], $0x80, $0x38;
	[tilespmem:$0x8600] =	vst v63  }
0x1e4: {  	s24 =	sadd.s32 $0x50, s1;
	s31 =	simm.s32 $0x6AE8  }
0x1e5: {  	[hbm4b:s24+s3] =	stream.linear.scatter [tilespmem:s31], [sflag:$0xB], $0x80, $0x38;
	[tilespmem:$0x8600] =	vst v63  }
0x1e6: {  	s15 =	sadd.s32 $0x60, s1;
	s24 =	simm.s32 $0x6B70  }
0x1e7: {  	[hbm4b:s15+s3] =	stream.linear.scatter [tilespmem:s24], [sflag:$0xB], $0x80, $0x38;
	[tilespmem:$0x8600] =	vst v63  }
0x1e8: {  	s1 =	sadd.s32 $0x70, s1;
	s31 =	simm.s32 $0x6BF8  }
0x1e9: {  	[hbm4b:s1+s3] =	stream.linear.scatter [tilespmem:s31], [sflag:$0xB], $0x80, $0x38;
	[tilespmem:$0x8600] =	vst v63  }
0x1ea: {  	s15 =	simm.s32 $0x6C80;
	s1 =	sadd.s32 s0, s13  }
0x1eb: {  	[hbm4b:s1+s3] =	stream.linear.scatter [tilespmem:s15], [sflag:$0xB], $0x80, $0x38;
	[tilespmem:$0x8600] =	vst v63  }
0x1ec: {  	s31 =	simm.s32 $0x6D08;
	s24 =	sadd.s32 $0x10, s1  }
0x1ed: {  	[hbm4b:s24+s3] =	stream.linear.scatter [tilespmem:s31], [sflag:$0xB], $0x80, $0x38;
	[tilespmem:$0x8600] =	vst v63  }
0x1ee: {  	s24 =	sadd.s32 $0x20, s1;
	s31 =	simm.s32 $0x6D90  }
0x1ef: {  	[hbm4b:s24+s3] =	stream.linear.scatter [tilespmem:s31], [sflag:$0xB], $0x80, $0x38;
	[tilespmem:$0x8600] =	vst v63  }
0x1f0: {  	s24 =	sadd.s32 $0x30, s1;
	s31 =	simm.s32 $0x6E18  }
0x1f1: {  	[hbm4b:s24+s3] =	stream.linear.scatter [tilespmem:s31], [sflag:$0xB], $0x80, $0x38;
	[tilespmem:$0x8600] =	vst v63  }
0x1f2: {  	s24 =	sadd.s32 $0x40, s1;
	s31 =	simm.s32 $0x6EA0  }
0x1f3: {  	[hbm4b:s24+s3] =	stream.linear.scatter [tilespmem:s31], [sflag:$0xB], $0x80, $0x38;
	[tilespmem:$0x8600] =	vst v63  }
0x1f4: {  	s24 =	sadd.s32 $0x50, s1;
	s31 =	simm.s32 $0x6F28  }
0x1f5: {  	[hbm4b:s24+s3] =	stream.linear.scatter [tilespmem:s31], [sflag:$0xB], $0x80, $0x38;
	[tilespmem:$0x8600] =	vst v63  }
0x1f6: {  	s24 =	sadd.s32 $0x60, s1;
	s31 =	simm.s32 $0x6FB0  }
0x1f7: {  	[hbm4b:s24+s3] =	stream.linear.scatter [tilespmem:s31], [sflag:$0xB], $0x80, $0x38;
	[tilespmem:$0x8600] =	vst v63  }
0x1f8: {  	s1 =	sadd.s32 $0x70, s1;
	s24 =	simm.s32 $0x7038  }
0x1f9: {  	[hbm4b:s1+s3] =	stream.linear.scatter [tilespmem:s24], [sflag:$0xB], $0x80, $0x38;
	[tilespmem:$0x8600] =	vst v63  }
0x1fa: {  	s0 =	sadd.s32 s0, s14;
	s31 =	simm.s32 $0x70C0  }
0x1fb: {  	[hbm4b:s0+s3] =	stream.linear.scatter [tilespmem:s31], [sflag:$0xB], $0x80, $0x38;
	[tilespmem:$0x8600] =	vst v63  }
0x1fc: {  	s11 =	sadd.s32 $0x10, s0;
	s15 =	simm.s32 $0x7148  }
0x1fd: {  	[hbm4b:s11+s3] =	stream.linear.scatter [tilespmem:s15], [sflag:$0xB], $0x80, $0x38;
	[tilespmem:$0x8600] =	vst v63  }
0x1fe: {  	s24 =	sadd.s32 $0x20, s0;
	s31 =	simm.s32 $0x71D0  }
0x1ff: {  	[hbm4b:s24+s3] =	stream.linear.scatter [tilespmem:s31], [sflag:$0xB], $0x80, $0x38;
	[tilespmem:$0x8600] =	vst v63  }
0x200: {  	s11 =	sadd.s32 $0x30, s0;
	s15 =	simm.s32 $0x7258  }
0x201: {  	[hbm4b:s11+s3] =	stream.linear.scatter [tilespmem:s15], [sflag:$0xB], $0x80, $0x38;
	[tilespmem:$0x8600] =	vst v63  }
0x202: {  	s24 =	sadd.s32 $0x40, s0;
	s31 =	simm.s32 $0x72E0  }
0x203: {  	[hbm4b:s24+s3] =	stream.linear.scatter [tilespmem:s31], [sflag:$0xB], $0x80, $0x38;
	[tilespmem:$0x8600] =	vst v63  }
0x204: {  	s11 =	sadd.s32 $0x50, s0;
	s15 =	simm.s32 $0x7368  }
0x205: {  	[hbm4b:s11+s3] =	stream.linear.scatter [tilespmem:s15], [sflag:$0xB], $0x80, $0x38;
	[tilespmem:$0x8600] =	vst v63  }
0x206: {  	s24 =	sadd.s32 $0x60, s0;
	s31 =	simm.s32 $0x73F0  }
0x207: {  	[hbm4b:s24+s3] =	stream.linear.scatter [tilespmem:s31], [sflag:$0xB], $0x80, $0x38;
	[tilespmem:$0x8600] =	vst v63  }
0x208: {  	s0 =	sadd.s32 $0x70, s0;
	s11 =	simm.s32 $0x7478  }
0x209: {  	[hbm4b:s0+s3] =	stream.linear.scatter [tilespmem:s11], [sflag:$0xB], $0x80, $0x38;
	[tilespmem:$0x8600] =	vst v63  }
0x20a: {  	s0 =	sadd.s32 @!p0 s22, s17  }
0x20b: {  	_ =	swait.ge [sflag:s21], $0x1000;
	s0 =	sshll.u32 @!p0 s0, $0x4  }
0x20c: {  	s1 =	simm.s32 @!p0 $0x0;
	[sflag:s21] =	ssyncset.done $0x0;
	s0 =	sand.u32 @!p0 $0x1FFFFFF0, s0  }
0x20d: {  	s11 =	simm.s32 @!p0 $0x180;
	[sflag:s21] =	ssyncadd.s32 $0xFFFFF000;
	s0 =	sadd.s32 @!p0 s5, s0  }
0x20e: {  	[tilespmem:s11], [sflag:$0x4] =	stream.linear.gather @!p0 [hbm4b:s0+s1], $0x80, $0x38;
	[tilespmem:$0x8600] =	vst v63  }
0x20f: {  	s0 =	simm.s32 @!p0 $0xA  }
0x210: {  	_ =	swait.ge @!p0 [sflag:s0], $0x400  }
0x211: {  	[sflag:s0] =	ssyncset.done @!p0 $0x0  }
0x212: {  	[sflag:s0] =	ssyncadd.s32 @!p0 $0xFFFFFC00  }
0x213: {  	_ =	swait.ge @!p0 [sflag:s0], $0x400  }
0x214: {  	[sflag:s0] =	ssyncset.done @!p0 $0x0  }
0x215: {  	[sflag:s0] =	ssyncadd.s32 @!p0 $0xFFFFFC00  }
0x216: {  	_ =	swait.ge @!p0 [sflag:s0], $0x400  }
0x217: {  	[sflag:s0] =	ssyncset.done @!p0 $0x0  }
0x218: {  	[sflag:s0] =	ssyncadd.s32 @!p0 $0xFFFFFC00  }
0x219: {  	_ =	swait.ge @!p0 [sflag:s0], $0x400  }
0x21a: {  	[sflag:s0] =	ssyncset.done @!p0 $0x0  }
0x21b: {  	[sflag:s0] =	ssyncadd.s32 @!p0 $0xFFFFFC00;
	s0 =	simm.s32 @!p0 $0x2  }
0x21c: {  	_ =	swait.ge @!p0 [sflag:s0], $0x80  }
0x21d: {  	s15 =	simm.s32 $0x0;
	[sflag:s0] =	ssyncset.done @!p0 $0x0  }
0x21e: {  	s1 =	simm.s32 @!p0 $0x1200;
	[sflag:s0] =	ssyncadd.s32 @!p0 $0xFFFFFF80;
	s0 =	simm.s32 @!p0 $0x80  }
0x21f: {  	v2 =	vmov s15;
	[tilespmem:s1], [sflag:$0x6] =	stream.indirect.gather @!p0 [hbm4b:s4+s0], $0x20, s0, s0, $0xb8;
	[tilespmem:$0x8600] =	vst v63  }
0x220: {  	v2 =	vand.u32 $0x7C, v2;
	s0 =	simm.s32 $0x3270  }
0x221: {  	v4 =	vadd.s32 v0, v2;
	v3 =	vld [tilespmem:s0+$0xFFFFFF90];
	_ =	sdelay $0x4  }
0x222: {  	[tilespmem:v4+s10+$0x0] =	vst.idx.msk $0xffff, v3  }
0x223: {  	v2 =	vadd.s32 v1, v2;
	v3 =	vld [tilespmem:s0+$0xFFFFFFA0];
	_ =	sdelay $0x2  }
0x224: {  	s22 =	simm.s32 $0x1  }
0x225: {  	v4 =	vmov s22  }
0x226: {  	[tilespmem:v2+s10+$0x0] =	vst.idx.msk $0xffff, v3;
	v2 =	vand.u32 $0x7D, v4  }
0x227: {  	v3 =	vld [tilespmem:s0+$0xFFFFFFB0];
	v4 =	vadd.s32 v0, v2;
	_ =	sdelay $0x4  }
0x228: {  	[tilespmem:v4+s10+$0x0] =	vst.idx.msk $0xffff, v3  }
0x229: {  	v2 =	vadd.s32 v1, v2;
	v3 =	vld [tilespmem:s0+$0xFFFFFFC0];
	_ =	sdelay $0x2  }
0x22a: {  	s24 =	simm.s32 $0x2  }
0x22b: {  	v4 =	vmov s24  }
0x22c: {  	[tilespmem:v2+s10+$0x0] =	vst.idx.msk $0xffff, v3;
	v2 =	vand.u32 $0x7E, v4  }
0x22d: {  	v3 =	vld [tilespmem:s0+$0xFFFFFFD0];
	v4 =	vadd.s32 v0, v2;
	_ =	sdelay $0x4  }
0x22e: {  	[tilespmem:v4+s10+$0x0] =	vst.idx.msk $0xffff, v3  }
0x22f: {  	v2 =	vadd.s32 v1, v2;
	v3 =	vld [tilespmem:s0+$0xFFFFFFE0];
	_ =	sdelay $0x2  }
0x230: {  	s31 =	simm.s32 $0x3  }
0x231: {  	v4 =	vmov s31  }
0x232: {  	[tilespmem:v2+s10+$0x0] =	vst.idx.msk $0xffff, v3;
	v3 =	vand.u32 $0x7F, v4  }
0x233: {  	v2 =	vld [tilespmem:s0+$0xFFFFFFF0];
	v4 =	vadd.s32 v0, v3;
	_ =	sdelay $0x4  }
0x234: {  	[tilespmem:v4+s10+$0x0] =	vst.idx.msk $0xffff, v2  }
0x235: {  	v3 =	vadd.s32 v1, v3;
	v2 =	vld [tilespmem:s0+$0x0];
	_ =	sdelay $0x2  }
0x236: {  	s1 =	simm.s32 $0x4  }
0x237: {  	s11 =	simm.s32 $0x8;
	v4 =	vmov s1  }
.LBB2_12:
0x238: {  	p0 =	sne.s32 s11, $0x7C;
	v4 =	vand.u32 $0x7C, v4;
	[tilespmem:v3+s10+$0x0] =	vst.idx.msk $0xffff, v2;
	s0 =	sadd.s32 $0x80, s0  }
0x239: {  	v2 =	vld [tilespmem:s0+$0xFFFFFF90];
	v3 =	vadd.s32 v0, v4;
	_ =	sdelay $0x4  }
0x23a: {  	[tilespmem:v3+s10+$0x0] =	vst.idx.msk $0xffff, v2  }
0x23b: {  	v3 =	vadd.s32 v1, v4;
	v2 =	vld [tilespmem:s0+$0xFFFFFFA0];
	_ =	sdelay $0x2  }
0x23c: {  	s15 =	sadd.s32 $0x1, s1  }
0x23d: {  	v4 =	vmov s15  }
0x23e: {  	[tilespmem:v3+s10+$0x0] =	vst.idx.msk $0xffff, v2;
	v2 =	vand.u32 $0x7D, v4  }
0x23f: {  	v3 =	vld [tilespmem:s0+$0xFFFFFFB0];
	v4 =	vadd.s32 v0, v2;
	_ =	sdelay $0x4  }
0x240: {  	[tilespmem:v4+s10+$0x0] =	vst.idx.msk $0xffff, v3  }
0x241: {  	v2 =	vadd.s32 v1, v2;
	v3 =	vld [tilespmem:s0+$0xFFFFFFC0];
	_ =	sdelay $0x2  }
0x242: {  	s15 =	sadd.s32 $0x2, s1  }
0x243: {  	v4 =	vmov s15  }
0x244: {  	[tilespmem:v2+s10+$0x0] =	vst.idx.msk $0xffff, v3;
	v2 =	vand.u32 $0x7E, v4  }
0x245: {  	v3 =	vld [tilespmem:s0+$0xFFFFFFD0];
	v4 =	vadd.s32 v0, v2;
	_ =	sdelay $0x4  }
0x246: {  	[tilespmem:v4+s10+$0x0] =	vst.idx.msk $0xffff, v3  }
0x247: {  	v2 =	vadd.s32 v1, v2;
	v3 =	vld [tilespmem:s0+$0xFFFFFFE0];
	_ =	sdelay $0x2  }
0x248: {  	s15 =	sadd.s32 $0x3, s1;
	s1 =	smov.u32 s11  }
0x249: {  	v4 =	vmov s15  }
0x24a: {  	[tilespmem:v2+s10+$0x0] =	vst.idx.msk $0xffff, v3;
	v3 =	vand.u32 $0x7F, v4  }
0x24b: {  	v2 =	vld [tilespmem:s0+$0xFFFFFFF0];
	v4 =	vadd.s32 v0, v3;
	_ =	sdelay $0x4  }
0x24c: {  	[tilespmem:v4+s10+$0x0] =	vst.idx.msk $0xffff, v2  }
.Ltmp5:
0x24d: {  	v3 =	vadd.s32 v1, v3;
	v2 =	vld [tilespmem:s0+$0x0];
	(pc) =	sbr.rel @p0 .LBB2_12-.Ltmp5, $2  }
0x24e: {  	_ =	sdelay $0x2  }
0x24f: {  	s11 =	sadd.s32 $0x4, s11;
	v4 =	vmov s1  }
0x250: {  	_ =	sdelay $0x3  }
0x251: {  	v4 =	vand.u32 $0x7C, v4;
	[tilespmem:v3+s10+$0x0] =	vst.idx.msk $0xffff, v2;
	s0 =	sadd.s32 $0x80, s0  }
0x252: {  	v2 =	vld [tilespmem:s0+$0xFFFFFF90];
	v3 =	vadd.s32 v0, v4;
	_ =	sdelay $0x4  }
0x253: {  	[tilespmem:v3+s10+$0x0] =	vst.idx.msk $0xffff, v2  }
0x254: {  	v3 =	vadd.s32 v1, v4;
	v2 =	vld [tilespmem:s0+$0xFFFFFFA0];
	_ =	sdelay $0x2  }
0x255: {  	s11 =	sadd.s32 $0x1, s1  }
0x256: {  	v61 =	vmov s11  }
0x257: {  	[tilespmem:v3+s10+$0x0] =	vst.idx.msk $0xffff, v2;
	v2 =	vand.u32 $0x7D, v61  }
0x258: {  	v3 =	vld [tilespmem:s0+$0xFFFFFFB0];
	v4 =	vadd.s32 v0, v2;
	_ =	sdelay $0x4  }
0x259: {  	[tilespmem:v4+s10+$0x0] =	vst.idx.msk $0xffff, v3  }
0x25a: {  	v2 =	vadd.s32 v1, v2;
	v3 =	vld [tilespmem:s0+$0xFFFFFFC0];
	_ =	sdelay $0x2  }
0x25b: {  	s31 =	sadd.s32 $0x2, s1  }
0x25c: {  	v62 =	vmov s31  }
0x25d: {  	[tilespmem:v2+s10+$0x0] =	vst.idx.msk $0xffff, v3;
	v2 =	vand.u32 $0x7E, v62  }
0x25e: {  	v3 =	vld [tilespmem:s0+$0xFFFFFFD0];
	v4 =	vadd.s32 v0, v2;
	_ =	sdelay $0x4  }
0x25f: {  	[tilespmem:v4+s10+$0x0] =	vst.idx.msk $0xffff, v3  }
0x260: {  	v2 =	vadd.s32 v1, v2;
	v3 =	vld [tilespmem:s0+$0xFFFFFFE0];
	_ =	sdelay $0x2  }
0x261: {  	s11 =	sadd.s32 $0x3, s1  }
0x262: {  	v63 =	vmov s11  }
0x263: {  	[tilespmem:v2+s10+$0x0] =	vst.idx.msk $0xffff, v3;
	v2 =	vand.u32 $0x7F, v63  }
0x264: {  	v3 =	vld [tilespmem:s0+$0xFFFFFFF0];
	v4 =	vadd.s32 v0, v2;
	_ =	sdelay $0x4  }
0x265: {  	[tilespmem:v4+s10+$0x0] =	vst.idx.msk $0xffff, v3  }
0x266: {  	v2 =	vadd.s32 v1, v2;
	v3 =	vld [tilespmem:s0+$0x0]  }
0x267: {  	s15 =	sadd.s32 s6, s29  }
0x268: {  	s22 =	sshll.u32 s15, $0x9;
	s0 =	sshll.u32 s15, $0x7  }
0x269: {  	s1 =	sand.u32 $0xFFF0000, s22;
	s0 =	sand.u32 $0x3F80, s0  }
0x26a: {  	s0 =	sor.u32 s0, s1  }
0x26b: {  	s1 =	sadd.s32 s2, s0;
	[tilespmem:v2+s10+$0x0] =	vst.idx.msk $0xffff, v3  }
0x26c: {  	[hbm4b:s1+s3] =	stream.linear.scatter [tilespmem:s10], [sflag:$0xC], $0x80, $0x38;
	[tilespmem:$0x8600] =	vst v63  }
0x26d: {  	s15 =	simm.s32 $0x7588;
	s24 =	sadd.s32 $0x10, s1  }
0x26e: {  	[hbm4b:s24+s3] =	stream.linear.scatter [tilespmem:s15], [sflag:$0xC], $0x80, $0x38;
	[tilespmem:$0x8600] =	vst v63  }
0x26f: {  	s31 =	simm.s32 $0x7610;
	s29 =	sadd.s32 $0x20, s1  }
0x270: {  	[hbm4b:s29+s3] =	stream.linear.scatter [tilespmem:s31], [sflag:$0xC], $0x80, $0x38;
	[tilespmem:$0x8600] =	vst v63  }
0x271: {  	s22 =	sadd.s32 $0x30, s1;
	s24 =	simm.s32 $0x7698  }
0x272: {  	[hbm4b:s22+s3] =	stream.linear.scatter [tilespmem:s24], [sflag:$0xC], $0x80, $0x38;
	[tilespmem:$0x8600] =	vst v63  }
0x273: {  	s29 =	sadd.s32 $0x40, s1;
	s31 =	simm.s32 $0x7720  }
0x274: {  	[hbm4b:s29+s3] =	stream.linear.scatter [tilespmem:s31], [sflag:$0xC], $0x80, $0x38;
	[tilespmem:$0x8600] =	vst v63  }
0x275: {  	s15 =	sadd.s32 $0x50, s1;
	s22 =	simm.s32 $0x77A8  }
0x276: {  	[hbm4b:s15+s3] =	stream.linear.scatter [tilespmem:s22], [sflag:$0xC], $0x80, $0x38;
	[tilespmem:$0x8600] =	vst v63  }
0x277: {  	s24 =	sadd.s32 $0x60, s1;
	s29 =	simm.s32 $0x7830  }
0x278: {  	[hbm4b:s24+s3] =	stream.linear.scatter [tilespmem:s29], [sflag:$0xC], $0x80, $0x38;
	[tilespmem:$0x8600] =	vst v63  }
0x279: {  	s1 =	sadd.s32 $0x70, s1;
	s31 =	simm.s32 $0x78B8  }
0x27a: {  	[hbm4b:s1+s3] =	stream.linear.scatter [tilespmem:s31], [sflag:$0xC], $0x80, $0x38;
	[tilespmem:$0x8600] =	vst v63  }
0x27b: {  	s15 =	simm.s32 $0x7940;
	s1 =	sadd.s32 s0, s12  }
0x27c: {  	[hbm4b:s1+s3] =	stream.linear.scatter [tilespmem:s15], [sflag:$0xC], $0x80, $0x38;
	[tilespmem:$0x8600] =	vst v63  }
0x27d: {  	s24 =	simm.s32 $0x79C8;
	s22 =	sadd.s32 $0x10, s1  }
0x27e: {  	[hbm4b:s22+s3] =	stream.linear.scatter [tilespmem:s24], [sflag:$0xC], $0x80, $0x38;
	[tilespmem:$0x8600] =	vst v63  }
0x27f: {  	s31 =	simm.s32 $0x7A50;
	s29 =	sadd.s32 $0x20, s1  }
0x280: {  	[hbm4b:s29+s3] =	stream.linear.scatter [tilespmem:s31], [sflag:$0xC], $0x80, $0x38;
	[tilespmem:$0x8600] =	vst v63  }
0x281: {  	s22 =	sadd.s32 $0x30, s1;
	s24 =	simm.s32 $0x7AD8  }
0x282: {  	[hbm4b:s22+s3] =	stream.linear.scatter [tilespmem:s24], [sflag:$0xC], $0x80, $0x38;
	[tilespmem:$0x8600] =	vst v63  }
0x283: {  	s29 =	sadd.s32 $0x40, s1;
	s31 =	simm.s32 $0x7B60  }
0x284: {  	[hbm4b:s29+s3] =	stream.linear.scatter [tilespmem:s31], [sflag:$0xC], $0x80, $0x38;
	[tilespmem:$0x8600] =	vst v63  }
0x285: {  	s15 =	sadd.s32 $0x50, s1;
	s22 =	simm.s32 $0x7BE8  }
0x286: {  	[hbm4b:s15+s3] =	stream.linear.scatter [tilespmem:s22], [sflag:$0xC], $0x80, $0x38;
	[tilespmem:$0x8600] =	vst v63  }
0x287: {  	s24 =	sadd.s32 $0x60, s1;
	s29 =	simm.s32 $0x7C70  }
0x288: {  	[hbm4b:s24+s3] =	stream.linear.scatter [tilespmem:s29], [sflag:$0xC], $0x80, $0x38;
	[tilespmem:$0x8600] =	vst v63  }
0x289: {  	s1 =	sadd.s32 $0x70, s1;
	s31 =	simm.s32 $0x7CF8  }
0x28a: {  	[hbm4b:s1+s3] =	stream.linear.scatter [tilespmem:s31], [sflag:$0xC], $0x80, $0x38;
	[tilespmem:$0x8600] =	vst v63  }
0x28b: {  	s15 =	simm.s32 $0x7D80;
	s1 =	sadd.s32 s0, s13  }
0x28c: {  	[hbm4b:s1+s3] =	stream.linear.scatter [tilespmem:s15], [sflag:$0xC], $0x80, $0x38;
	[tilespmem:$0x8600] =	vst v63  }
0x28d: {  	s24 =	simm.s32 $0x7E08;
	s22 =	sadd.s32 $0x10, s1  }
0x28e: {  	[hbm4b:s22+s3] =	stream.linear.scatter [tilespmem:s24], [sflag:$0xC], $0x80, $0x38;
	[tilespmem:$0x8600] =	vst v63  }
0x28f: {  	s31 =	simm.s32 $0x7E90;
	s29 =	sadd.s32 $0x20, s1  }
0x290: {  	[hbm4b:s29+s3] =	stream.linear.scatter [tilespmem:s31], [sflag:$0xC], $0x80, $0x38;
	[tilespmem:$0x8600] =	vst v63  }
0x291: {  	s22 =	sadd.s32 $0x30, s1;
	s24 =	simm.s32 $0x7F18  }
0x292: {  	[hbm4b:s22+s3] =	stream.linear.scatter [tilespmem:s24], [sflag:$0xC], $0x80, $0x38;
	[tilespmem:$0x8600] =	vst v63  }
0x293: {  	s29 =	sadd.s32 $0x40, s1;
	s31 =	simm.s32 $0x7FA0  }
0x294: {  	[hbm4b:s29+s3] =	stream.linear.scatter [tilespmem:s31], [sflag:$0xC], $0x80, $0x38;
	[tilespmem:$0x8600] =	vst v63  }
0x295: {  	s22 =	sadd.s32 $0x50, s1;
	s24 =	simm.s32 $0x8028  }
0x296: {  	[hbm4b:s22+s3] =	stream.linear.scatter [tilespmem:s24], [sflag:$0xC], $0x80, $0x38;
	[tilespmem:$0x8600] =	vst v63  }
0x297: {  	s29 =	sadd.s32 $0x60, s1;
	s31 =	simm.s32 $0x80B0  }
0x298: {  	[hbm4b:s29+s3] =	stream.linear.scatter [tilespmem:s31], [sflag:$0xC], $0x80, $0x38;
	[tilespmem:$0x8600] =	vst v63  }
0x299: {  	s1 =	sadd.s32 $0x70, s1;
	s22 =	simm.s32 $0x8138  }
0x29a: {  	[hbm4b:s1+s3] =	stream.linear.scatter [tilespmem:s22], [sflag:$0xC], $0x80, $0x38;
	[tilespmem:$0x8600] =	vst v63  }
0x29b: {  	s0 =	sadd.s32 s0, s14;
	s24 =	simm.s32 $0x81C0  }
0x29c: {  	[hbm4b:s0+s3] =	stream.linear.scatter [tilespmem:s24], [sflag:$0xC], $0x80, $0x38;
	[tilespmem:$0x8600] =	vst v63  }
0x29d: {  	s29 =	sadd.s32 $0x10, s0;
	s31 =	simm.s32 $0x8248  }
0x29e: {  	[hbm4b:s29+s3] =	stream.linear.scatter [tilespmem:s31], [sflag:$0xC], $0x80, $0x38;
	[tilespmem:$0x8600] =	vst v63  }
0x29f: {  	s11 =	sadd.s32 $0x20, s0;
	s15 =	simm.s32 $0x82D0  }
0x2a0: {  	[hbm4b:s11+s3] =	stream.linear.scatter [tilespmem:s15], [sflag:$0xC], $0x80, $0x38;
	[tilespmem:$0x8600] =	vst v63  }
0x2a1: {  	s22 =	sadd.s32 $0x30, s0;
	s24 =	simm.s32 $0x8358  }
0x2a2: {  	[hbm4b:s22+s3] =	stream.linear.scatter [tilespmem:s24], [sflag:$0xC], $0x80, $0x38;
	[tilespmem:$0x8600] =	vst v63  }
0x2a3: {  	s7 =	sadd.s32 $0x1, s7;
	s29 =	sadd.s32 $0x40, s0;
	s31 =	simm.s32 $0x83E0  }
0x2a4: {  	[hbm4b:s29+s3] =	stream.linear.scatter [tilespmem:s31], [sflag:$0xC], $0x80, $0x38;
	[tilespmem:$0x8600] =	vst v63  }
0x2a5: {  	p0 =	sne.s32 s7, $0xC8;
	s15 =	sadd.s32 $0x50, s0;
	s22 =	simm.s32 $0x8468  }
0x2a6: {  	[hbm4b:s15+s3] =	stream.linear.scatter [tilespmem:s22], [sflag:$0xC], $0x80, $0x38;
	[tilespmem:$0x8600] =	vst v63  }
.Ltmp6:
0x2a7: {  	_ = 	snop;
	(pc) =	sbr.rel @p0 .LBB2_2-.Ltmp6, $4  }
0x2a8: {  	s24 =	sadd.s32 $0x60, s0;
	s29 =	simm.s32 $0x84F0  }
0x2a9: {  	[hbm4b:s24+s3] =	stream.linear.scatter [tilespmem:s29], [sflag:$0xC], $0x80, $0x38;
	[tilespmem:$0x8600] =	vst v63  }
0x2aa: {  	s0 =	sadd.s32 $0x70, s0;
	s31 =	simm.s32 $0x8578  }
0x2ab: {  	[hbm4b:s0+s3] =	stream.linear.scatter [tilespmem:s31], [sflag:$0xC], $0x80, $0x38;
	[tilespmem:$0x8600] =	vst v63  }
0x2ac: {  	s0 =	simm.s32 $0x9  }
0x2ad: {  	_ =	swait.ge [sflag:s0], $0x400  }
0x2ae: {  	[sflag:s0] =	ssyncset.done $0x0  }
0x2af: {  	[sflag:s0] =	ssyncadd.s32 $0xFFFFFC00  }
0x2b0: {  	_ =	swait.ge [sflag:s0], $0x400  }
0x2b1: {  	[sflag:s0] =	ssyncset.done $0x0  }
0x2b2: {  	[sflag:s0] =	ssyncadd.s32 $0xFFFFFC00  }
0x2b3: {  	_ =	swait.ge [sflag:s0], $0x400  }
0x2b4: {  	[sflag:s0] =	ssyncset.done $0x0  }
0x2b5: {  	[sflag:s0] =	ssyncadd.s32 $0xFFFFFC00  }
0x2b6: {  	_ =	swait.ge [sflag:s0], $0x400  }
0x2b7: {  	[sflag:s0] =	ssyncset.done $0x0  }
0x2b8: {  	s29 =	simm.s32 $0xA;
	[sflag:s0] =	ssyncadd.s32 $0xFFFFFC00  }
0x2b9: {  	_ =	swait.ge [sflag:s29], $0x400  }
0x2ba: {  	[sflag:s29] =	ssyncset.done $0x0  }
0x2bb: {  	[sflag:s29] =	ssyncadd.s32 $0xFFFFFC00  }
0x2bc: {  	_ =	swait.ge [sflag:s29], $0x400  }
0x2bd: {  	[sflag:s29] =	ssyncset.done $0x0  }
0x2be: {  	[sflag:s29] =	ssyncadd.s32 $0xFFFFFC00  }
0x2bf: {  	_ =	swait.ge [sflag:s29], $0x400  }
0x2c0: {  	[sflag:s29] =	ssyncset.done $0x0  }
0x2c1: {  	[sflag:s29] =	ssyncadd.s32 $0xFFFFFC00  }
0x2c2: {  	_ =	swait.ge [sflag:s29], $0x400  }
0x2c3: {  	[sflag:s29] =	ssyncset.done $0x0  }
0x2c4: {  	[sflag:s29] =	ssyncadd.s32 $0xFFFFFC00  }
0x2c5: {  	_ =	swait.ge [sflag:s25], $0x400  }
0x2c6: {  	[sflag:s25] =	ssyncset.done $0x0  }
0x2c7: {  	[sflag:s25] =	ssyncadd.s32 $0xFFFFFC00  }
0x2c8: {  	_ =	swait.ge [sflag:s25], $0x400  }
0x2c9: {  	[sflag:s25] =	ssyncset.done $0x0  }
0x2ca: {  	[sflag:s25] =	ssyncadd.s32 $0xFFFFFC00  }
0x2cb: {  	_ =	swait.ge [sflag:s25], $0x400  }
0x2cc: {  	[sflag:s25] =	ssyncset.done $0x0  }
0x2cd: {  	[sflag:s25] =	ssyncadd.s32 $0xFFFFFC00  }
0x2ce: {  	_ =	swait.ge [sflag:s25], $0x400  }
0x2cf: {  	[sflag:s25] =	ssyncset.done $0x0  }
0x2d0: {  	s1 =	simm.s32 $0xC;
	[sflag:s25] =	ssyncadd.s32 $0xFFFFFC00  }
0x2d1: {  	_ =	swait.ge [sflag:s1], $0x400  }
0x2d2: {  	[sflag:s1] =	ssyncset.done $0x0  }
0x2d3: {  	[sflag:s1] =	ssyncadd.s32 $0xFFFFFC00  }
0x2d4: {  	_ =	swait.ge [sflag:s1], $0x400  }
0x2d5: {  	[sflag:s1] =	ssyncset.done $0x0  }
0x2d6: {  	[sflag:s1] =	ssyncadd.s32 $0xFFFFFC00  }
0x2d7: {  	_ =	swait.ge [sflag:s1], $0x400  }
0x2d8: {  	[sflag:s1] =	ssyncset.done $0x0  }
0x2d9: {  	[sflag:s1] =	ssyncadd.s32 $0xFFFFFC00  }
0x2da: {  	_ =	swait.ge [sflag:s1], $0x400  }
0x2db: {  	s7 =	rddreg [dreg:$0xa]  }
0x2dc: {  	s31 =	rddreg [dreg:$0x9];
	s7 =	sadd.s32 $0x1, s7  }
0x2dd: {  	p0 =	sne.s32 s7, s31  }
.Ltmp7:
0x2de: {  	_ = 	snop;
	(pc) =	sbr.rel @p0 .LBB2_1-.Ltmp7, $3  }
0x2df: {  	_ =	sdelay $0x1  }
0x2e0: {  	[sflag:s1] =	ssyncset.done $0x0  }
0x2e1: {  	[sflag:s1] =	ssyncadd.s32 $0xFFFFFC00  }
0x2e2: {  	_ =	sfence.sel $0x180000  }
0x2e3: {  	[bflag:$0x0] =	sbarrier.arrive $0xFFFF  }
0x2e4: {  	_ =	strace $0x90000047  }
0x2e5: {  	s0 =	stileid.u32;
	[bflag:$0x2] =	sbarrier.arrive $0xFFFF  }
0x2e6: {  	p0 =	sne.s32 s0, $0x0;
	s0 =	rddreg [dreg:$0x2]  }
0x2e7: {  	s0 =	sadd.s32 @!p0 $0x100000, s0  }
0x2e8: {  	[sflag:s0] =	ssyncadd.tile.s32 @!p0 $0x1;
	_ =	shalt  }
.Lfunc_end2:
_tile_overlayer_lowered:
.L_overlay_start_2:
0x2e9: {  	(tag) =	ssettag $0x2  }
0x2ea: {  	s0 =	rddreg [dreg:$0x0];
	s2 =	stileid.u32  }
0x2eb: {  	s1 =	rddreg [dreg:$0x1];
	p0 =	sne.s32 s2, $0x0  }
0x2ec: {  	s3 =	rddreg [dreg:$0x2];
	[bflag:$0x3] =	sbarrier.arrive $0xFFFF;
	s2 =	simm.s32 @!p0 $0x1C0D  }
0x2ed: {  	[timem:s3], [sflag:s2] =	dma.local @!p0 [hbm:s0], s1  }
0x2ee: {  	s0 =	simm.s32 @!p0 $0xD  }
0x2ef: {  	_ =	swait.ge @!p0 [sflag:s0], s1  }
0x2f0: {  	s1 =	ssub.s32 @!p0 $0x0, s1;
	[sflag:s0] =	ssyncset.done @!p0 $0x0  }
0x2f1: {  	[sflag:s0] =	ssyncadd.s32 @!p0 s1  }
0x2f2: {  	[bflag:$0x3] =	sbarrier.arrive $0xFFFF  }
0x2f3: {  	_ =	shalt  }

</sc_bundles>
